<compile_context>
chip_gen: v7x
topology: tpu7x:2x2x1
jax: 0.10.2.dev20260603
libtpu: 0.0.44.dev20260713+nightly
codegen_flags: <defaults>
</compile_context>

<pallas_src>
import functools

import jax
import jax.numpy as jnp
from jax import lax
from jax.experimental import pallas as pl
from jax.experimental.pallas import tpu as pltpu
from jax.experimental.pallas import tpu_sc as plsc

N_NODES = 10000
D = 128
E = 320000
NC = 2
NS = 16
L = 16

B = 128
NBATCH = 80
E_TILE = B * NBATCH
E_PAD = E_TILE * NC * NS

ACC_ROWS = 10240
ROWS_PER_TILE = ACC_ROWS // NS


def _agg_body(x_hbm, src_hbm, dst_hbm, ew_hbm, out_hbm,
              src_v, dst_v, ew_v, rows_v, acc_sh, sem):
    c = lax.axis_index("c")
    s = lax.axis_index("s")
    wid = c * NS + s

    if True:
        zeros16 = jnp.zeros((L,), jnp.float32)

        def zrow(r, carry):
            for f in range(D // L):
                rows_v[r, pl.ds(f * L, L)] = zeros16
            return carry

        lax.fori_loop(0, B, zrow, 0)
        for k in range(ROWS_PER_TILE // B):
            pltpu.sync_copy(rows_v, acc_sh.at[pl.ds(s * ROWS_PER_TILE + k * B, B)])
        plsc.subcore_barrier()

        pltpu.sync_copy(src_hbm.at[wid], src_v)
        pltpu.sync_copy(dst_hbm.at[wid], dst_v)
        pltpu.sync_copy(ew_hbm.at[wid], ew_v)

        def body(b, carry):
            pltpu.async_copy(x_hbm.at[src_v.at[b]], rows_v, sem).wait()

            def mul_group(g, carry2):
                w_vreg = ew_v[b, pl.ds(g * L, L)]
                for j in range(L):
                    wb = w_vreg.at[jnp.full((L,), j, jnp.int32)].get(
                        mode="promise_in_bounds")
                    e = g * L + j
                    for f in range(D // L):
                        rows_v[e, pl.ds(f * L, L)] = (
                            rows_v[e, pl.ds(f * L, L)] * wb)
                return carry2

            lax.fori_loop(0, B // L, mul_group, 0)
            pltpu.sync_copy(rows_v, acc_sh.at[dst_v.at[b]], add=True)
            return carry

        lax.fori_loop(0, NBATCH, body, 0)
        plsc.subcore_barrier()

        @pl.when(s < NS - 1)
        def _full():
            pltpu.sync_copy(acc_sh.at[pl.ds(s * ROWS_PER_TILE, ROWS_PER_TILE)],
                            out_hbm.at[c, pl.ds(s * ROWS_PER_TILE, ROWS_PER_TILE)])

        @pl.when(s == NS - 1)
        def _tail():
            last = (NS - 1) * ROWS_PER_TILE
            pltpu.sync_copy(acc_sh.at[pl.ds(last, N_NODES - last)],
                            out_hbm.at[c, pl.ds(last, N_NODES - last)])

_agg = functools.partial(
    pl.kernel,
    out_type=jax.ShapeDtypeStruct((NC, N_NODES, D), jnp.float32),
    mesh=plsc.VectorSubcoreMesh(core_axis_name="c", subcore_axis_name="s"),
    scratch_types=[
        pltpu.VMEM((NBATCH, B), jnp.int32),
        pltpu.VMEM((NBATCH, B), jnp.int32),
        pltpu.VMEM((NBATCH, B), jnp.float32),
        pltpu.VMEM((B, D), jnp.float32),
        pltpu.VMEM_SHARED((ACC_ROWS, D), jnp.float32),
        pltpu.SemaphoreType.DMA,
    ],
)(_agg_body)


def _mm_body(p_ref, w_ref, b_ref, o_ref):
    acc = p_ref[0] + p_ref[1]
    o_ref[...] = (
        jnp.dot(acc, w_ref[...], preferred_element_type=jnp.float32)
        + b_ref[...]
    )


_MM_BLK = 1000

_mm = pl.pallas_call(
    _mm_body,
    grid=(N_NODES // _MM_BLK,),
    in_specs=[
        pl.BlockSpec((NC, _MM_BLK, D), lambda i: (0, i, 0)),
        pl.BlockSpec((D, D), lambda i: (0, 0)),
        pl.BlockSpec((1, D), lambda i: (0, 0)),
    ],
    out_specs=pl.BlockSpec((_MM_BLK, D), lambda i: (i, 0)),
    out_shape=jax.ShapeDtypeStruct((N_NODES, D), jnp.float32),
)


def kernel(input, edge_index, edge_weight, weight, bias):
    dst = edge_index[0]
    src = edge_index[1]
    pad = E_PAD - E
    src_p = jnp.pad(src, (0, pad)).reshape(NC * NS, NBATCH, B)
    dst_p = jnp.pad(dst, (0, pad)).reshape(NC * NS, NBATCH, B)
    ew_p = jnp.pad(edge_weight, (0, pad)).reshape(NC * NS, NBATCH, B)
    partials = _agg(input, src_p, dst_p, ew_p)
    return _mm(partials, weight, bias.reshape(1, D))

# --- scband reference (transcript-rebuilt; emitter-appended) ---
"""Pipeline reference for scband-graph-convolution-28991029248866 (READ-ONLY COPY).

The authoritative reference and input builder live on the scoring server;
editing this copy changes nothing except your own understanding.
"""

import jax, jax.numpy as jnp
import numpy as np
import math

N_NODES = 10000
N_EDGES = 320000
D_IN = 128
D_OUT = 128


def setup_inputs(seed: int = 0) -> dict:
    key = jax.random.key(seed)
    k_x, k_ei, k_ew, k_w = jax.random.split(key, 4)
    x = jax.random.normal(k_x, (N_NODES, D_IN), dtype=jnp.float32)
    edge_index = jax.random.randint(k_ei, (2, N_EDGES), 0, N_NODES, dtype=jnp.int32)
    edge_weight = jax.random.uniform(k_ew, (N_EDGES,), dtype=jnp.float32)
    # xavier_uniform_ init for weight, zeros for bias (matches reset_parameters)
    limit = math.sqrt(6.0 / (D_IN + D_OUT))
    weight = jax.random.uniform(k_w, (D_IN, D_OUT), dtype=jnp.float32, minval=-limit, maxval=limit)
    bias = jnp.zeros((D_OUT,), dtype=jnp.float32)
    return {"input": x, "edge_index": edge_index, "edge_weight": edge_weight, "weight": weight, "bias": bias}


def reference(input, edge_index, edge_weight, weight, bias):
    # support = input @ W  (torch.mm)
    support = input @ weight
    # output = spmm(adj, support): adj given in COO form (edge_index, edge_weight)
    # row i of output = sum_j adj[i, j] * support[j]
    src = edge_index[1]  # column index j (gather source)
    dst = edge_index[0]  # row index i (scatter destination)
    msgs = support[src] * edge_weight[:, None]
    output = jax.ops.segment_sum(msgs, dst, num_segments=N_NODES)
    output = output + bias
    return output

if __name__ == "__main__":
    import jax
    _d = setup_inputs()
    print(jax.jit(kernel)(*tuple(_d.values())))

</pallas_src>

<mosaic_0001>
#map = affine_map<(d0, d1) -> (0, 0)>
#map1 = affine_map<(d0, d1) -> (0, 0, 0)>
module attributes {stable_mosaic.version = 14 : i64} {
  func.func @_agg_body(%arg0: i32, %arg1: i32, %arg2: memref<10000x128xf32, #tpu.memory_space<hbm>>, %arg3: memref<32x80x128xi32, #tpu.memory_space<hbm>>, %arg4: memref<32x80x128xi32, #tpu.memory_space<hbm>>, %arg5: memref<32x80x128xf32, #tpu.memory_space<hbm>>, %arg6: memref<2x10000x128xf32, #tpu.memory_space<hbm>>, %arg7: memref<80x128xi32, #tpu.memory_space<vmem>>, %arg8: memref<80x128xi32, #tpu.memory_space<vmem>>, %arg9: memref<80x128xf32, #tpu.memory_space<vmem>>, %arg10: memref<128x128xf32, #tpu.memory_space<vmem>>, %arg11: memref<10240x128xf32, #tpu.memory_space<vmem_shared>>, %arg12: memref<!tpu.dma_semaphore, #tpu.memory_space<semaphore_mem>>) attributes {dimension_semantics = [#tpu.dimension_semantics<core_parallel>, #tpu.dimension_semantics<subcore_parallel>], iteration_bounds = array<i64: 2, 16>, scalar_prefetch = 0 : i64, scratch_operands = 6 : i64, tpu.core_type = #tpu.core_type<sc_vector_subcore>, window_params = [{transform_indices = #map}, {transform_indices = #map1}, {transform_indices = #map1}, {transform_indices = #map1}, {transform_indices = #map1}]} {
    %mul3A = arith.constant 16 : i32
    %mul3A_0 = arith.muli %arg0, %mul3A : i32
    %add3A = arith.addi %mul3A_0, %arg1 : i32
    %broadcast_in_dim3A = arith.constant 0.000000e+00 : f32
    %broadcast_in_dim3A_1 = vector.broadcast %broadcast_in_dim3A : f32 to vector<16xf32>
    %scan3A = arith.constant 0 : i32
    %scan3A_2 = arith.constant 0 : i32
    %scan3A_3 = arith.constant 128 : i32
    %scan3A_4 = arith.addi %scan3A_2, %scan3A_3 : i32
    %scan3A_5 = arith.constant 1 : i32
    scf.for %scan3A_40 = %scan3A_2 to %scan3A_4 step %scan3A_5  : i32 {
      %swap3A = arith.index_cast %scan3A_40 : i32 to index
      %swap3A_41 = arith.constant 0 : index
      %swap3A_42 = tpu.vector_load %arg10[%swap3A, %swap3A_41] {strides = array<i32>} : memref<128x128xf32, #tpu.memory_space<vmem>>, vector<1x16xf32>,
      %swap3A_43 = vector.shape_cast %swap3A_42 : vector<1x16xf32> to vector<16xf32>
      %swap3A_44 = vector.shape_cast %broadcast_in_dim3A_1 : vector<16xf32> to vector<1x16xf32>
      tpu.vector_store %arg10[%swap3A, %swap3A_41], %swap3A_44 {strides = array<i32>} : memref<128x128xf32, #tpu.memory_space<vmem>>, vector<1x16xf32>,
      %swap3A_45 = arith.index_cast %scan3A_40 : i32 to index
      %swap3A_46 = arith.constant 16 : index
      %swap3A_47 = tpu.vector_load %arg10[%swap3A_45, %swap3A_46] {strides = array<i32>} : memref<128x128xf32, #tpu.memory_space<vmem>>, vector<1x16xf32>,
      %swap3A_48 = vector.shape_cast %swap3A_47 : vector<1x16xf32> to vector<16xf32>
      %swap3A_49 = vector.shape_cast %broadcast_in_dim3A_1 : vector<16xf32> to vector<1x16xf32>
      tpu.vector_store %arg10[%swap3A_45, %swap3A_46], %swap3A_49 {strides = array<i32>} : memref<128x128xf32, #tpu.memory_space<vmem>>, vector<1x16xf32>,
      %swap3A_50 = arith.index_cast %scan3A_40 : i32 to index
      %swap3A_51 = arith.constant 32 : index
      %swap3A_52 = tpu.vector_load %arg10[%swap3A_50, %swap3A_51] {strides = array<i32>} : memref<128x128xf32, #tpu.memory_space<vmem>>, vector<1x16xf32>,
      %swap3A_53 = vector.shape_cast %swap3A_52 : vector<1x16xf32> to vector<16xf32>
      %swap3A_54 = vector.shape_cast %broadcast_in_dim3A_1 : vector<16xf32> to vector<1x16xf32>
      tpu.vector_store %arg10[%swap3A_50, %swap3A_51], %swap3A_54 {strides = array<i32>} : memref<128x128xf32, #tpu.memory_space<vmem>>, vector<1x16xf32>,
      %swap3A_55 = arith.index_cast %scan3A_40 : i32 to index
      %swap3A_56 = arith.constant 48 : index
      %swap3A_57 = tpu.vector_load %arg10[%swap3A_55, %swap3A_56] {strides = array<i32>} : memref<128x128xf32, #tpu.memory_space<vmem>>, vector<1x16xf32>,
      %swap3A_58 = vector.shape_cast %swap3A_57 : vector<1x16xf32> to vector<16xf32>
      %swap3A_59 = vector.shape_cast %broadcast_in_dim3A_1 : vector<16xf32> to vector<1x16xf32>
      tpu.vector_store %arg10[%swap3A_55, %swap3A_56], %swap3A_59 {strides = array<i32>} : memref<128x128xf32, #tpu.memory_space<vmem>>, vector<1x16xf32>,
      %swap3A_60 = arith.index_cast %scan3A_40 : i32 to index
      %swap3A_61 = arith.constant 64 : index
      %swap3A_62 = tpu.vector_load %arg10[%swap3A_60, %swap3A_61] {strides = array<i32>} : memref<128x128xf32, #tpu.memory_space<vmem>>, vector<1x16xf32>,
      %swap3A_63 = vector.shape_cast %swap3A_62 : vector<1x16xf32> to vector<16xf32>
      %swap3A_64 = vector.shape_cast %broadcast_in_dim3A_1 : vector<16xf32> to vector<1x16xf32>
      tpu.vector_store %arg10[%swap3A_60, %swap3A_61], %swap3A_64 {strides = array<i32>} : memref<128x128xf32, #tpu.memory_space<vmem>>, vector<1x16xf32>,
      %swap3A_65 = arith.index_cast %scan3A_40 : i32 to index
      %swap3A_66 = arith.constant 80 : index
      %swap3A_67 = tpu.vector_load %arg10[%swap3A_65, %swap3A_66] {strides = array<i32>} : memref<128x128xf32, #tpu.memory_space<vmem>>, vector<1x16xf32>,
      %swap3A_68 = vector.shape_cast %swap3A_67 : vector<1x16xf32> to vector<16xf32>
      %swap3A_69 = vector.shape_cast %broadcast_in_dim3A_1 : vector<16xf32> to vector<1x16xf32>
      tpu.vector_store %arg10[%swap3A_65, %swap3A_66], %swap3A_69 {strides = array<i32>} : memref<128x128xf32, #tpu.memory_space<vmem>>, vector<1x16xf32>,
      %swap3A_70 = arith.index_cast %scan3A_40 : i32 to index
      %swap3A_71 = arith.constant 96 : index
      %swap3A_72 = tpu.vector_load %arg10[%swap3A_70, %swap3A_71] {strides = array<i32>} : memref<128x128xf32, #tpu.memory_space<vmem>>, vector<1x16xf32>,
      %swap3A_73 = vector.shape_cast %swap3A_72 : vector<1x16xf32> to vector<16xf32>
      %swap3A_74 = vector.shape_cast %broadcast_in_dim3A_1 : vector<16xf32> to vector<1x16xf32>
      tpu.vector_store %arg10[%swap3A_70, %swap3A_71], %swap3A_74 {strides = array<i32>} : memref<128x128xf32, #tpu.memory_space<vmem>>, vector<1x16xf32>,
      %swap3A_75 = arith.index_cast %scan3A_40 : i32 to index
      %swap3A_76 = arith.constant 112 : index
      %swap3A_77 = tpu.vector_load %arg10[%swap3A_75, %swap3A_76] {strides = array<i32>} : memref<128x128xf32, #tpu.memory_space<vmem>>, vector<1x16xf32>,
      %swap3A_78 = vector.shape_cast %swap3A_77 : vector<1x16xf32> to vector<16xf32>
      %swap3A_79 = vector.shape_cast %broadcast_in_dim3A_1 : vector<16xf32> to vector<1x16xf32>
      tpu.vector_store %arg10[%swap3A_75, %swap3A_76], %swap3A_79 {strides = array<i32>} : memref<128x128xf32, #tpu.memory_space<vmem>>, vector<1x16xf32>,
    }
    %scan3A_6 = arith.constant 128 : i32
    %mul3A_7 = arith.constant 640 : i32
    %mul3A_8 = arith.muli %arg1, %mul3A_7 : i32
    %add3A_9 = arith.constant 0 : i32
    %add3A_10 = arith.addi %mul3A_8, %add3A_9 : i32
    "tpu.region"() ({
      %run_scoped3A = tpu.sem_alloc : memref<!tpu.dma_semaphore, #tpu.memory_space<semaphore_mem>>
      %dma_start3A = arith.constant 0 : i32
      %dma_start3A_40 = tpu.memref_slice %arg11[%add3A_10, %dma_start3A] : memref<10240x128xf32, #tpu.memory_space<vmem_shared>> -> memref<128x128xf32, #tpu.memory_space<vmem_shared>>
      %dma_start3A_41 = arith.constant 0 : i32
      %dma_start3A_42 = tpu.memref_slice %arg11[%add3A_10, %dma_start3A_41] : memref<10240x128xf32, #tpu.memory_space<vmem_shared>> -> memref<128x128xf32, #tpu.memory_space<vmem_shared>>
      tpu.enqueue_dma source(%arg10 : memref<128x128xf32, #tpu.memory_space<vmem>>) target(%dma_start3A_42 : memref<128x128xf32, #tpu.memory_space<vmem_shared>>) target_semaphore(%run_scoped3A : memref<!tpu.dma_semaphore, #tpu.memory_space<semaphore_mem>>)
      %dma_wait3A = arith.constant 0 : i32
      %dma_wait3A_43 = tpu.memref_slice %arg11[%add3A_10, %dma_wait3A] : memref<10240x128xf32, #tpu.memory_space<vmem_shared>> -> memref<128x128xf32, #tpu.memory_space<vmem_shared>>
      %dma_wait3A_44 = arith.constant 0 : i32
      %dma_wait3A_45 = tpu.memref_slice %arg11[%add3A_10, %dma_wait3A_44] : memref<10240x128xf32, #tpu.memory_space<vmem_shared>> -> memref<128x128xf32, #tpu.memory_space<vmem_shared>>
      tpu.wait_dma2 semaphore(%run_scoped3A : memref<!tpu.dma_semaphore, #tpu.memory_space<semaphore_mem>>) src(%arg10 : memref<128x128xf32, #tpu.memory_space<vmem>>) dst(%dma_wait3A_45 : memref<128x128xf32, #tpu.memory_space<vmem_shared>>)
      tpu.yield
    }) : () -> ()
    %mul3A_11 = arith.constant 640 : i32
    %mul3A_12 = arith.muli %arg1, %mul3A_11 : i32
    %add3A_13 = arith.constant 128 : i32
    %add3A_14 = arith.addi %mul3A_12, %add3A_13 : i32
    "tpu.region"() ({
      %run_scoped3A = tpu.sem_alloc : memref<!tpu.dma_semaphore, #tpu.memory_space<semaphore_mem>>
      %dma_start3A = arith.constant 0 : i32
      %dma_start3A_40 = tpu.memref_slice %arg11[%add3A_14, %dma_start3A] : memref<10240x128xf32, #tpu.memory_space<vmem_shared>> -> memref<128x128xf32, #tpu.memory_space<vmem_shared>>
      %dma_start3A_41 = arith.constant 0 : i32
      %dma_start3A_42 = tpu.memref_slice %arg11[%add3A_14, %dma_start3A_41] : memref<10240x128xf32, #tpu.memory_space<vmem_shared>> -> memref<128x128xf32, #tpu.memory_space<vmem_shared>>
      tpu.enqueue_dma source(%arg10 : memref<128x128xf32, #tpu.memory_space<vmem>>) target(%dma_start3A_42 : memref<128x128xf32, #tpu.memory_space<vmem_shared>>) target_semaphore(%run_scoped3A : memref<!tpu.dma_semaphore, #tpu.memory_space<semaphore_mem>>)
      %dma_wait3A = arith.constant 0 : i32
      %dma_wait3A_43 = tpu.memref_slice %arg11[%add3A_14, %dma_wait3A] : memref<10240x128xf32, #tpu.memory_space<vmem_shared>> -> memref<128x128xf32, #tpu.memory_space<vmem_shared>>
      %dma_wait3A_44 = arith.constant 0 : i32
      %dma_wait3A_45 = tpu.memref_slice %arg11[%add3A_14, %dma_wait3A_44] : memref<10240x128xf32, #tpu.memory_space<vmem_shared>> -> memref<128x128xf32, #tpu.memory_space<vmem_shared>>
      tpu.wait_dma2 semaphore(%run_scoped3A : memref<!tpu.dma_semaphore, #tpu.memory_space<semaphore_mem>>) src(%arg10 : memref<128x128xf32, #tpu.memory_space<vmem>>) dst(%dma_wait3A_45 : memref<128x128xf32, #tpu.memory_space<vmem_shared>>)
      tpu.yield
    }) : () -> ()
    %mul3A_15 = arith.constant 640 : i32
    %mul3A_16 = arith.muli %arg1, %mul3A_15 : i32
    %add3A_17 = arith.constant 256 : i32
    %add3A_18 = arith.addi %mul3A_16, %add3A_17 : i32
    "tpu.region"() ({
      %run_scoped3A = tpu.sem_alloc : memref<!tpu.dma_semaphore, #tpu.memory_space<semaphore_mem>>
      %dma_start3A = arith.constant 0 : i32
      %dma_start3A_40 = tpu.memref_slice %arg11[%add3A_18, %dma_start3A] : memref<10240x128xf32, #tpu.memory_space<vmem_shared>> -> memref<128x128xf32, #tpu.memory_space<vmem_shared>>
      %dma_start3A_41 = arith.constant 0 : i32
      %dma_start3A_42 = tpu.memref_slice %arg11[%add3A_18, %dma_start3A_41] : memref<10240x128xf32, #tpu.memory_space<vmem_shared>> -> memref<128x128xf32, #tpu.memory_space<vmem_shared>>
      tpu.enqueue_dma source(%arg10 : memref<128x128xf32, #tpu.memory_space<vmem>>) target(%dma_start3A_42 : memref<128x128xf32, #tpu.memory_space<vmem_shared>>) target_semaphore(%run_scoped3A : memref<!tpu.dma_semaphore, #tpu.memory_space<semaphore_mem>>)
      %dma_wait3A = arith.constant 0 : i32
      %dma_wait3A_43 = tpu.memref_slice %arg11[%add3A_18, %dma_wait3A] : memref<10240x128xf32, #tpu.memory_space<vmem_shared>> -> memref<128x128xf32, #tpu.memory_space<vmem_shared>>
      %dma_wait3A_44 = arith.constant 0 : i32
      %dma_wait3A_45 = tpu.memref_slice %arg11[%add3A_18, %dma_wait3A_44] : memref<10240x128xf32, #tpu.memory_space<vmem_shared>> -> memref<128x128xf32, #tpu.memory_space<vmem_shared>>
      tpu.wait_dma2 semaphore(%run_scoped3A : memref<!tpu.dma_semaphore, #tpu.memory_space<semaphore_mem>>) src(%arg10 : memref<128x128xf32, #tpu.memory_space<vmem>>) dst(%dma_wait3A_45 : memref<128x128xf32, #tpu.memory_space<vmem_shared>>)
      tpu.yield
    }) : () -> ()
    %mul3A_19 = arith.constant 640 : i32
    %mul3A_20 = arith.muli %arg1, %mul3A_19 : i32
    %add3A_21 = arith.constant 384 : i32
    %add3A_22 = arith.addi %mul3A_20, %add3A_21 : i32
    "tpu.region"() ({
      %run_scoped3A = tpu.sem_alloc : memref<!tpu.dma_semaphore, #tpu.memory_space<semaphore_mem>>
      %dma_start3A = arith.constant 0 : i32
      %dma_start3A_40 = tpu.memref_slice %arg11[%add3A_22, %dma_start3A] : memref<10240x128xf32, #tpu.memory_space<vmem_shared>> -> memref<128x128xf32, #tpu.memory_space<vmem_shared>>
      %dma_start3A_41 = arith.constant 0 : i32
      %dma_start3A_42 = tpu.memref_slice %arg11[%add3A_22, %dma_start3A_41] : memref<10240x128xf32, #tpu.memory_space<vmem_shared>> -> memref<128x128xf32, #tpu.memory_space<vmem_shared>>
      tpu.enqueue_dma source(%arg10 : memref<128x128xf32, #tpu.memory_space<vmem>>) target(%dma_start3A_42 : memref<128x128xf32, #tpu.memory_space<vmem_shared>>) target_semaphore(%run_scoped3A : memref<!tpu.dma_semaphore, #tpu.memory_space<semaphore_mem>>)
      %dma_wait3A = arith.constant 0 : i32
      %dma_wait3A_43 = tpu.memref_slice %arg11[%add3A_22, %dma_wait3A] : memref<10240x128xf32, #tpu.memory_space<vmem_shared>> -> memref<128x128xf32, #tpu.memory_space<vmem_shared>>
      %dma_wait3A_44 = arith.constant 0 : i32
      %dma_wait3A_45 = tpu.memref_slice %arg11[%add3A_22, %dma_wait3A_44] : memref<10240x128xf32, #tpu.memory_space<vmem_shared>> -> memref<128x128xf32, #tpu.memory_space<vmem_shared>>
      tpu.wait_dma2 semaphore(%run_scoped3A : memref<!tpu.dma_semaphore, #tpu.memory_space<semaphore_mem>>) src(%arg10 : memref<128x128xf32, #tpu.memory_space<vmem>>) dst(%dma_wait3A_45 : memref<128x128xf32, #tpu.memory_space<vmem_shared>>)
      tpu.yield
    }) : () -> ()
    %mul3A_23 = arith.constant 640 : i32
    %mul3A_24 = arith.muli %arg1, %mul3A_23 : i32
    %add3A_25 = arith.constant 512 : i32
    %add3A_26 = arith.addi %mul3A_24, %add3A_25 : i32
    "tpu.region"() ({
      %run_scoped3A = tpu.sem_alloc : memref<!tpu.dma_semaphore, #tpu.memory_space<semaphore_mem>>
      %dma_start3A = arith.constant 0 : i32
      %dma_start3A_40 = tpu.memref_slice %arg11[%add3A_26, %dma_start3A] : memref<10240x128xf32, #tpu.memory_space<vmem_shared>> -> memref<128x128xf32, #tpu.memory_space<vmem_shared>>
      %dma_start3A_41 = arith.constant 0 : i32
      %dma_start3A_42 = tpu.memref_slice %arg11[%add3A_26, %dma_start3A_41] : memref<10240x128xf32, #tpu.memory_space<vmem_shared>> -> memref<128x128xf32, #tpu.memory_space<vmem_shared>>
      tpu.enqueue_dma source(%arg10 : memref<128x128xf32, #tpu.memory_space<vmem>>) target(%dma_start3A_42 : memref<128x128xf32, #tpu.memory_space<vmem_shared>>) target_semaphore(%run_scoped3A : memref<!tpu.dma_semaphore, #tpu.memory_space<semaphore_mem>>)
      %dma_wait3A = arith.constant 0 : i32
      %dma_wait3A_43 = tpu.memref_slice %arg11[%add3A_26, %dma_wait3A] : memref<10240x128xf32, #tpu.memory_space<vmem_shared>> -> memref<128x128xf32, #tpu.memory_space<vmem_shared>>
      %dma_wait3A_44 = arith.constant 0 : i32
      %dma_wait3A_45 = tpu.memref_slice %arg11[%add3A_26, %dma_wait3A_44] : memref<10240x128xf32, #tpu.memory_space<vmem_shared>> -> memref<128x128xf32, #tpu.memory_space<vmem_shared>>
      tpu.wait_dma2 semaphore(%run_scoped3A : memref<!tpu.dma_semaphore, #tpu.memory_space<semaphore_mem>>) src(%arg10 : memref<128x128xf32, #tpu.memory_space<vmem>>) dst(%dma_wait3A_45 : memref<128x128xf32, #tpu.memory_space<vmem_shared>>)
      tpu.yield
    }) : () -> ()
    %barrier3A = arith.constant 0 : index
    tpu.barrier barrier_id(%barrier3A)
    "tpu.region"() ({
      %run_scoped3A = tpu.sem_alloc : memref<!tpu.dma_semaphore, #tpu.memory_space<semaphore_mem>>
      %dma_start3A = arith.constant 0 : i32
      %dma_start3A_40 = arith.constant 0 : i32
      %dma_start3A_41 = tpu.memref_slice %arg3[%add3A, %dma_start3A, %dma_start3A_40] : memref<32x80x128xi32, #tpu.memory_space<hbm>> -> memref<1x80x128xi32, #tpu.memory_space<hbm>>
      %dma_start3A_42 = tpu.memref_squeeze %dma_start3A_41 : memref<1x80x128xi32, #tpu.memory_space<hbm>> -> memref<80x128xi32, #tpu.memory_space<hbm>>
      %dma_start3A_43 = arith.constant 0 : i32
      %dma_start3A_44 = arith.constant 0 : i32
      %dma_start3A_45 = tpu.memref_slice %arg3[%add3A, %dma_start3A_43, %dma_start3A_44] : memref<32x80x128xi32, #tpu.memory_space<hbm>> -> memref<1x80x128xi32, #tpu.memory_space<hbm>>
      %dma_start3A_46 = tpu.memref_squeeze %dma_start3A_45 : memref<1x80x128xi32, #tpu.memory_space<hbm>> -> memref<80x128xi32, #tpu.memory_space<hbm>>
      tpu.enqueue_dma source(%dma_start3A_46 : memref<80x128xi32, #tpu.memory_space<hbm>>) target(%arg7 : memref<80x128xi32, #tpu.memory_space<vmem>>) target_semaphore(%run_scoped3A : memref<!tpu.dma_semaphore, #tpu.memory_space<semaphore_mem>>)
      %dma_wait3A = arith.constant 0 : i32
      %dma_wait3A_47 = arith.constant 0 : i32
      %dma_wait3A_48 = tpu.memref_slice %arg3[%add3A, %dma_wait3A, %dma_wait3A_47] : memref<32x80x128xi32, #tpu.memory_space<hbm>> -> memref<1x80x128xi32, #tpu.memory_space<hbm>>
      %dma_wait3A_49 = tpu.memref_squeeze %dma_wait3A_48 : memref<1x80x128xi32, #tpu.memory_space<hbm>> -> memref<80x128xi32, #tpu.memory_space<hbm>>
      %dma_wait3A_50 = arith.constant 0 : i32
      %dma_wait3A_51 = arith.constant 0 : i32
      %dma_wait3A_52 = tpu.memref_slice %arg3[%add3A, %dma_wait3A_50, %dma_wait3A_51] : memref<32x80x128xi32, #tpu.memory_space<hbm>> -> memref<1x80x128xi32, #tpu.memory_space<hbm>>
      %dma_wait3A_53 = tpu.memref_squeeze %dma_wait3A_52 : memref<1x80x128xi32, #tpu.memory_space<hbm>> -> memref<80x128xi32, #tpu.memory_space<hbm>>
      tpu.wait_dma2 semaphore(%run_scoped3A : memref<!tpu.dma_semaphore, #tpu.memory_space<semaphore_mem>>) src(%dma_wait3A_53 : memref<80x128xi32, #tpu.memory_space<hbm>>) dst(%arg7 : memref<80x128xi32, #tpu.memory_space<vmem>>)
      tpu.yield
    }) : () -> ()
    "tpu.region"() ({
      %run_scoped3A = tpu.sem_alloc : memref<!tpu.dma_semaphore, #tpu.memory_space<semaphore_mem>>
      %dma_start3A = arith.constant 0 : i32
      %dma_start3A_40 = arith.constant 0 : i32
      %dma_start3A_41 = tpu.memref_slice %arg4[%add3A, %dma_start3A, %dma_start3A_40] : memref<32x80x128xi32, #tpu.memory_space<hbm>> -> memref<1x80x128xi32, #tpu.memory_space<hbm>>
      %dma_start3A_42 = tpu.memref_squeeze %dma_start3A_41 : memref<1x80x128xi32, #tpu.memory_space<hbm>> -> memref<80x128xi32, #tpu.memory_space<hbm>>
      %dma_start3A_43 = arith.constant 0 : i32
      %dma_start3A_44 = arith.constant 0 : i32
      %dma_start3A_45 = tpu.memref_slice %arg4[%add3A, %dma_start3A_43, %dma_start3A_44] : memref<32x80x128xi32, #tpu.memory_space<hbm>> -> memref<1x80x128xi32, #tpu.memory_space<hbm>>
      %dma_start3A_46 = tpu.memref_squeeze %dma_start3A_45 : memref<1x80x128xi32, #tpu.memory_space<hbm>> -> memref<80x128xi32, #tpu.memory_space<hbm>>
      tpu.enqueue_dma source(%dma_start3A_46 : memref<80x128xi32, #tpu.memory_space<hbm>>) target(%arg8 : memref<80x128xi32, #tpu.memory_space<vmem>>) target_semaphore(%run_scoped3A : memref<!tpu.dma_semaphore, #tpu.memory_space<semaphore_mem>>)
      %dma_wait3A = arith.constant 0 : i32
      %dma_wait3A_47 = arith.constant 0 : i32
      %dma_wait3A_48 = tpu.memref_slice %arg4[%add3A, %dma_wait3A, %dma_wait3A_47] : memref<32x80x128xi32, #tpu.memory_space<hbm>> -> memref<1x80x128xi32, #tpu.memory_space<hbm>>
      %dma_wait3A_49 = tpu.memref_squeeze %dma_wait3A_48 : memref<1x80x128xi32, #tpu.memory_space<hbm>> -> memref<80x128xi32, #tpu.memory_space<hbm>>
      %dma_wait3A_50 = arith.constant 0 : i32
      %dma_wait3A_51 = arith.constant 0 : i32
      %dma_wait3A_52 = tpu.memref_slice %arg4[%add3A, %dma_wait3A_50, %dma_wait3A_51] : memref<32x80x128xi32, #tpu.memory_space<hbm>> -> memref<1x80x128xi32, #tpu.memory_space<hbm>>
      %dma_wait3A_53 = tpu.memref_squeeze %dma_wait3A_52 : memref<1x80x128xi32, #tpu.memory_space<hbm>> -> memref<80x128xi32, #tpu.memory_space<hbm>>
      tpu.wait_dma2 semaphore(%run_scoped3A : memref<!tpu.dma_semaphore, #tpu.memory_space<semaphore_mem>>) src(%dma_wait3A_53 : memref<80x128xi32, #tpu.memory_space<hbm>>) dst(%arg8 : memref<80x128xi32, #tpu.memory_space<vmem>>)
      tpu.yield
    }) : () -> ()
    "tpu.region"() ({
      %run_scoped3A = tpu.sem_alloc : memref<!tpu.dma_semaphore, #tpu.memory_space<semaphore_mem>>
      %dma_start3A = arith.constant 0 : i32
      %dma_start3A_40 = arith.constant 0 : i32
      %dma_start3A_41 = tpu.memref_slice %arg5[%add3A, %dma_start3A, %dma_start3A_40] : memref<32x80x128xf32, #tpu.memory_space<hbm>> -> memref<1x80x128xf32, #tpu.memory_space<hbm>>
      %dma_start3A_42 = tpu.memref_squeeze %dma_start3A_41 : memref<1x80x128xf32, #tpu.memory_space<hbm>> -> memref<80x128xf32, #tpu.memory_space<hbm>>
      %dma_start3A_43 = arith.constant 0 : i32
      %dma_start3A_44 = arith.constant 0 : i32
      %dma_start3A_45 = tpu.memref_slice %arg5[%add3A, %dma_start3A_43, %dma_start3A_44] : memref<32x80x128xf32, #tpu.memory_space<hbm>> -> memref<1x80x128xf32, #tpu.memory_space<hbm>>
      %dma_start3A_46 = tpu.memref_squeeze %dma_start3A_45 : memref<1x80x128xf32, #tpu.memory_space<hbm>> -> memref<80x128xf32, #tpu.memory_space<hbm>>
      tpu.enqueue_dma source(%dma_start3A_46 : memref<80x128xf32, #tpu.memory_space<hbm>>) target(%arg9 : memref<80x128xf32, #tpu.memory_space<vmem>>) target_semaphore(%run_scoped3A : memref<!tpu.dma_semaphore, #tpu.memory_space<semaphore_mem>>)
      %dma_wait3A = arith.constant 0 : i32
      %dma_wait3A_47 = arith.constant 0 : i32
      %dma_wait3A_48 = tpu.memref_slice %arg5[%add3A, %dma_wait3A, %dma_wait3A_47] : memref<32x80x128xf32, #tpu.memory_space<hbm>> -> memref<1x80x128xf32, #tpu.memory_space<hbm>>
      %dma_wait3A_49 = tpu.memref_squeeze %dma_wait3A_48 : memref<1x80x128xf32, #tpu.memory_space<hbm>> -> memref<80x128xf32, #tpu.memory_space<hbm>>
      %dma_wait3A_50 = arith.constant 0 : i32
      %dma_wait3A_51 = arith.constant 0 : i32
      %dma_wait3A_52 = tpu.memref_slice %arg5[%add3A, %dma_wait3A_50, %dma_wait3A_51] : memref<32x80x128xf32, #tpu.memory_space<hbm>> -> memref<1x80x128xf32, #tpu.memory_space<hbm>>
      %dma_wait3A_53 = tpu.memref_squeeze %dma_wait3A_52 : memref<1x80x128xf32, #tpu.memory_space<hbm>> -> memref<80x128xf32, #tpu.memory_space<hbm>>
      tpu.wait_dma2 semaphore(%run_scoped3A : memref<!tpu.dma_semaphore, #tpu.memory_space<semaphore_mem>>) src(%dma_wait3A_53 : memref<80x128xf32, #tpu.memory_space<hbm>>) dst(%arg9 : memref<80x128xf32, #tpu.memory_space<vmem>>)
      tpu.yield
    }) : () -> ()
    %scan3A_27 = arith.constant 0 : i32
    %scan3A_28 = arith.constant 0 : i32
    %scan3A_29 = arith.constant 80 : i32
    %scan3A_30 = arith.addi %scan3A_28, %scan3A_29 : i32
    %scan3A_31 = arith.constant 1 : i32
    scf.for %scan3A_40 = %scan3A_28 to %scan3A_30 step %scan3A_31  : i32 {
      %dma_start3A = arith.constant 0 : i32
      %dma_start3A_41 = tpu.memref_slice %arg7[%scan3A_40, %dma_start3A] : memref<80x128xi32, #tpu.memory_space<vmem>> -> memref<1x128xi32, #tpu.memory_space<vmem>>
      %dma_start3A_42 = tpu.memref_squeeze %dma_start3A_41 : memref<1x128xi32, #tpu.memory_space<vmem>> -> memref<128xi32, #tpu.memory_space<vmem>>
      %dma_start3A_43 = arith.constant 0 : i32
      %dma_start3A_44 = arith.constant 0 : i32
      %dma_start3A_45 = tpu.memref_slice %arg2[%dma_start3A_43, %dma_start3A_44] : memref<10000x128xf32, #tpu.memory_space<hbm>> -> memref<10000x128xf32, #tpu.memory_space<hbm>>
      tpu.enqueue_indirect_dma source(%dma_start3A_45 : memref<10000x128xf32, #tpu.memory_space<hbm>>) target(%arg10 : memref<128x128xf32, #tpu.memory_space<vmem>>) offsets(%dma_start3A_42 : memref<128xi32, #tpu.memory_space<vmem>>) semaphore(%arg12 : memref<!tpu.dma_semaphore, #tpu.memory_space<semaphore_mem>>)
      %dma_wait3A = arith.constant 0 : i32
      %dma_wait3A_46 = tpu.memref_slice %arg7[%scan3A_40, %dma_wait3A] : memref<80x128xi32, #tpu.memory_space<vmem>> -> memref<1x128xi32, #tpu.memory_space<vmem>>
      %dma_wait3A_47 = tpu.memref_squeeze %dma_wait3A_46 : memref<1x128xi32, #tpu.memory_space<vmem>> -> memref<128xi32, #tpu.memory_space<vmem>>
      %dma_wait3A_48 = arith.constant 0 : i32
      %dma_wait3A_49 = arith.constant 0 : i32
      %dma_wait3A_50 = tpu.memref_slice %arg2[%dma_wait3A_48, %dma_wait3A_49] : memref<10000x128xf32, #tpu.memory_space<hbm>> -> memref<10000x128xf32, #tpu.memory_space<hbm>>
      tpu.wait_indirect_dma semaphore(%arg12 : memref<!tpu.dma_semaphore, #tpu.memory_space<semaphore_mem>>) src(%dma_wait3A_50 : memref<10000x128xf32, #tpu.memory_space<hbm>>) dst(%arg10 : memref<128x128xf32, #tpu.memory_space<vmem>>)
      %scan3A_51 = arith.constant 0 : i32
      %scan3A_52 = arith.constant 0 : i32
      %scan3A_53 = arith.constant 8 : i32
      %scan3A_54 = arith.addi %scan3A_52, %scan3A_53 : i32
      %scan3A_55 = arith.constant 1 : i32
      scf.for %scan3A_57 = %scan3A_52 to %scan3A_54 step %scan3A_55  : i32 {
        %mul3A_58 = arith.constant 16 : i32
        %mul3A_59 = arith.muli %scan3A_57, %mul3A_58 : i32
        %get3A = arith.index_cast %scan3A_40 : i32 to index
        %get3A_60 = arith.index_cast %mul3A_59 : i32 to index
        %get3A_61 = tpu.vector_load %arg9[%get3A, %get3A_60] {strides = array<i32>} : memref<80x128xf32, #tpu.memory_space<vmem>>, vector<1x16xf32>,
        %get3A_62 = vector.shape_cast %get3A_61 : vector<1x16xf32> to vector<16xf32>
        %broadcast_in_dim3A_63 = arith.constant 0 : i32
        %broadcast_in_dim3A_64 = vector.broadcast %broadcast_in_dim3A_63 : i32 to vector<16xi32>
        %lt3A_65 = arith.constant 0 : i32
        %lt3A_66 = vector.broadcast %lt3A_65 : i32 to vector<16xi32>
        %lt3A_67 = arith.cmpi slt, %broadcast_in_dim3A_64, %lt3A_66 : vector<16xi32>
        %add3A_68 = arith.constant 16 : i32
        %add3A_69 = vector.broadcast %add3A_68 : i32 to vector<16xi32>
        %add3A_70 = arith.addi %broadcast_in_dim3A_64, %add3A_69 : vector<16xi32>
        %select_n3A = arith.select %lt3A_67, %add3A_70, %broadcast_in_dim3A_64 : vector<16xi1>, vector<16xi32>
        %broadcast_in_dim3A_71 = vector.shape_cast %select_n3A : vector<16xi32> to vector<16x1xi32>
        %gather3A = vector.shape_cast %broadcast_in_dim3A_71 : vector<16x1xi32> to vector<16xi32>
        %gather3A_72 = tpu.dynamic_gather %get3A_62[%gather3A] in [0] : vector<16xf32>, vector<16xi32> -> vector<16xf32>
        %mul3A_73 = arith.constant 16 : i32
        %mul3A_74 = arith.muli %scan3A_57, %mul3A_73 : i32
        %add3A_75 = arith.constant 0 : i32
        %add3A_76 = arith.addi %mul3A_74, %add3A_75 : i32
        %get3A_77 = arith.index_cast %add3A_76 : i32 to index
        %get3A_78 = arith.constant 0 : index
        %get3A_79 = tpu.vector_load %arg10[%get3A_77, %get3A_78] {strides = array<i32>} : memref<128x128xf32, #tpu.memory_space<vmem>>, vector<1x16xf32>,
        %get3A_80 = vector.shape_cast %get3A_79 : vector<1x16xf32> to vector<16xf32>
        %mul3A_81 = arith.mulf %get3A_80, %gather3A_72 : vector<16xf32>
        %swap3A = arith.index_cast %add3A_76 : i32 to index
        %swap3A_82 = arith.constant 0 : index
        %swap3A_83 = tpu.vector_load %arg10[%swap3A, %swap3A_82] {strides = array<i32>} : memref<128x128xf32, #tpu.memory_space<vmem>>, vector<1x16xf32>,
        %swap3A_84 = vector.shape_cast %swap3A_83 : vector<1x16xf32> to vector<16xf32>
        %swap3A_85 = vector.shape_cast %mul3A_81 : vector<16xf32> to vector<1x16xf32>
        tpu.vector_store %arg10[%swap3A, %swap3A_82], %swap3A_85 {strides = array<i32>} : memref<128x128xf32, #tpu.memory_space<vmem>>, vector<1x16xf32>,
        %get3A_86 = arith.index_cast %add3A_76 : i32 to index
        %get3A_87 = arith.constant 16 : index
        %get3A_88 = tpu.vector_load %arg10[%get3A_86, %get3A_87] {strides = array<i32>} : memref<128x128xf32, #tpu.memory_space<vmem>>, vector<1x16xf32>,
        %get3A_89 = vector.shape_cast %get3A_88 : vector<1x16xf32> to vector<16xf32>
        %mul3A_90 = arith.mulf %get3A_89, %gather3A_72 : vector<16xf32>
        %swap3A_91 = arith.index_cast %add3A_76 : i32 to index
        %swap3A_92 = arith.constant 16 : index
        %swap3A_93 = tpu.vector_load %arg10[%swap3A_91, %swap3A_92] {strides = array<i32>} : memref<128x128xf32, #tpu.memory_space<vmem>>, vector<1x16xf32>,
        %swap3A_94 = vector.shape_cast %swap3A_93 : vector<1x16xf32> to vector<16xf32>
        %swap3A_95 = vector.shape_cast %mul3A_90 : vector<16xf32> to vector<1x16xf32>
        tpu.vector_store %arg10[%swap3A_91, %swap3A_92], %swap3A_95 {strides = array<i32>} : memref<128x128xf32, #tpu.memory_space<vmem>>, vector<1x16xf32>,
        %get3A_96 = arith.index_cast %add3A_76 : i32 to index
        %get3A_97 = arith.constant 32 : index
        %get3A_98 = tpu.vector_load %arg10[%get3A_96, %get3A_97] {strides = array<i32>} : memref<128x128xf32, #tpu.memory_space<vmem>>, vector<1x16xf32>,
        %get3A_99 = vector.shape_cast %get3A_98 : vector<1x16xf32> to vector<16xf32>
        %mul3A_100 = arith.mulf %get3A_99, %gather3A_72 : vector<16xf32>
        %swap3A_101 = arith.index_cast %add3A_76 : i32 to index
        %swap3A_102 = arith.constant 32 : index
        %swap3A_103 = tpu.vector_load %arg10[%swap3A_101, %swap3A_102] {strides = array<i32>} : memref<128x128xf32, #tpu.memory_space<vmem>>, vector<1x16xf32>,
        %swap3A_104 = vector.shape_cast %swap3A_103 : vector<1x16xf32> to vector<16xf32>
        %swap3A_105 = vector.shape_cast %mul3A_100 : vector<16xf32> to vector<1x16xf32>
        tpu.vector_store %arg10[%swap3A_101, %swap3A_102], %swap3A_105 {strides = array<i32>} : memref<128x128xf32, #tpu.memory_space<vmem>>, vector<1x16xf32>,
        %get3A_106 = arith.index_cast %add3A_76 : i32 to index
        %get3A_107 = arith.constant 48 : index
        %get3A_108 = tpu.vector_load %arg10[%get3A_106, %get3A_107] {strides = array<i32>} : memref<128x128xf32, #tpu.memory_space<vmem>>, vector<1x16xf32>,
        %get3A_109 = vector.shape_cast %get3A_108 : vector<1x16xf32> to vector<16xf32>
        %mul3A_110 = arith.mulf %get3A_109, %gather3A_72 : vector<16xf32>
        %swap3A_111 = arith.index_cast %add3A_76 : i32 to index
        %swap3A_112 = arith.constant 48 : index
        %swap3A_113 = tpu.vector_load %arg10[%swap3A_111, %swap3A_112] {strides = array<i32>} : memref<128x128xf32, #tpu.memory_space<vmem>>, vector<1x16xf32>,
        %swap3A_114 = vector.shape_cast %swap3A_113 : vector<1x16xf32> to vector<16xf32>
        %swap3A_115 = vector.shape_cast %mul3A_110 : vector<16xf32> to vector<1x16xf32>
        tpu.vector_store %arg10[%swap3A_111, %swap3A_112], %swap3A_115 {strides = array<i32>} : memref<128x128xf32, #tpu.memory_space<vmem>>, vector<1x16xf32>,
        %get3A_116 = arith.index_cast %add3A_76 : i32 to index
        %get3A_117 = arith.constant 64 : index
        %get3A_118 = tpu.vector_load %arg10[%get3A_116, %get3A_117] {strides = array<i32>} : memref<128x128xf32, #tpu.memory_space<vmem>>, vector<1x16xf32>,
        %get3A_119 = vector.shape_cast %get3A_118 : vector<1x16xf32> to vector<16xf32>
        %mul3A_120 = arith.mulf %get3A_119, %gather3A_72 : vector<16xf32>
        %swap3A_121 = arith.index_cast %add3A_76 : i32 to index
        %swap3A_122 = arith.constant 64 : index
        %swap3A_123 = tpu.vector_load %arg10[%swap3A_121, %swap3A_122] {strides = array<i32>} : memref<128x128xf32, #tpu.memory_space<vmem>>, vector<1x16xf32>,
        %swap3A_124 = vector.shape_cast %swap3A_123 : vector<1x16xf32> to vector<16xf32>
        %swap3A_125 = vector.shape_cast %mul3A_120 : vector<16xf32> to vector<1x16xf32>
        tpu.vector_store %arg10[%swap3A_121, %swap3A_122], %swap3A_125 {strides = array<i32>} : memref<128x128xf32, #tpu.memory_space<vmem>>, vector<1x16xf32>,
        %get3A_126 = arith.index_cast %add3A_76 : i32 to index
        %get3A_127 = arith.constant 80 : index
        %get3A_128 = tpu.vector_load %arg10[%get3A_126, %get3A_127] {strides = array<i32>} : memref<128x128xf32, #tpu.memory_space<vmem>>, vector<1x16xf32>,
        %get3A_129 = vector.shape_cast %get3A_128 : vector<1x16xf32> to vector<16xf32>
        %mul3A_130 = arith.mulf %get3A_129, %gather3A_72 : vector<16xf32>
        %swap3A_131 = arith.index_cast %add3A_76 : i32 to index
        %swap3A_132 = arith.constant 80 : index
        %swap3A_133 = tpu.vector_load %arg10[%swap3A_131, %swap3A_132] {strides = array<i32>} : memref<128x128xf32, #tpu.memory_space<vmem>>, vector<1x16xf32>,
        %swap3A_134 = vector.shape_cast %swap3A_133 : vector<1x16xf32> to vector<16xf32>
        %swap3A_135 = vector.shape_cast %mul3A_130 : vector<16xf32> to vector<1x16xf32>
        tpu.vector_store %arg10[%swap3A_131, %swap3A_132], %swap3A_135 {strides = array<i32>} : memref<128x128xf32, #tpu.memory_space<vmem>>, vector<1x16xf32>,
        %get3A_136 = arith.index_cast %add3A_76 : i32 to index
        %get3A_137 = arith.constant 96 : index
        %get3A_138 = tpu.vector_load %arg10[%get3A_136, %get3A_137] {strides = array<i32>} : memref<128x128xf32, #tpu.memory_space<vmem>>, vector<1x16xf32>,
        %get3A_139 = vector.shape_cast %get3A_138 : vector<1x16xf32> to vector<16xf32>
        %mul3A_140 = arith.mulf %get3A_139, %gather3A_72 : vector<16xf32>
        %swap3A_141 = arith.index_cast %add3A_76 : i32 to index
        %swap3A_142 = arith.constant 96 : index
        %swap3A_143 = tpu.vector_load %arg10[%swap3A_141, %swap3A_142] {strides = array<i32>} : memref<128x128xf32, #tpu.memory_space<vmem>>, vector<1x16xf32>,
        %swap3A_144 = vector.shape_cast %swap3A_143 : vector<1x16xf32> to vector<16xf32>
        %swap3A_145 = vector.shape_cast %mul3A_140 : vector<16xf32> to vector<1x16xf32>
        tpu.vector_store %arg10[%swap3A_141, %swap3A_142], %swap3A_145 {strides = array<i32>} : memref<128x128xf32, #tpu.memory_space<vmem>>, vector<1x16xf32>,
        %get3A_146 = arith.index_cast %add3A_76 : i32 to index
        %get3A_147 = arith.constant 112 : index
        %get3A_148 = tpu.vector_load %arg10[%get3A_146, %get3A_147] {strides = array<i32>} : memref<128x128xf32, #tpu.memory_space<vmem>>, vector<1x16xf32>,
        %get3A_149 = vector.shape_cast %get3A_148 : vector<1x16xf32> to vector<16xf32>
        %mul3A_150 = arith.mulf %get3A_149, %gather3A_72 : vector<16xf32>
        %swap3A_151 = arith.index_cast %add3A_76 : i32 to index
        %swap3A_152 = arith.constant 112 : index
        %swap3A_153 = tpu.vector_load %arg10[%swap3A_151, %swap3A_152] {strides = array<i32>} : memref<128x128xf32, #tpu.memory_space<vmem>>, vector<1x16xf32>,
        %swap3A_154 = vector.shape_cast %swap3A_153 : vector<1x16xf32> to vector<16xf32>
        %swap3A_155 = vector.shape_cast %mul3A_150 : vector<16xf32> to vector<1x16xf32>
        tpu.vector_store %arg10[%swap3A_151, %swap3A_152], %swap3A_155 {strides = array<i32>} : memref<128x128xf32, #tpu.memory_space<vmem>>, vector<1x16xf32>,
        %broadcast_in_dim3A_156 = arith.constant 1 : i32
        %broadcast_in_dim3A_157 = vector.broadcast %broadcast_in_dim3A_156 : i32 to vector<16xi32>
        %lt3A_158 = arith.constant 0 : i32
        %lt3A_159 = vector.broadcast %lt3A_158 : i32 to vector<16xi32>
        %lt3A_160 = arith.cmpi slt, %broadcast_in_dim3A_157, %lt3A_159 : vector<16xi32>
        %add3A_161 = arith.constant 16 : i32
        %add3A_162 = vector.broadcast %add3A_161 : i32 to vector<16xi32>
        %add3A_163 = arith.addi %broadcast_in_dim3A_157, %add3A_162 : vector<16xi32>
        %select_n3A_164 = arith.select %lt3A_160, %add3A_163, %broadcast_in_dim3A_157 : vector<16xi1>, vector<16xi32>
        %broadcast_in_dim3A_165 = vector.shape_cast %select_n3A_164 : vector<16xi32> to vector<16x1xi32>
        %gather3A_166 = vector.shape_cast %broadcast_in_dim3A_165 : vector<16x1xi32> to vector<16xi32>
        %gather3A_167 = tpu.dynamic_gather %get3A_62[%gather3A_166] in [0] : vector<16xf32>, vector<16xi32> -> vector<16xf32>
        %mul3A_168 = arith.constant 16 : i32
        %mul3A_169 = arith.muli %scan3A_57, %mul3A_168 : i32
        %add3A_170 = arith.constant 1 : i32
        %add3A_171 = arith.addi %mul3A_169, %add3A_170 : i32
        %get3A_172 = arith.index_cast %add3A_171 : i32 to index
        %get3A_173 = arith.constant 0 : index
        %get3A_174 = tpu.vector_load %arg10[%get3A_172, %get3A_173] {strides = array<i32>} : memref<128x128xf32, #tpu.memory_space<vmem>>, vector<1x16xf32>,
        %get3A_175 = vector.shape_cast %get3A_174 : vector<1x16xf32> to vector<16xf32>
        %mul3A_176 = arith.mulf %get3A_175, %gather3A_167 : vector<16xf32>
        %swap3A_177 = arith.index_cast %add3A_171 : i32 to index
        %swap3A_178 = arith.constant 0 : index
        %swap3A_179 = tpu.vector_load %arg10[%swap3A_177, %swap3A_178] {strides = array<i32>} : memref<128x128xf32, #tpu.memory_space<vmem>>, vector<1x16xf32>,
        %swap3A_180 = vector.shape_cast %swap3A_179 : vector<1x16xf32> to vector<16xf32>
        %swap3A_181 = vector.shape_cast %mul3A_176 : vector<16xf32> to vector<1x16xf32>
        tpu.vector_store %arg10[%swap3A_177, %swap3A_178], %swap3A_181 {strides = array<i32>} : memref<128x128xf32, #tpu.memory_space<vmem>>, vector<1x16xf32>,
        %get3A_182 = arith.index_cast %add3A_171 : i32 to index
        %get3A_183 = arith.constant 16 : index
        %get3A_184 = tpu.vector_load %arg10[%get3A_182, %get3A_183] {strides = array<i32>} : memref<128x128xf32, #tpu.memory_space<vmem>>, vector<1x16xf32>,
        %get3A_185 = vector.shape_cast %get3A_184 : vector<1x16xf32> to vector<16xf32>
        %mul3A_186 = arith.mulf %get3A_185, %gather3A_167 : vector<16xf32>
        %swap3A_187 = arith.index_cast %add3A_171 : i32 to index
        %swap3A_188 = arith.constant 16 : index
        %swap3A_189 = tpu.vector_load %arg10[%swap3A_187, %swap3A_188] {strides = array<i32>} : memref<128x128xf32, #tpu.memory_space<vmem>>, vector<1x16xf32>,
        %swap3A_190 = vector.shape_cast %swap3A_189 : vector<1x16xf32> to vector<16xf32>
        %swap3A_191 = vector.shape_cast %mul3A_186 : vector<16xf32> to vector<1x16xf32>
        tpu.vector_store %arg10[%swap3A_187, %swap3A_188], %swap3A_191 {strides = array<i32>} : memref<128x128xf32, #tpu.memory_space<vmem>>, vector<1x16xf32>,
        %get3A_192 = arith.index_cast %add3A_171 : i32 to index
        %get3A_193 = arith.constant 32 : index
        %get3A_194 = tpu.vector_load %arg10[%get3A_192, %get3A_193] {strides = array<i32>} : memref<128x128xf32, #tpu.memory_space<vmem>>, vector<1x16xf32>,
        %get3A_195 = vector.shape_cast %get3A_194 : vector<1x16xf32> to vector<16xf32>
        %mul3A_196 = arith.mulf %get3A_195, %gather3A_167 : vector<16xf32>
        %swap3A_197 = arith.index_cast %add3A_171 : i32 to index
        %swap3A_198 = arith.constant 32 : index
        %swap3A_199 = tpu.vector_load %arg10[%swap3A_197, %swap3A_198] {strides = array<i32>} : memref<128x128xf32, #tpu.memory_space<vmem>>, vector<1x16xf32>,
        %swap3A_200 = vector.shape_cast %swap3A_199 : vector<1x16xf32> to vector<16xf32>
        %swap3A_201 = vector.shape_cast %mul3A_196 : vector<16xf32> to vector<1x16xf32>
        tpu.vector_store %arg10[%swap3A_197, %swap3A_198], %swap3A_201 {strides = array<i32>} : memref<128x128xf32, #tpu.memory_space<vmem>>, vector<1x16xf32>,
        %get3A_202 = arith.index_cast %add3A_171 : i32 to index
        %get3A_203 = arith.constant 48 : index
        %get3A_204 = tpu.vector_load %arg10[%get3A_202, %get3A_203] {strides = array<i32>} : memref<128x128xf32, #tpu.memory_space<vmem>>, vector<1x16xf32>,
        %get3A_205 = vector.shape_cast %get3A_204 : vector<1x16xf32> to vector<16xf32>
        %mul3A_206 = arith.mulf %get3A_205, %gather3A_167 : vector<16xf32>
        %swap3A_207 = arith.index_cast %add3A_171 : i32 to index
        %swap3A_208 = arith.constant 48 : index
        %swap3A_209 = tpu.vector_load %arg10[%swap3A_207, %swap3A_208] {strides = array<i32>} : memref<128x128xf32, #tpu.memory_space<vmem>>, vector<1x16xf32>,
        %swap3A_210 = vector.shape_cast %swap3A_209 : vector<1x16xf32> to vector<16xf32>
        %swap3A_211 = vector.shape_cast %mul3A_206 : vector<16xf32> to vector<1x16xf32>
        tpu.vector_store %arg10[%swap3A_207, %swap3A_208], %swap3A_211 {strides = array<i32>} : memref<128x128xf32, #tpu.memory_space<vmem>>, vector<1x16xf32>,
        %get3A_212 = arith.index_cast %add3A_171 : i32 to index
        %get3A_213 = arith.constant 64 : index
        %get3A_214 = tpu.vector_load %arg10[%get3A_212, %get3A_213] {strides = array<i32>} : memref<128x128xf32, #tpu.memory_space<vmem>>, vector<1x16xf32>,
        %get3A_215 = vector.shape_cast %get3A_214 : vector<1x16xf32> to vector<16xf32>
        %mul3A_216 = arith.mulf %get3A_215, %gather3A_167 : vector<16xf32>
        %swap3A_217 = arith.index_cast %add3A_171 : i32 to index
        %swap3A_218 = arith.constant 64 : index
        %swap3A_219 = tpu.vector_load %arg10[%swap3A_217, %swap3A_218] {strides = array<i32>} : memref<128x128xf32, #tpu.memory_space<vmem>>, vector<1x16xf32>,
        %swap3A_220 = vector.shape_cast %swap3A_219 : vector<1x16xf32> to vector<16xf32>
        %swap3A_221 = vector.shape_cast %mul3A_216 : vector<16xf32> to vector<1x16xf32>
        tpu.vector_store %arg10[%swap3A_217, %swap3A_218], %swap3A_221 {strides = array<i32>} : memref<128x128xf32, #tpu.memory_space<vmem>>, vector<1x16xf32>,
        %get3A_222 = arith.index_cast %add3A_171 : i32 to index
        %get3A_223 = arith.constant 80 : index
        %get3A_224 = tpu.vector_load %arg10[%get3A_222, %get3A_223] {strides = array<i32>} : memref<128x128xf32, #tpu.memory_space<vmem>>, vector<1x16xf32>,
        %get3A_225 = vector.shape_cast %get3A_224 : vector<1x16xf32> to vector<16xf32>
        %mul3A_226 = arith.mulf %get3A_225, %gather3A_167 : vector<16xf32>
        %swap3A_227 = arith.index_cast %add3A_171 : i32 to index
        %swap3A_228 = arith.constant 80 : index
        %swap3A_229 = tpu.vector_load %arg10[%swap3A_227, %swap3A_228] {strides = array<i32>} : memref<128x128xf32, #tpu.memory_space<vmem>>, vector<1x16xf32>,
        %swap3A_230 = vector.shape_cast %swap3A_229 : vector<1x16xf32> to vector<16xf32>
        %swap3A_231 = vector.shape_cast %mul3A_226 : vector<16xf32> to vector<1x16xf32>
        tpu.vector_store %arg10[%swap3A_227, %swap3A_228], %swap3A_231 {strides = array<i32>} : memref<128x128xf32, #tpu.memory_space<vmem>>, vector<1x16xf32>,
        %get3A_232 = arith.index_cast %add3A_171 : i32 to index
        %get3A_233 = arith.constant 96 : index
        %get3A_234 = tpu.vector_load %arg10[%get3A_232, %get3A_233] {strides = array<i32>} : memref<128x128xf32, #tpu.memory_space<vmem>>, vector<1x16xf32>,
        %get3A_235 = vector.shape_cast %get3A_234 : vector<1x16xf32> to vector<16xf32>
        %mul3A_236 = arith.mulf %get3A_235, %gather3A_167 : vector<16xf32>
        %swap3A_237 = arith.index_cast %add3A_171 : i32 to index
        %swap3A_238 = arith.constant 96 : index
        %swap3A_239 = tpu.vector_load %arg10[%swap3A_237, %swap3A_238] {strides = array<i32>} : memref<128x128xf32, #tpu.memory_space<vmem>>, vector<1x16xf32>,
        %swap3A_240 = vector.shape_cast %swap3A_239 : vector<1x16xf32> to vector<16xf32>
        %swap3A_241 = vector.shape_cast %mul3A_236 : vector<16xf32> to vector<1x16xf32>
        tpu.vector_store %arg10[%swap3A_237, %swap3A_238], %swap3A_241 {strides = array<i32>} : memref<128x128xf32, #tpu.memory_space<vmem>>, vector<1x16xf32>,
        %get3A_242 = arith.index_cast %add3A_171 : i32 to index
        %get3A_243 = arith.constant 112 : index
        %get3A_244 = tpu.vector_load %arg10[%get3A_242, %get3A_243] {strides = array<i32>} : memref<128x128xf32, #tpu.memory_space<vmem>>, vector<1x16xf32>,
        %get3A_245 = vector.shape_cast %get3A_244 : vector<1x16xf32> to vector<16xf32>
        %mul3A_246 = arith.mulf %get3A_245, %gather3A_167 : vector<16xf32>
        %swap3A_247 = arith.index_cast %add3A_171 : i32 to index
        %swap3A_248 = arith.constant 112 : index
        %swap3A_249 = tpu.vector_load %arg10[%swap3A_247, %swap3A_248] {strides = array<i32>} : memref<128x128xf32, #tpu.memory_space<vmem>>, vector<1x16xf32>,
        %swap3A_250 = vector.shape_cast %swap3A_249 : vector<1x16xf32> to vector<16xf32>
        %swap3A_251 = vector.shape_cast %mul3A_246 : vector<16xf32> to vector<1x16xf32>
        tpu.vector_store %arg10[%swap3A_247, %swap3A_248], %swap3A_251 {strides = array<i32>} : memref<128x128xf32, #tpu.memory_space<vmem>>, vector<1x16xf32>,
        %broadcast_in_dim3A_252 = arith.constant 2 : i32
        %broadcast_in_dim3A_253 = vector.broadcast %broadcast_in_dim3A_252 : i32 to vector<16xi32>
        %lt3A_254 = arith.constant 0 : i32
        %lt3A_255 = vector.broadcast %lt3A_254 : i32 to vector<16xi32>
        %lt3A_256 = arith.cmpi slt, %broadcast_in_dim3A_253, %lt3A_255 : vector<16xi32>
        %add3A_257 = arith.constant 16 : i32
        %add3A_258 = vector.broadcast %add3A_257 : i32 to vector<16xi32>
        %add3A_259 = arith.addi %broadcast_in_dim3A_253, %add3A_258 : vector<16xi32>
        %select_n3A_260 = arith.select %lt3A_256, %add3A_259, %broadcast_in_dim3A_253 : vector<16xi1>, vector<16xi32>
        %broadcast_in_dim3A_261 = vector.shape_cast %select_n3A_260 : vector<16xi32> to vector<16x1xi32>
        %gather3A_262 = vector.shape_cast %broadcast_in_dim3A_261 : vector<16x1xi32> to vector<16xi32>
        %gather3A_263 = tpu.dynamic_gather %get3A_62[%gather3A_262] in [0] : vector<16xf32>, vector<16xi32> -> vector<16xf32>
        %mul3A_264 = arith.constant 16 : i32
        %mul3A_265 = arith.muli %scan3A_57, %mul3A_264 : i32
        %add3A_266 = arith.constant 2 : i32
        %add3A_267 = arith.addi %mul3A_265, %add3A_266 : i32
        %get3A_268 = arith.index_cast %add3A_267 : i32 to index
        %get3A_269 = arith.constant 0 : index
        %get3A_270 = tpu.vector_load %arg10[%get3A_268, %get3A_269] {strides = array<i32>} : memref<128x128xf32, #tpu.memory_space<vmem>>, vector<1x16xf32>,
        %get3A_271 = vector.shape_cast %get3A_270 : vector<1x16xf32> to vector<16xf32>
        %mul3A_272 = arith.mulf %get3A_271, %gather3A_263 : vector<16xf32>
        %swap3A_273 = arith.index_cast %add3A_267 : i32 to index
        %swap3A_274 = arith.constant 0 : index
        %swap3A_275 = tpu.vector_load %arg10[%swap3A_273, %swap3A_274] {strides = array<i32>} : memref<128x128xf32, #tpu.memory_space<vmem>>, vector<1x16xf32>,
        %swap3A_276 = vector.shape_cast %swap3A_275 : vector<1x16xf32> to vector<16xf32>
        %swap3A_277 = vector.shape_cast %mul3A_272 : vector<16xf32> to vector<1x16xf32>
        tpu.vector_store %arg10[%swap3A_273, %swap3A_274], %swap3A_277 {strides = array<i32>} : memref<128x128xf32, #tpu.memory_space<vmem>>, vector<1x16xf32>,
        %get3A_278 = arith.index_cast %add3A_267 : i32 to index
        %get3A_279 = arith.constant 16 : index
        %get3A_280 = tpu.vector_load %arg10[%get3A_278, %get3A_279] {strides = array<i32>} : memref<128x128xf32, #tpu.memory_space<vmem>>, vector<1x16xf32>,
        %get3A_281 = vector.shape_cast %get3A_280 : vector<1x16xf32> to vector<16xf32>
        %mul3A_282 = arith.mulf %get3A_281, %gather3A_263 : vector<16xf32>
        %swap3A_283 = arith.index_cast %add3A_267 : i32 to index
        %swap3A_284 = arith.constant 16 : index
        %swap3A_285 = tpu.vector_load %arg10[%swap3A_283, %swap3A_284] {strides = array<i32>} : memref<128x128xf32, #tpu.memory_space<vmem>>, vector<1x16xf32>,
        %swap3A_286 = vector.shape_cast %swap3A_285 : vector<1x16xf32> to vector<16xf32>
        %swap3A_287 = vector.shape_cast %mul3A_282 : vector<16xf32> to vector<1x16xf32>
        tpu.vector_store %arg10[%swap3A_283, %swap3A_284], %swap3A_287 {strides = array<i32>} : memref<128x128xf32, #tpu.memory_space<vmem>>, vector<1x16xf32>,
        %get3A_288 = arith.index_cast %add3A_267 : i32 to index
        %get3A_289 = arith.constant 32 : index
        %get3A_290 = tpu.vector_load %arg10[%get3A_288, %get3A_289] {strides = array<i32>} : memref<128x128xf32, #tpu.memory_space<vmem>>, vector<1x16xf32>,
        %get3A_291 = vector.shape_cast %get3A_290 : vector<1x16xf32> to vector<16xf32>
        %mul3A_292 = arith.mulf %get3A_291, %gather3A_263 : vector<16xf32>
        %swap3A_293 = arith.index_cast %add3A_267 : i32 to index
        %swap3A_294 = arith.constant 32 : index
        %swap3A_295 = tpu.vector_load %arg10[%swap3A_293, %swap3A_294] {strides = array<i32>} : memref<128x128xf32, #tpu.memory_space<vmem>>, vector<1x16xf32>,
        %swap3A_296 = vector.shape_cast %swap3A_295 : vector<1x16xf32> to vector<16xf32>
        %swap3A_297 = vector.shape_cast %mul3A_292 : vector<16xf32> to vector<1x16xf32>
        tpu.vector_store %arg10[%swap3A_293, %swap3A_294], %swap3A_297 {strides = array<i32>} : memref<128x128xf32, #tpu.memory_space<vmem>>, vector<1x16xf32>,
        %get3A_298 = arith.index_cast %add3A_267 : i32 to index
        %get3A_299 = arith.constant 48 : index
        %get3A_300 = tpu.vector_load %arg10[%get3A_298, %get3A_299] {strides = array<i32>} : memref<128x128xf32, #tpu.memory_space<vmem>>, vector<1x16xf32>,
        %get3A_301 = vector.shape_cast %get3A_300 : vector<1x16xf32> to vector<16xf32>
        %mul3A_302 = arith.mulf %get3A_301, %gather3A_263 : vector<16xf32>
        %swap3A_303 = arith.index_cast %add3A_267 : i32 to index
        %swap3A_304 = arith.constant 48 : index
        %swap3A_305 = tpu.vector_load %arg10[%swap3A_303, %swap3A_304] {strides = array<i32>} : memref<128x128xf32, #tpu.memory_space<vmem>>, vector<1x16xf32>,
        %swap3A_306 = vector.shape_cast %swap3A_305 : vector<1x16xf32> to vector<16xf32>
        %swap3A_307 = vector.shape_cast %mul3A_302 : vector<16xf32> to vector<1x16xf32>
        tpu.vector_store %arg10[%swap3A_303, %swap3A_304], %swap3A_307 {strides = array<i32>} : memref<128x128xf32, #tpu.memory_space<vmem>>, vector<1x16xf32>,
        %get3A_308 = arith.index_cast %add3A_267 : i32 to index
        %get3A_309 = arith.constant 64 : index
        %get3A_310 = tpu.vector_load %arg10[%get3A_308, %get3A_309] {strides = array<i32>} : memref<128x128xf32, #tpu.memory_space<vmem>>, vector<1x16xf32>,
        %get3A_311 = vector.shape_cast %get3A_310 : vector<1x16xf32> to vector<16xf32>
        %mul3A_312 = arith.mulf %get3A_311, %gather3A_263 : vector<16xf32>
        %swap3A_313 = arith.index_cast %add3A_267 : i32 to index
        %swap3A_314 = arith.constant 64 : index
        %swap3A_315 = tpu.vector_load %arg10[%swap3A_313, %swap3A_314] {strides = array<i32>} : memref<128x128xf32, #tpu.memory_space<vmem>>, vector<1x16xf32>,
        %swap3A_316 = vector.shape_cast %swap3A_315 : vector<1x16xf32> to vector<16xf32>
        %swap3A_317 = vector.shape_cast %mul3A_312 : vector<16xf32> to vector<1x16xf32>
        tpu.vector_store %arg10[%swap3A_313, %swap3A_314], %swap3A_317 {strides = array<i32>} : memref<128x128xf32, #tpu.memory_space<vmem>>, vector<1x16xf32>,
        %get3A_318 = arith.index_cast %add3A_267 : i32 to index
        %get3A_319 = arith.constant 80 : index
        %get3A_320 = tpu.vector_load %arg10[%get3A_318, %get3A_319] {strides = array<i32>} : memref<128x128xf32, #tpu.memory_space<vmem>>, vector<1x16xf32>,
        %get3A_321 = vector.shape_cast %get3A_320 : vector<1x16xf32> to vector<16xf32>
        %mul3A_322 = arith.mulf %get3A_321, %gather3A_263 : vector<16xf32>
        %swap3A_323 = arith.index_cast %add3A_267 : i32 to index
        %swap3A_324 = arith.constant 80 : index
        %swap3A_325 = tpu.vector_load %arg10[%swap3A_323, %swap3A_324] {strides = array<i32>} : memref<128x128xf32, #tpu.memory_space<vmem>>, vector<1x16xf32>,
        %swap3A_326 = vector.shape_cast %swap3A_325 : vector<1x16xf32> to vector<16xf32>
        %swap3A_327 = vector.shape_cast %mul3A_322 : vector<16xf32> to vector<1x16xf32>
        tpu.vector_store %arg10[%swap3A_323, %swap3A_324], %swap3A_327 {strides = array<i32>} : memref<128x128xf32, #tpu.memory_space<vmem>>, vector<1x16xf32>,
        %get3A_328 = arith.index_cast %add3A_267 : i32 to index
        %get3A_329 = arith.constant 96 : index
        %get3A_330 = tpu.vector_load %arg10[%get3A_328, %get3A_329] {strides = array<i32>} : memref<128x128xf32, #tpu.memory_space<vmem>>, vector<1x16xf32>,
        %get3A_331 = vector.shape_cast %get3A_330 : vector<1x16xf32> to vector<16xf32>
        %mul3A_332 = arith.mulf %get3A_331, %gather3A_263 : vector<16xf32>
        %swap3A_333 = arith.index_cast %add3A_267 : i32 to index
        %swap3A_334 = arith.constant 96 : index
        %swap3A_335 = tpu.vector_load %arg10[%swap3A_333, %swap3A_334] {strides = array<i32>} : memref<128x128xf32, #tpu.memory_space<vmem>>, vector<1x16xf32>,
        %swap3A_336 = vector.shape_cast %swap3A_335 : vector<1x16xf32> to vector<16xf32>
        %swap3A_337 = vector.shape_cast %mul3A_332 : vector<16xf32> to vector<1x16xf32>
        tpu.vector_store %arg10[%swap3A_333, %swap3A_334], %swap3A_337 {strides = array<i32>} : memref<128x128xf32, #tpu.memory_space<vmem>>, vector<1x16xf32>,
        %get3A_338 = arith.index_cast %add3A_267 : i32 to index
        %get3A_339 = arith.constant 112 : index
        %get3A_340 = tpu.vector_load %arg10[%get3A_338, %get3A_339] {strides = array<i32>} : memref<128x128xf32, #tpu.memory_space<vmem>>, vector<1x16xf32>,
        %get3A_341 = vector.shape_cast %get3A_340 : vector<1x16xf32> to vector<16xf32>
        %mul3A_342 = arith.mulf %get3A_341, %gather3A_263 : vector<16xf32>
        %swap3A_343 = arith.index_cast %add3A_267 : i32 to index
        %swap3A_344 = arith.constant 112 : index
        %swap3A_345 = tpu.vector_load %arg10[%swap3A_343, %swap3A_344] {strides = array<i32>} : memref<128x128xf32, #tpu.memory_space<vmem>>, vector<1x16xf32>,
        %swap3A_346 = vector.shape_cast %swap3A_345 : vector<1x16xf32> to vector<16xf32>
        %swap3A_347 = vector.shape_cast %mul3A_342 : vector<16xf32> to vector<1x16xf32>
        tpu.vector_store %arg10[%swap3A_343, %swap3A_344], %swap3A_347 {strides = array<i32>} : memref<128x128xf32, #tpu.memory_space<vmem>>, vector<1x16xf32>,
        %broadcast_in_dim3A_348 = arith.constant 3 : i32
        %broadcast_in_dim3A_349 = vector.broadcast %broadcast_in_dim3A_348 : i32 to vector<16xi32>
        %lt3A_350 = arith.constant 0 : i32
        %lt3A_351 = vector.broadcast %lt3A_350 : i32 to vector<16xi32>
        %lt3A_352 = arith.cmpi slt, %broadcast_in_dim3A_349, %lt3A_351 : vector<16xi32>
        %add3A_353 = arith.constant 16 : i32
        %add3A_354 = vector.broadcast %add3A_353 : i32 to vector<16xi32>
        %add3A_355 = arith.addi %broadcast_in_dim3A_349, %add3A_354 : vector<16xi32>
        %select_n3A_356 = arith.select %lt3A_352, %add3A_355, %broadcast_in_dim3A_349 : vector<16xi1>, vector<16xi32>
        %broadcast_in_dim3A_357 = vector.shape_cast %select_n3A_356 : vector<16xi32> to vector<16x1xi32>
        %gather3A_358 = vector.shape_cast %broadcast_in_dim3A_357 : vector<16x1xi32> to vector<16xi32>
        %gather3A_359 = tpu.dynamic_gather %get3A_62[%gather3A_358] in [0] : vector<16xf32>, vector<16xi32> -> vector<16xf32>
        %mul3A_360 = arith.constant 16 : i32
        %mul3A_361 = arith.muli %scan3A_57, %mul3A_360 : i32
        %add3A_362 = arith.constant 3 : i32
        %add3A_363 = arith.addi %mul3A_361, %add3A_362 : i32
        %get3A_364 = arith.index_cast %add3A_363 : i32 to index
        %get3A_365 = arith.constant 0 : index
        %get3A_366 = tpu.vector_load %arg10[%get3A_364, %get3A_365] {strides = array<i32>} : memref<128x128xf32, #tpu.memory_space<vmem>>, vector<1x16xf32>,
        %get3A_367 = vector.shape_cast %get3A_366 : vector<1x16xf32> to vector<16xf32>
        %mul3A_368 = arith.mulf %get3A_367, %gather3A_359 : vector<16xf32>
        %swap3A_369 = arith.index_cast %add3A_363 : i32 to index
        %swap3A_370 = arith.constant 0 : index
        %swap3A_371 = tpu.vector_load %arg10[%swap3A_369, %swap3A_370] {strides = array<i32>} : memref<128x128xf32, #tpu.memory_space<vmem>>, vector<1x16xf32>,
        %swap3A_372 = vector.shape_cast %swap3A_371 : vector<1x16xf32> to vector<16xf32>
        %swap3A_373 = vector.shape_cast %mul3A_368 : vector<16xf32> to vector<1x16xf32>
        tpu.vector_store %arg10[%swap3A_369, %swap3A_370], %swap3A_373 {strides = array<i32>} : memref<128x128xf32, #tpu.memory_space<vmem>>, vector<1x16xf32>,
        %get3A_374 = arith.index_cast %add3A_363 : i32 to index
        %get3A_375 = arith.constant 16 : index
        %get3A_376 = tpu.vector_load %arg10[%get3A_374, %get3A_375] {strides = array<i32>} : memref<128x128xf32, #tpu.memory_space<vmem>>, vector<1x16xf32>,
        %get3A_377 = vector.shape_cast %get3A_376 : vector<1x16xf32> to vector<16xf32>
        %mul3A_378 = arith.mulf %get3A_377, %gather3A_359 : vector<16xf32>
        %swap3A_379 = arith.index_cast %add3A_363 : i32 to index
        %swap3A_380 = arith.constant 16 : index
        %swap3A_381 = tpu.vector_load %arg10[%swap3A_379, %swap3A_380] {strides = array<i32>} : memref<128x128xf32, #tpu.memory_space<vmem>>, vector<1x16xf32>,
        %swap3A_382 = vector.shape_cast %swap3A_381 : vector<1x16xf32> to vector<16xf32>
        %swap3A_383 = vector.shape_cast %mul3A_378 : vector<16xf32> to vector<1x16xf32>
        tpu.vector_store %arg10[%swap3A_379, %swap3A_380], %swap3A_383 {strides = array<i32>} : memref<128x128xf32, #tpu.memory_space<vmem>>, vector<1x16xf32>,
        %get3A_384 = arith.index_cast %add3A_363 : i32 to index
        %get3A_385 = arith.constant 32 : index
        %get3A_386 = tpu.vector_load %arg10[%get3A_384, %get3A_385] {strides = array<i32>} : memref<128x128xf32, #tpu.memory_space<vmem>>, vector<1x16xf32>,
        %get3A_387 = vector.shape_cast %get3A_386 : vector<1x16xf32> to vector<16xf32>
        %mul3A_388 = arith.mulf %get3A_387, %gather3A_359 : vector<16xf32>
        %swap3A_389 = arith.index_cast %add3A_363 : i32 to index
        %swap3A_390 = arith.constant 32 : index
        %swap3A_391 = tpu.vector_load %arg10[%swap3A_389, %swap3A_390] {strides = array<i32>} : memref<128x128xf32, #tpu.memory_space<vmem>>, vector<1x16xf32>,
        %swap3A_392 = vector.shape_cast %swap3A_391 : vector<1x16xf32> to vector<16xf32>
        %swap3A_393 = vector.shape_cast %mul3A_388 : vector<16xf32> to vector<1x16xf32>
        tpu.vector_store %arg10[%swap3A_389, %swap3A_390], %swap3A_393 {strides = array<i32>} : memref<128x128xf32, #tpu.memory_space<vmem>>, vector<1x16xf32>,
        %get3A_394 = arith.index_cast %add3A_363 : i32 to index
        %get3A_395 = arith.constant 48 : index
        %get3A_396 = tpu.vector_load %arg10[%get3A_394, %get3A_395] {strides = array<i32>} : memref<128x128xf32, #tpu.memory_space<vmem>>, vector<1x16xf32>,
        %get3A_397 = vector.shape_cast %get3A_396 : vector<1x16xf32> to vector<16xf32>
        %mul3A_398 = arith.mulf %get3A_397, %gather3A_359 : vector<16xf32>
        %swap3A_399 = arith.index_cast %add3A_363 : i32 to index
        %swap3A_400 = arith.constant 48 : index
        %swap3A_401 = tpu.vector_load %arg10[%swap3A_399, %swap3A_400] {strides = array<i32>} : memref<128x128xf32, #tpu.memory_space<vmem>>, vector<1x16xf32>,
        %swap3A_402 = vector.shape_cast %swap3A_401 : vector<1x16xf32> to vector<16xf32>
        %swap3A_403 = vector.shape_cast %mul3A_398 : vector<16xf32> to vector<1x16xf32>
        tpu.vector_store %arg10[%swap3A_399, %swap3A_400], %swap3A_403 {strides = array<i32>} : memref<128x128xf32, #tpu.memory_space<vmem>>, vector<1x16xf32>,
        %get3A_404 = arith.index_cast %add3A_363 : i32 to index
        %get3A_405 = arith.constant 64 : index
        %get3A_406 = tpu.vector_load %arg10[%get3A_404, %get3A_405] {strides = array<i32>} : memref<128x128xf32, #tpu.memory_space<vmem>>, vector<1x16xf32>,
        %get3A_407 = vector.shape_cast %get3A_406 : vector<1x16xf32> to vector<16xf32>
        %mul3A_408 = arith.mulf %get3A_407, %gather3A_359 : vector<16xf32>
        %swap3A_409 = arith.index_cast %add3A_363 : i32 to index
        %swap3A_410 = arith.constant 64 : index
        %swap3A_411 = tpu.vector_load %arg10[%swap3A_409, %swap3A_410] {strides = array<i32>} : memref<128x128xf32, #tpu.memory_space<vmem>>, vector<1x16xf32>,
        %swap3A_412 = vector.shape_cast %swap3A_411 : vector<1x16xf32> to vector<16xf32>
        %swap3A_413 = vector.shape_cast %mul3A_408 : vector<16xf32> to vector<1x16xf32>
        tpu.vector_store %arg10[%swap3A_409, %swap3A_410], %swap3A_413 {strides = array<i32>} : memref<128x128xf32, #tpu.memory_space<vmem>>, vector<1x16xf32>,
        %get3A_414 = arith.index_cast %add3A_363 : i32 to index
        %get3A_415 = arith.constant 80 : index
        %get3A_416 = tpu.vector_load %arg10[%get3A_414, %get3A_415] {strides = array<i32>} : memref<128x128xf32, #tpu.memory_space<vmem>>, vector<1x16xf32>,
        %get3A_417 = vector.shape_cast %get3A_416 : vector<1x16xf32> to vector<16xf32>
        %mul3A_418 = arith.mulf %get3A_417, %gather3A_359 : vector<16xf32>
        %swap3A_419 = arith.index_cast %add3A_363 : i32 to index
        %swap3A_420 = arith.constant 80 : index
        %swap3A_421 = tpu.vector_load %arg10[%swap3A_419, %swap3A_420] {strides = array<i32>} : memref<128x128xf32, #tpu.memory_space<vmem>>, vector<1x16xf32>,
        %swap3A_422 = vector.shape_cast %swap3A_421 : vector<1x16xf32> to vector<16xf32>
        %swap3A_423 = vector.shape_cast %mul3A_418 : vector<16xf32> to vector<1x16xf32>
        tpu.vector_store %arg10[%swap3A_419, %swap3A_420], %swap3A_423 {strides = array<i32>} : memref<128x128xf32, #tpu.memory_space<vmem>>, vector<1x16xf32>,
        %get3A_424 = arith.index_cast %add3A_363 : i32 to index
        %get3A_425 = arith.constant 96 : index
        %get3A_426 = tpu.vector_load %arg10[%get3A_424, %get3A_425] {strides = array<i32>} : memref<128x128xf32, #tpu.memory_space<vmem>>, vector<1x16xf32>,
        %get3A_427 = vector.shape_cast %get3A_426 : vector<1x16xf32> to vector<16xf32>
        %mul3A_428 = arith.mulf %get3A_427, %gather3A_359 : vector<16xf32>
        %swap3A_429 = arith.index_cast %add3A_363 : i32 to index
        %swap3A_430 = arith.constant 96 : index
        %swap3A_431 = tpu.vector_load %arg10[%swap3A_429, %swap3A_430] {strides = array<i32>} : memref<128x128xf32, #tpu.memory_space<vmem>>, vector<1x16xf32>,
        %swap3A_432 = vector.shape_cast %swap3A_431 : vector<1x16xf32> to vector<16xf32>
        %swap3A_433 = vector.shape_cast %mul3A_428 : vector<16xf32> to vector<1x16xf32>
        tpu.vector_store %arg10[%swap3A_429, %swap3A_430], %swap3A_433 {strides = array<i32>} : memref<128x128xf32, #tpu.memory_space<vmem>>, vector<1x16xf32>,
        %get3A_434 = arith.index_cast %add3A_363 : i32 to index
        %get3A_435 = arith.constant 112 : index
        %get3A_436 = tpu.vector_load %arg10[%get3A_434, %get3A_435] {strides = array<i32>} : memref<128x128xf32, #tpu.memory_space<vmem>>, vector<1x16xf32>,
        %get3A_437 = vector.shape_cast %get3A_436 : vector<1x16xf32> to vector<16xf32>
        %mul3A_438 = arith.mulf %get3A_437, %gather3A_359 : vector<16xf32>
        %swap3A_439 = arith.index_cast %add3A_363 : i32 to index
        %swap3A_440 = arith.constant 112 : index
        %swap3A_441 = tpu.vector_load %arg10[%swap3A_439, %swap3A_440] {strides = array<i32>} : memref<128x128xf32, #tpu.memory_space<vmem>>, vector<1x16xf32>,
        %swap3A_442 = vector.shape_cast %swap3A_441 : vector<1x16xf32> to vector<16xf32>
        %swap3A_443 = vector.shape_cast %mul3A_438 : vector<16xf32> to vector<1x16xf32>
        tpu.vector_store %arg10[%swap3A_439, %swap3A_440], %swap3A_443 {strides = array<i32>} : memref<128x128xf32, #tpu.memory_space<vmem>>, vector<1x16xf32>,
        %broadcast_in_dim3A_444 = arith.constant 4 : i32
        %broadcast_in_dim3A_445 = vector.broadcast %broadcast_in_dim3A_444 : i32 to vector<16xi32>
        %lt3A_446 = arith.constant 0 : i32
        %lt3A_447 = vector.broadcast %lt3A_446 : i32 to vector<16xi32>
        %lt3A_448 = arith.cmpi slt, %broadcast_in_dim3A_445, %lt3A_447 : vector<16xi32>
        %add3A_449 = arith.constant 16 : i32
        %add3A_450 = vector.broadcast %add3A_449 : i32 to vector<16xi32>
        %add3A_451 = arith.addi %broadcast_in_dim3A_445, %add3A_450 : vector<16xi32>
        %select_n3A_452 = arith.select %lt3A_448, %add3A_451, %broadcast_in_dim3A_445 : vector<16xi1>, vector<16xi32>
        %broadcast_in_dim3A_453 = vector.shape_cast %select_n3A_452 : vector<16xi32> to vector<16x1xi32>
        %gather3A_454 = vector.shape_cast %broadcast_in_dim3A_453 : vector<16x1xi32> to vector<16xi32>
        %gather3A_455 = tpu.dynamic_gather %get3A_62[%gather3A_454] in [0] : vector<16xf32>, vector<16xi32> -> vector<16xf32>
        %mul3A_456 = arith.constant 16 : i32
        %mul3A_457 = arith.muli %scan3A_57, %mul3A_456 : i32
        %add3A_458 = arith.constant 4 : i32
        %add3A_459 = arith.addi %mul3A_457, %add3A_458 : i32
        %get3A_460 = arith.index_cast %add3A_459 : i32 to index
        %get3A_461 = arith.constant 0 : index
        %get3A_462 = tpu.vector_load %arg10[%get3A_460, %get3A_461] {strides = array<i32>} : memref<128x128xf32, #tpu.memory_space<vmem>>, vector<1x16xf32>,
        %get3A_463 = vector.shape_cast %get3A_462 : vector<1x16xf32> to vector<16xf32>
        %mul3A_464 = arith.mulf %get3A_463, %gather3A_455 : vector<16xf32>
        %swap3A_465 = arith.index_cast %add3A_459 : i32 to index
        %swap3A_466 = arith.constant 0 : index
        %swap3A_467 = tpu.vector_load %arg10[%swap3A_465, %swap3A_466] {strides = array<i32>} : memref<128x128xf32, #tpu.memory_space<vmem>>, vector<1x16xf32>,
        %swap3A_468 = vector.shape_cast %swap3A_467 : vector<1x16xf32> to vector<16xf32>
        %swap3A_469 = vector.shape_cast %mul3A_464 : vector<16xf32> to vector<1x16xf32>
        tpu.vector_store %arg10[%swap3A_465, %swap3A_466], %swap3A_469 {strides = array<i32>} : memref<128x128xf32, #tpu.memory_space<vmem>>, vector<1x16xf32>,
        %get3A_470 = arith.index_cast %add3A_459 : i32 to index
        %get3A_471 = arith.constant 16 : index
        %get3A_472 = tpu.vector_load %arg10[%get3A_470, %get3A_471] {strides = array<i32>} : memref<128x128xf32, #tpu.memory_space<vmem>>, vector<1x16xf32>,
        %get3A_473 = vector.shape_cast %get3A_472 : vector<1x16xf32> to vector<16xf32>
        %mul3A_474 = arith.mulf %get3A_473, %gather3A_455 : vector<16xf32>
        %swap3A_475 = arith.index_cast %add3A_459 : i32 to index
        %swap3A_476 = arith.constant 16 : index
        %swap3A_477 = tpu.vector_load %arg10[%swap3A_475, %swap3A_476] {strides = array<i32>} : memref<128x128xf32, #tpu.memory_space<vmem>>, vector<1x16xf32>,
        %swap3A_478 = vector.shape_cast %swap3A_477 : vector<1x16xf32> to vector<16xf32>
        %swap3A_479 = vector.shape_cast %mul3A_474 : vector<16xf32> to vector<1x16xf32>
        tpu.vector_store %arg10[%swap3A_475, %swap3A_476], %swap3A_479 {strides = array<i32>} : memref<128x128xf32, #tpu.memory_space<vmem>>, vector<1x16xf32>,
        %get3A_480 = arith.index_cast %add3A_459 : i32 to index
        %get3A_481 = arith.constant 32 : index
        %get3A_482 = tpu.vector_load %arg10[%get3A_480, %get3A_481] {strides = array<i32>} : memref<128x128xf32, #tpu.memory_space<vmem>>, vector<1x16xf32>,
        %get3A_483 = vector.shape_cast %get3A_482 : vector<1x16xf32> to vector<16xf32>
        %mul3A_484 = arith.mulf %get3A_483, %gather3A_455 : vector<16xf32>
        %swap3A_485 = arith.index_cast %add3A_459 : i32 to index
        %swap3A_486 = arith.constant 32 : index
        %swap3A_487 = tpu.vector_load %arg10[%swap3A_485, %swap3A_486] {strides = array<i32>} : memref<128x128xf32, #tpu.memory_space<vmem>>, vector<1x16xf32>,
        %swap3A_488 = vector.shape_cast %swap3A_487 : vector<1x16xf32> to vector<16xf32>
        %swap3A_489 = vector.shape_cast %mul3A_484 : vector<16xf32> to vector<1x16xf32>
        tpu.vector_store %arg10[%swap3A_485, %swap3A_486], %swap3A_489 {strides = array<i32>} : memref<128x128xf32, #tpu.memory_space<vmem>>, vector<1x16xf32>,
        %get3A_490 = arith.index_cast %add3A_459 : i32 to index
        %get3A_491 = arith.constant 48 : index
        %get3A_492 = tpu.vector_load %arg10[%get3A_490, %get3A_491] {strides = array<i32>} : memref<128x128xf32, #tpu.memory_space<vmem>>, vector<1x16xf32>,
        %get3A_493 = vector.shape_cast %get3A_492 : vector<1x16xf32> to vector<16xf32>
        %mul3A_494 = arith.mulf %get3A_493, %gather3A_455 : vector<16xf32>
        %swap3A_495 = arith.index_cast %add3A_459 : i32 to index
        %swap3A_496 = arith.constant 48 : index
        %swap3A_497 = tpu.vector_load %arg10[%swap3A_495, %swap3A_496] {strides = array<i32>} : memref<128x128xf32, #tpu.memory_space<vmem>>, vector<1x16xf32>,
        %swap3A_498 = vector.shape_cast %swap3A_497 : vector<1x16xf32> to vector<16xf32>
        %swap3A_499 = vector.shape_cast %mul3A_494 : vector<16xf32> to vector<1x16xf32>
        tpu.vector_store %arg10[%swap3A_495, %swap3A_496], %swap3A_499 {strides = array<i32>} : memref<128x128xf32, #tpu.memory_space<vmem>>, vector<1x16xf32>,
        %get3A_500 = arith.index_cast %add3A_459 : i32 to index
        %get3A_501 = arith.constant 64 : index
        %get3A_502 = tpu.vector_load %arg10[%get3A_500, %get3A_501] {strides = array<i32>} : memref<128x128xf32, #tpu.memory_space<vmem>>, vector<1x16xf32>,
        %get3A_503 = vector.shape_cast %get3A_502 : vector<1x16xf32> to vector<16xf32>
        %mul3A_504 = arith.mulf %get3A_503, %gather3A_455 : vector<16xf32>
        %swap3A_505 = arith.index_cast %add3A_459 : i32 to index
        %swap3A_506 = arith.constant 64 : index
        %swap3A_507 = tpu.vector_load %arg10[%swap3A_505, %swap3A_506] {strides = array<i32>} : memref<128x128xf32, #tpu.memory_space<vmem>>, vector<1x16xf32>,
        %swap3A_508 = vector.shape_cast %swap3A_507 : vector<1x16xf32> to vector<16xf32>
        %swap3A_509 = vector.shape_cast %mul3A_504 : vector<16xf32> to vector<1x16xf32>
        tpu.vector_store %arg10[%swap3A_505, %swap3A_506], %swap3A_509 {strides = array<i32>} : memref<128x128xf32, #tpu.memory_space<vmem>>, vector<1x16xf32>,
        %get3A_510 = arith.index_cast %add3A_459 : i32 to index
        %get3A_511 = arith.constant 80 : index
        %get3A_512 = tpu.vector_load %arg10[%get3A_510, %get3A_511] {strides = array<i32>} : memref<128x128xf32, #tpu.memory_space<vmem>>, vector<1x16xf32>,
        %get3A_513 = vector.shape_cast %get3A_512 : vector<1x16xf32> to vector<16xf32>
        %mul3A_514 = arith.mulf %get3A_513, %gather3A_455 : vector<16xf32>
        %swap3A_515 = arith.index_cast %add3A_459 : i32 to index
        %swap3A_516 = arith.constant 80 : index
        %swap3A_517 = tpu.vector_load %arg10[%swap3A_515, %swap3A_516] {strides = array<i32>} : memref<128x128xf32, #tpu.memory_space<vmem>>, vector<1x16xf32>,
        %swap3A_518 = vector.shape_cast %swap3A_517 : vector<1x16xf32> to vector<16xf32>
        %swap3A_519 = vector.shape_cast %mul3A_514 : vector<16xf32> to vector<1x16xf32>
        tpu.vector_store %arg10[%swap3A_515, %swap3A_516], %swap3A_519 {strides = array<i32>} : memref<128x128xf32, #tpu.memory_space<vmem>>, vector<1x16xf32>,
        %get3A_520 = arith.index_cast %add3A_459 : i32 to index
        %get3A_521 = arith.constant 96 : index
        %get3A_522 = tpu.vector_load %arg10[%get3A_520, %get3A_521] {strides = array<i32>} : memref<128x128xf32, #tpu.memory_space<vmem>>, vector<1x16xf32>,
        %get3A_523 = vector.shape_cast %get3A_522 : vector<1x16xf32> to vector<16xf32>
        %mul3A_524 = arith.mulf %get3A_523, %gather3A_455 : vector<16xf32>
        %swap3A_525 = arith.index_cast %add3A_459 : i32 to index
        %swap3A_526 = arith.constant 96 : index
        %swap3A_527 = tpu.vector_load %arg10[%swap3A_525, %swap3A_526] {strides = array<i32>} : memref<128x128xf32, #tpu.memory_space<vmem>>, vector<1x16xf32>,
        %swap3A_528 = vector.shape_cast %swap3A_527 : vector<1x16xf32> to vector<16xf32>
        %swap3A_529 = vector.shape_cast %mul3A_524 : vector<16xf32> to vector<1x16xf32>
        tpu.vector_store %arg10[%swap3A_525, %swap3A_526], %swap3A_529 {strides = array<i32>} : memref<128x128xf32, #tpu.memory_space<vmem>>, vector<1x16xf32>,
        %get3A_530 = arith.index_cast %add3A_459 : i32 to index
        %get3A_531 = arith.constant 112 : index
        %get3A_532 = tpu.vector_load %arg10[%get3A_530, %get3A_531] {strides = array<i32>} : memref<128x128xf32, #tpu.memory_space<vmem>>, vector<1x16xf32>,
        %get3A_533 = vector.shape_cast %get3A_532 : vector<1x16xf32> to vector<16xf32>
        %mul3A_534 = arith.mulf %get3A_533, %gather3A_455 : vector<16xf32>
        %swap3A_535 = arith.index_cast %add3A_459 : i32 to index
        %swap3A_536 = arith.constant 112 : index
        %swap3A_537 = tpu.vector_load %arg10[%swap3A_535, %swap3A_536] {strides = array<i32>} : memref<128x128xf32, #tpu.memory_space<vmem>>, vector<1x16xf32>,
        %swap3A_538 = vector.shape_cast %swap3A_537 : vector<1x16xf32> to vector<16xf32>
        %swap3A_539 = vector.shape_cast %mul3A_534 : vector<16xf32> to vector<1x16xf32>
        tpu.vector_store %arg10[%swap3A_535, %swap3A_536], %swap3A_539 {strides = array<i32>} : memref<128x128xf32, #tpu.memory_space<vmem>>, vector<1x16xf32>,
        %broadcast_in_dim3A_540 = arith.constant 5 : i32
        %broadcast_in_dim3A_541 = vector.broadcast %broadcast_in_dim3A_540 : i32 to vector<16xi32>
        %lt3A_542 = arith.constant 0 : i32
        %lt3A_543 = vector.broadcast %lt3A_542 : i32 to vector<16xi32>
        %lt3A_544 = arith.cmpi slt, %broadcast_in_dim3A_541, %lt3A_543 : vector<16xi32>
        %add3A_545 = arith.constant 16 : i32
        %add3A_546 = vector.broadcast %add3A_545 : i32 to vector<16xi32>
        %add3A_547 = arith.addi %broadcast_in_dim3A_541, %add3A_546 : vector<16xi32>
        %select_n3A_548 = arith.select %lt3A_544, %add3A_547, %broadcast_in_dim3A_541 : vector<16xi1>, vector<16xi32>
        %broadcast_in_dim3A_549 = vector.shape_cast %select_n3A_548 : vector<16xi32> to vector<16x1xi32>
        %gather3A_550 = vector.shape_cast %broadcast_in_dim3A_549 : vector<16x1xi32> to vector<16xi32>
        %gather3A_551 = tpu.dynamic_gather %get3A_62[%gather3A_550] in [0] : vector<16xf32>, vector<16xi32> -> vector<16xf32>
        %mul3A_552 = arith.constant 16 : i32
        %mul3A_553 = arith.muli %scan3A_57, %mul3A_552 : i32
        %add3A_554 = arith.constant 5 : i32
        %add3A_555 = arith.addi %mul3A_553, %add3A_554 : i32
        %get3A_556 = arith.index_cast %add3A_555 : i32 to index
        %get3A_557 = arith.constant 0 : index
        %get3A_558 = tpu.vector_load %arg10[%get3A_556, %get3A_557] {strides = array<i32>} : memref<128x128xf32, #tpu.memory_space<vmem>>, vector<1x16xf32>,
        %get3A_559 = vector.shape_cast %get3A_558 : vector<1x16xf32> to vector<16xf32>
        %mul3A_560 = arith.mulf %get3A_559, %gather3A_551 : vector<16xf32>
        %swap3A_561 = arith.index_cast %add3A_555 : i32 to index
        %swap3A_562 = arith.constant 0 : index
        %swap3A_563 = tpu.vector_load %arg10[%swap3A_561, %swap3A_562] {strides = array<i32>} : memref<128x128xf32, #tpu.memory_space<vmem>>, vector<1x16xf32>,
        %swap3A_564 = vector.shape_cast %swap3A_563 : vector<1x16xf32> to vector<16xf32>
        %swap3A_565 = vector.shape_cast %mul3A_560 : vector<16xf32> to vector<1x16xf32>
        tpu.vector_store %arg10[%swap3A_561, %swap3A_562], %swap3A_565 {strides = array<i32>} : memref<128x128xf32, #tpu.memory_space<vmem>>, vector<1x16xf32>,
        %get3A_566 = arith.index_cast %add3A_555 : i32 to index
        %get3A_567 = arith.constant 16 : index
        %get3A_568 = tpu.vector_load %arg10[%get3A_566, %get3A_567] {strides = array<i32>} : memref<128x128xf32, #tpu.memory_space<vmem>>, vector<1x16xf32>,
        %get3A_569 = vector.shape_cast %get3A_568 : vector<1x16xf32> to vector<16xf32>
        %mul3A_570 = arith.mulf %get3A_569, %gather3A_551 : vector<16xf32>
        %swap3A_571 = arith.index_cast %add3A_555 : i32 to index
        %swap3A_572 = arith.constant 16 : index
        %swap3A_573 = tpu.vector_load %arg10[%swap3A_571, %swap3A_572] {strides = array<i32>} : memref<128x128xf32, #tpu.memory_space<vmem>>, vector<1x16xf32>,
        %swap3A_574 = vector.shape_cast %swap3A_573 : vector<1x16xf32> to vector<16xf32>
        %swap3A_575 = vector.shape_cast %mul3A_570 : vector<16xf32> to vector<1x16xf32>
        tpu.vector_store %arg10[%swap3A_571, %swap3A_572], %swap3A_575 {strides = array<i32>} : memref<128x128xf32, #tpu.memory_space<vmem>>, vector<1x16xf32>,
        %get3A_576 = arith.index_cast %add3A_555 : i32 to index
        %get3A_577 = arith.constant 32 : index
        %get3A_578 = tpu.vector_load %arg10[%get3A_576, %get3A_577] {strides = array<i32>} : memref<128x128xf32, #tpu.memory_space<vmem>>, vector<1x16xf32>,
        %get3A_579 = vector.shape_cast %get3A_578 : vector<1x16xf32> to vector<16xf32>
        %mul3A_580 = arith.mulf %get3A_579, %gather3A_551 : vector<16xf32>
        %swap3A_581 = arith.index_cast %add3A_555 : i32 to index
        %swap3A_582 = arith.constant 32 : index
        %swap3A_583 = tpu.vector_load %arg10[%swap3A_581, %swap3A_582] {strides = array<i32>} : memref<128x128xf32, #tpu.memory_space<vmem>>, vector<1x16xf32>,
        %swap3A_584 = vector.shape_cast %swap3A_583 : vector<1x16xf32> to vector<16xf32>
        %swap3A_585 = vector.shape_cast %mul3A_580 : vector<16xf32> to vector<1x16xf32>
        tpu.vector_store %arg10[%swap3A_581, %swap3A_582], %swap3A_585 {strides = array<i32>} : memref<128x128xf32, #tpu.memory_space<vmem>>, vector<1x16xf32>,
        %get3A_586 = arith.index_cast %add3A_555 : i32 to index
        %get3A_587 = arith.constant 48 : index
        %get3A_588 = tpu.vector_load %arg10[%get3A_586, %get3A_587] {strides = array<i32>} : memref<128x128xf32, #tpu.memory_space<vmem>>, vector<1x16xf32>,
        %get3A_589 = vector.shape_cast %get3A_588 : vector<1x16xf32> to vector<16xf32>
        %mul3A_590 = arith.mulf %get3A_589, %gather3A_551 : vector<16xf32>
        %swap3A_591 = arith.index_cast %add3A_555 : i32 to index
        %swap3A_592 = arith.constant 48 : index
        %swap3A_593 = tpu.vector_load %arg10[%swap3A_591, %swap3A_592] {strides = array<i32>} : memref<128x128xf32, #tpu.memory_space<vmem>>, vector<1x16xf32>,
        %swap3A_594 = vector.shape_cast %swap3A_593 : vector<1x16xf32> to vector<16xf32>
        %swap3A_595 = vector.shape_cast %mul3A_590 : vector<16xf32> to vector<1x16xf32>
        tpu.vector_store %arg10[%swap3A_591, %swap3A_592], %swap3A_595 {strides = array<i32>} : memref<128x128xf32, #tpu.memory_space<vmem>>, vector<1x16xf32>,
        %get3A_596 = arith.index_cast %add3A_555 : i32 to index
        %get3A_597 = arith.constant 64 : index
        %get3A_598 = tpu.vector_load %arg10[%get3A_596, %get3A_597] {strides = array<i32>} : memref<128x128xf32, #tpu.memory_space<vmem>>, vector<1x16xf32>,
        %get3A_599 = vector.shape_cast %get3A_598 : vector<1x16xf32> to vector<16xf32>
        %mul3A_600 = arith.mulf %get3A_599, %gather3A_551 : vector<16xf32>
        %swap3A_601 = arith.index_cast %add3A_555 : i32 to index
        %swap3A_602 = arith.constant 64 : index
        %swap3A_603 = tpu.vector_load %arg10[%swap3A_601, %swap3A_602] {strides = array<i32>} : memref<128x128xf32, #tpu.memory_space<vmem>>, vector<1x16xf32>,
        %swap3A_604 = vector.shape_cast %swap3A_603 : vector<1x16xf32> to vector<16xf32>
        %swap3A_605 = vector.shape_cast %mul3A_600 : vector<16xf32> to vector<1x16xf32>
        tpu.vector_store %arg10[%swap3A_601, %swap3A_602], %swap3A_605 {strides = array<i32>} : memref<128x128xf32, #tpu.memory_space<vmem>>, vector<1x16xf32>,
        %get3A_606 = arith.index_cast %add3A_555 : i32 to index
        %get3A_607 = arith.constant 80 : index
        %get3A_608 = tpu.vector_load %arg10[%get3A_606, %get3A_607] {strides = array<i32>} : memref<128x128xf32, #tpu.memory_space<vmem>>, vector<1x16xf32>,
        %get3A_609 = vector.shape_cast %get3A_608 : vector<1x16xf32> to vector<16xf32>
        %mul3A_610 = arith.mulf %get3A_609, %gather3A_551 : vector<16xf32>
        %swap3A_611 = arith.index_cast %add3A_555 : i32 to index
        %swap3A_612 = arith.constant 80 : index
        %swap3A_613 = tpu.vector_load %arg10[%swap3A_611, %swap3A_612] {strides = array<i32>} : memref<128x128xf32, #tpu.memory_space<vmem>>, vector<1x16xf32>,
        %swap3A_614 = vector.shape_cast %swap3A_613 : vector<1x16xf32> to vector<16xf32>
        %swap3A_615 = vector.shape_cast %mul3A_610 : vector<16xf32> to vector<1x16xf32>
        tpu.vector_store %arg10[%swap3A_611, %swap3A_612], %swap3A_615 {strides = array<i32>} : memref<128x128xf32, #tpu.memory_space<vmem>>, vector<1x16xf32>,
        %get3A_616 = arith.index_cast %add3A_555 : i32 to index
        %get3A_617 = arith.constant 96 : index
        %get3A_618 = tpu.vector_load %arg10[%get3A_616, %get3A_617] {strides = array<i32>} : memref<128x128xf32, #tpu.memory_space<vmem>>, vector<1x16xf32>,
        %get3A_619 = vector.shape_cast %get3A_618 : vector<1x16xf32> to vector<16xf32>
        %mul3A_620 = arith.mulf %get3A_619, %gather3A_551 : vector<16xf32>
        %swap3A_621 = arith.index_cast %add3A_555 : i32 to index
        %swap3A_622 = arith.constant 96 : index
        %swap3A_623 = tpu.vector_load %arg10[%swap3A_621, %swap3A_622] {strides = array<i32>} : memref<128x128xf32, #tpu.memory_space<vmem>>, vector<1x16xf32>,
        %swap3A_624 = vector.shape_cast %swap3A_623 : vector<1x16xf32> to vector<16xf32>
        %swap3A_625 = vector.shape_cast %mul3A_620 : vector<16xf32> to vector<1x16xf32>
        tpu.vector_store %arg10[%swap3A_621, %swap3A_622], %swap3A_625 {strides = array<i32>} : memref<128x128xf32, #tpu.memory_space<vmem>>, vector<1x16xf32>,
        %get3A_626 = arith.index_cast %add3A_555 : i32 to index
        %get3A_627 = arith.constant 112 : index
        %get3A_628 = tpu.vector_load %arg10[%get3A_626, %get3A_627] {strides = array<i32>} : memref<128x128xf32, #tpu.memory_space<vmem>>, vector<1x16xf32>,
        %get3A_629 = vector.shape_cast %get3A_628 : vector<1x16xf32> to vector<16xf32>
        %mul3A_630 = arith.mulf %get3A_629, %gather3A_551 : vector<16xf32>
        %swap3A_631 = arith.index_cast %add3A_555 : i32 to index
        %swap3A_632 = arith.constant 112 : index
        %swap3A_633 = tpu.vector_load %arg10[%swap3A_631, %swap3A_632] {strides = array<i32>} : memref<128x128xf32, #tpu.memory_space<vmem>>, vector<1x16xf32>,
        %swap3A_634 = vector.shape_cast %swap3A_633 : vector<1x16xf32> to vector<16xf32>
        %swap3A_635 = vector.shape_cast %mul3A_630 : vector<16xf32> to vector<1x16xf32>
        tpu.vector_store %arg10[%swap3A_631, %swap3A_632], %swap3A_635 {strides = array<i32>} : memref<128x128xf32, #tpu.memory_space<vmem>>, vector<1x16xf32>,
        %broadcast_in_dim3A_636 = arith.constant 6 : i32
        %broadcast_in_dim3A_637 = vector.broadcast %broadcast_in_dim3A_636 : i32 to vector<16xi32>
        %lt3A_638 = arith.constant 0 : i32
        %lt3A_639 = vector.broadcast %lt3A_638 : i32 to vector<16xi32>
        %lt3A_640 = arith.cmpi slt, %broadcast_in_dim3A_637, %lt3A_639 : vector<16xi32>
        %add3A_641 = arith.constant 16 : i32
        %add3A_642 = vector.broadcast %add3A_641 : i32 to vector<16xi32>
        %add3A_643 = arith.addi %broadcast_in_dim3A_637, %add3A_642 : vector<16xi32>
        %select_n3A_644 = arith.select %lt3A_640, %add3A_643, %broadcast_in_dim3A_637 : vector<16xi1>, vector<16xi32>
        %broadcast_in_dim3A_645 = vector.shape_cast %select_n3A_644 : vector<16xi32> to vector<16x1xi32>
        %gather3A_646 = vector.shape_cast %broadcast_in_dim3A_645 : vector<16x1xi32> to vector<16xi32>
        %gather3A_647 = tpu.dynamic_gather %get3A_62[%gather3A_646] in [0] : vector<16xf32>, vector<16xi32> -> vector<16xf32>
        %mul3A_648 = arith.constant 16 : i32
        %mul3A_649 = arith.muli %scan3A_57, %mul3A_648 : i32
        %add3A_650 = arith.constant 6 : i32
        %add3A_651 = arith.addi %mul3A_649, %add3A_650 : i32
        %get3A_652 = arith.index_cast %add3A_651 : i32 to index
        %get3A_653 = arith.constant 0 : index
        %get3A_654 = tpu.vector_load %arg10[%get3A_652, %get3A_653] {strides = array<i32>} : memref<128x128xf32, #tpu.memory_space<vmem>>, vector<1x16xf32>,
        %get3A_655 = vector.shape_cast %get3A_654 : vector<1x16xf32> to vector<16xf32>
        %mul3A_656 = arith.mulf %get3A_655, %gather3A_647 : vector<16xf32>
        %swap3A_657 = arith.index_cast %add3A_651 : i32 to index
        %swap3A_658 = arith.constant 0 : index
        %swap3A_659 = tpu.vector_load %arg10[%swap3A_657, %swap3A_658] {strides = array<i32>} : memref<128x128xf32, #tpu.memory_space<vmem>>, vector<1x16xf32>,
        %swap3A_660 = vector.shape_cast %swap3A_659 : vector<1x16xf32> to vector<16xf32>
        %swap3A_661 = vector.shape_cast %mul3A_656 : vector<16xf32> to vector<1x16xf32>
        tpu.vector_store %arg10[%swap3A_657, %swap3A_658], %swap3A_661 {strides = array<i32>} : memref<128x128xf32, #tpu.memory_space<vmem>>, vector<1x16xf32>,
        %get3A_662 = arith.index_cast %add3A_651 : i32 to index
        %get3A_663 = arith.constant 16 : index
        %get3A_664 = tpu.vector_load %arg10[%get3A_662, %get3A_663] {strides = array<i32>} : memref<128x128xf32, #tpu.memory_space<vmem>>, vector<1x16xf32>,
        %get3A_665 = vector.shape_cast %get3A_664 : vector<1x16xf32> to vector<16xf32>
        %mul3A_666 = arith.mulf %get3A_665, %gather3A_647 : vector<16xf32>
        %swap3A_667 = arith.index_cast %add3A_651 : i32 to index
        %swap3A_668 = arith.constant 16 : index
        %swap3A_669 = tpu.vector_load %arg10[%swap3A_667, %swap3A_668] {strides = array<i32>} : memref<128x128xf32, #tpu.memory_space<vmem>>, vector<1x16xf32>,
        %swap3A_670 = vector.shape_cast %swap3A_669 : vector<1x16xf32> to vector<16xf32>
        %swap3A_671 = vector.shape_cast %mul3A_666 : vector<16xf32> to vector<1x16xf32>
        tpu.vector_store %arg10[%swap3A_667, %swap3A_668], %swap3A_671 {strides = array<i32>} : memref<128x128xf32, #tpu.memory_space<vmem>>, vector<1x16xf32>,
        %get3A_672 = arith.index_cast %add3A_651 : i32 to index
        %get3A_673 = arith.constant 32 : index
        %get3A_674 = tpu.vector_load %arg10[%get3A_672, %get3A_673] {strides = array<i32>} : memref<128x128xf32, #tpu.memory_space<vmem>>, vector<1x16xf32>,
        %get3A_675 = vector.shape_cast %get3A_674 : vector<1x16xf32> to vector<16xf32>
        %mul3A_676 = arith.mulf %get3A_675, %gather3A_647 : vector<16xf32>
        %swap3A_677 = arith.index_cast %add3A_651 : i32 to index
        %swap3A_678 = arith.constant 32 : index
        %swap3A_679 = tpu.vector_load %arg10[%swap3A_677, %swap3A_678] {strides = array<i32>} : memref<128x128xf32, #tpu.memory_space<vmem>>, vector<1x16xf32>,
        %swap3A_680 = vector.shape_cast %swap3A_679 : vector<1x16xf32> to vector<16xf32>
        %swap3A_681 = vector.shape_cast %mul3A_676 : vector<16xf32> to vector<1x16xf32>
        tpu.vector_store %arg10[%swap3A_677, %swap3A_678], %swap3A_681 {strides = array<i32>} : memref<128x128xf32, #tpu.memory_space<vmem>>, vector<1x16xf32>,
        %get3A_682 = arith.index_cast %add3A_651 : i32 to index
        %get3A_683 = arith.constant 48 : index
        %get3A_684 = tpu.vector_load %arg10[%get3A_682, %get3A_683] {strides = array<i32>} : memref<128x128xf32, #tpu.memory_space<vmem>>, vector<1x16xf32>,
        %get3A_685 = vector.shape_cast %get3A_684 : vector<1x16xf32> to vector<16xf32>
        %mul3A_686 = arith.mulf %get3A_685, %gather3A_647 : vector<16xf32>
        %swap3A_687 = arith.index_cast %add3A_651 : i32 to index
        %swap3A_688 = arith.constant 48 : index
        %swap3A_689 = tpu.vector_load %arg10[%swap3A_687, %swap3A_688] {strides = array<i32>} : memref<128x128xf32, #tpu.memory_space<vmem>>, vector<1x16xf32>,
        %swap3A_690 = vector.shape_cast %swap3A_689 : vector<1x16xf32> to vector<16xf32>
        %swap3A_691 = vector.shape_cast %mul3A_686 : vector<16xf32> to vector<1x16xf32>
        tpu.vector_store %arg10[%swap3A_687, %swap3A_688], %swap3A_691 {strides = array<i32>} : memref<128x128xf32, #tpu.memory_space<vmem>>, vector<1x16xf32>,
        %get3A_692 = arith.index_cast %add3A_651 : i32 to index
        %get3A_693 = arith.constant 64 : index
        %get3A_694 = tpu.vector_load %arg10[%get3A_692, %get3A_693] {strides = array<i32>} : memref<128x128xf32, #tpu.memory_space<vmem>>, vector<1x16xf32>,
        %get3A_695 = vector.shape_cast %get3A_694 : vector<1x16xf32> to vector<16xf32>
        %mul3A_696 = arith.mulf %get3A_695, %gather3A_647 : vector<16xf32>
        %swap3A_697 = arith.index_cast %add3A_651 : i32 to index
        %swap3A_698 = arith.constant 64 : index
        %swap3A_699 = tpu.vector_load %arg10[%swap3A_697, %swap3A_698] {strides = array<i32>} : memref<128x128xf32, #tpu.memory_space<vmem>>, vector<1x16xf32>,
        %swap3A_700 = vector.shape_cast %swap3A_699 : vector<1x16xf32> to vector<16xf32>
        %swap3A_701 = vector.shape_cast %mul3A_696 : vector<16xf32> to vector<1x16xf32>
        tpu.vector_store %arg10[%swap3A_697, %swap3A_698], %swap3A_701 {strides = array<i32>} : memref<128x128xf32, #tpu.memory_space<vmem>>, vector<1x16xf32>,
        %get3A_702 = arith.index_cast %add3A_651 : i32 to index
        %get3A_703 = arith.constant 80 : index
        %get3A_704 = tpu.vector_load %arg10[%get3A_702, %get3A_703] {strides = array<i32>} : memref<128x128xf32, #tpu.memory_space<vmem>>, vector<1x16xf32>,
        %get3A_705 = vector.shape_cast %get3A_704 : vector<1x16xf32> to vector<16xf32>
        %mul3A_706 = arith.mulf %get3A_705, %gather3A_647 : vector<16xf32>
        %swap3A_707 = arith.index_cast %add3A_651 : i32 to index
        %swap3A_708 = arith.constant 80 : index
        %swap3A_709 = tpu.vector_load %arg10[%swap3A_707, %swap3A_708] {strides = array<i32>} : memref<128x128xf32, #tpu.memory_space<vmem>>, vector<1x16xf32>,
        %swap3A_710 = vector.shape_cast %swap3A_709 : vector<1x16xf32> to vector<16xf32>
        %swap3A_711 = vector.shape_cast %mul3A_706 : vector<16xf32> to vector<1x16xf32>
        tpu.vector_store %arg10[%swap3A_707, %swap3A_708], %swap3A_711 {strides = array<i32>} : memref<128x128xf32, #tpu.memory_space<vmem>>, vector<1x16xf32>,
        %get3A_712 = arith.index_cast %add3A_651 : i32 to index
        %get3A_713 = arith.constant 96 : index
        %get3A_714 = tpu.vector_load %arg10[%get3A_712, %get3A_713] {strides = array<i32>} : memref<128x128xf32, #tpu.memory_space<vmem>>, vector<1x16xf32>,
        %get3A_715 = vector.shape_cast %get3A_714 : vector<1x16xf32> to vector<16xf32>
        %mul3A_716 = arith.mulf %get3A_715, %gather3A_647 : vector<16xf32>
        %swap3A_717 = arith.index_cast %add3A_651 : i32 to index
        %swap3A_718 = arith.constant 96 : index
        %swap3A_719 = tpu.vector_load %arg10[%swap3A_717, %swap3A_718] {strides = array<i32>} : memref<128x128xf32, #tpu.memory_space<vmem>>, vector<1x16xf32>,
        %swap3A_720 = vector.shape_cast %swap3A_719 : vector<1x16xf32> to vector<16xf32>
        %swap3A_721 = vector.shape_cast %mul3A_716 : vector<16xf32> to vector<1x16xf32>
        tpu.vector_store %arg10[%swap3A_717, %swap3A_718], %swap3A_721 {strides = array<i32>} : memref<128x128xf32, #tpu.memory_space<vmem>>, vector<1x16xf32>,
        %get3A_722 = arith.index_cast %add3A_651 : i32 to index
        %get3A_723 = arith.constant 112 : index
        %get3A_724 = tpu.vector_load %arg10[%get3A_722, %get3A_723] {strides = array<i32>} : memref<128x128xf32, #tpu.memory_space<vmem>>, vector<1x16xf32>,
        %get3A_725 = vector.shape_cast %get3A_724 : vector<1x16xf32> to vector<16xf32>
        %mul3A_726 = arith.mulf %get3A_725, %gather3A_647 : vector<16xf32>
        %swap3A_727 = arith.index_cast %add3A_651 : i32 to index
        %swap3A_728 = arith.constant 112 : index
        %swap3A_729 = tpu.vector_load %arg10[%swap3A_727, %swap3A_728] {strides = array<i32>} : memref<128x128xf32, #tpu.memory_space<vmem>>, vector<1x16xf32>,
        %swap3A_730 = vector.shape_cast %swap3A_729 : vector<1x16xf32> to vector<16xf32>
        %swap3A_731 = vector.shape_cast %mul3A_726 : vector<16xf32> to vector<1x16xf32>
        tpu.vector_store %arg10[%swap3A_727, %swap3A_728], %swap3A_731 {strides = array<i32>} : memref<128x128xf32, #tpu.memory_space<vmem>>, vector<1x16xf32>,
        %broadcast_in_dim3A_732 = arith.constant 7 : i32
        %broadcast_in_dim3A_733 = vector.broadcast %broadcast_in_dim3A_732 : i32 to vector<16xi32>
        %lt3A_734 = arith.constant 0 : i32
        %lt3A_735 = vector.broadcast %lt3A_734 : i32 to vector<16xi32>
        %lt3A_736 = arith.cmpi slt, %broadcast_in_dim3A_733, %lt3A_735 : vector<16xi32>
        %add3A_737 = arith.constant 16 : i32
        %add3A_738 = vector.broadcast %add3A_737 : i32 to vector<16xi32>
        %add3A_739 = arith.addi %broadcast_in_dim3A_733, %add3A_738 : vector<16xi32>
        %select_n3A_740 = arith.select %lt3A_736, %add3A_739, %broadcast_in_dim3A_733 : vector<16xi1>, vector<16xi32>
        %broadcast_in_dim3A_741 = vector.shape_cast %select_n3A_740 : vector<16xi32> to vector<16x1xi32>
        %gather3A_742 = vector.shape_cast %broadcast_in_dim3A_741 : vector<16x1xi32> to vector<16xi32>
        %gather3A_743 = tpu.dynamic_gather %get3A_62[%gather3A_742] in [0] : vector<16xf32>, vector<16xi32> -> vector<16xf32>
        %mul3A_744 = arith.constant 16 : i32
        %mul3A_745 = arith.muli %scan3A_57, %mul3A_744 : i32
        %add3A_746 = arith.constant 7 : i32
        %add3A_747 = arith.addi %mul3A_745, %add3A_746 : i32
        %get3A_748 = arith.index_cast %add3A_747 : i32 to index
        %get3A_749 = arith.constant 0 : index
        %get3A_750 = tpu.vector_load %arg10[%get3A_748, %get3A_749] {strides = array<i32>} : memref<128x128xf32, #tpu.memory_space<vmem>>, vector<1x16xf32>,
        %get3A_751 = vector.shape_cast %get3A_750 : vector<1x16xf32> to vector<16xf32>
        %mul3A_752 = arith.mulf %get3A_751, %gather3A_743 : vector<16xf32>
        %swap3A_753 = arith.index_cast %add3A_747 : i32 to index
        %swap3A_754 = arith.constant 0 : index
        %swap3A_755 = tpu.vector_load %arg10[%swap3A_753, %swap3A_754] {strides = array<i32>} : memref<128x128xf32, #tpu.memory_space<vmem>>, vector<1x16xf32>,
        %swap3A_756 = vector.shape_cast %swap3A_755 : vector<1x16xf32> to vector<16xf32>
        %swap3A_757 = vector.shape_cast %mul3A_752 : vector<16xf32> to vector<1x16xf32>
        tpu.vector_store %arg10[%swap3A_753, %swap3A_754], %swap3A_757 {strides = array<i32>} : memref<128x128xf32, #tpu.memory_space<vmem>>, vector<1x16xf32>,
        %get3A_758 = arith.index_cast %add3A_747 : i32 to index
        %get3A_759 = arith.constant 16 : index
        %get3A_760 = tpu.vector_load %arg10[%get3A_758, %get3A_759] {strides = array<i32>} : memref<128x128xf32, #tpu.memory_space<vmem>>, vector<1x16xf32>,
        %get3A_761 = vector.shape_cast %get3A_760 : vector<1x16xf32> to vector<16xf32>
        %mul3A_762 = arith.mulf %get3A_761, %gather3A_743 : vector<16xf32>
        %swap3A_763 = arith.index_cast %add3A_747 : i32 to index
        %swap3A_764 = arith.constant 16 : index
        %swap3A_765 = tpu.vector_load %arg10[%swap3A_763, %swap3A_764] {strides = array<i32>} : memref<128x128xf32, #tpu.memory_space<vmem>>, vector<1x16xf32>,
        %swap3A_766 = vector.shape_cast %swap3A_765 : vector<1x16xf32> to vector<16xf32>
        %swap3A_767 = vector.shape_cast %mul3A_762 : vector<16xf32> to vector<1x16xf32>
        tpu.vector_store %arg10[%swap3A_763, %swap3A_764], %swap3A_767 {strides = array<i32>} : memref<128x128xf32, #tpu.memory_space<vmem>>, vector<1x16xf32>,
        %get3A_768 = arith.index_cast %add3A_747 : i32 to index
        %get3A_769 = arith.constant 32 : index
        %get3A_770 = tpu.vector_load %arg10[%get3A_768, %get3A_769] {strides = array<i32>} : memref<128x128xf32, #tpu.memory_space<vmem>>, vector<1x16xf32>,
        %get3A_771 = vector.shape_cast %get3A_770 : vector<1x16xf32> to vector<16xf32>
        %mul3A_772 = arith.mulf %get3A_771, %gather3A_743 : vector<16xf32>
        %swap3A_773 = arith.index_cast %add3A_747 : i32 to index
        %swap3A_774 = arith.constant 32 : index
        %swap3A_775 = tpu.vector_load %arg10[%swap3A_773, %swap3A_774] {strides = array<i32>} : memref<128x128xf32, #tpu.memory_space<vmem>>, vector<1x16xf32>,
        %swap3A_776 = vector.shape_cast %swap3A_775 : vector<1x16xf32> to vector<16xf32>
        %swap3A_777 = vector.shape_cast %mul3A_772 : vector<16xf32> to vector<1x16xf32>
        tpu.vector_store %arg10[%swap3A_773, %swap3A_774], %swap3A_777 {strides = array<i32>} : memref<128x128xf32, #tpu.memory_space<vmem>>, vector<1x16xf32>,
        %get3A_778 = arith.index_cast %add3A_747 : i32 to index
        %get3A_779 = arith.constant 48 : index
        %get3A_780 = tpu.vector_load %arg10[%get3A_778, %get3A_779] {strides = array<i32>} : memref<128x128xf32, #tpu.memory_space<vmem>>, vector<1x16xf32>,
        %get3A_781 = vector.shape_cast %get3A_780 : vector<1x16xf32> to vector<16xf32>
        %mul3A_782 = arith.mulf %get3A_781, %gather3A_743 : vector<16xf32>
        %swap3A_783 = arith.index_cast %add3A_747 : i32 to index
        %swap3A_784 = arith.constant 48 : index
        %swap3A_785 = tpu.vector_load %arg10[%swap3A_783, %swap3A_784] {strides = array<i32>} : memref<128x128xf32, #tpu.memory_space<vmem>>, vector<1x16xf32>,
        %swap3A_786 = vector.shape_cast %swap3A_785 : vector<1x16xf32> to vector<16xf32>
        %swap3A_787 = vector.shape_cast %mul3A_782 : vector<16xf32> to vector<1x16xf32>
        tpu.vector_store %arg10[%swap3A_783, %swap3A_784], %swap3A_787 {strides = array<i32>} : memref<128x128xf32, #tpu.memory_space<vmem>>, vector<1x16xf32>,
        %get3A_788 = arith.index_cast %add3A_747 : i32 to index
        %get3A_789 = arith.constant 64 : index
        %get3A_790 = tpu.vector_load %arg10[%get3A_788, %get3A_789] {strides = array<i32>} : memref<128x128xf32, #tpu.memory_space<vmem>>, vector<1x16xf32>,
        %get3A_791 = vector.shape_cast %get3A_790 : vector<1x16xf32> to vector<16xf32>
        %mul3A_792 = arith.mulf %get3A_791, %gather3A_743 : vector<16xf32>
        %swap3A_793 = arith.index_cast %add3A_747 : i32 to index
        %swap3A_794 = arith.constant 64 : index
        %swap3A_795 = tpu.vector_load %arg10[%swap3A_793, %swap3A_794] {strides = array<i32>} : memref<128x128xf32, #tpu.memory_space<vmem>>, vector<1x16xf32>,
        %swap3A_796 = vector.shape_cast %swap3A_795 : vector<1x16xf32> to vector<16xf32>
        %swap3A_797 = vector.shape_cast %mul3A_792 : vector<16xf32> to vector<1x16xf32>
        tpu.vector_store %arg10[%swap3A_793, %swap3A_794], %swap3A_797 {strides = array<i32>} : memref<128x128xf32, #tpu.memory_space<vmem>>, vector<1x16xf32>,
        %get3A_798 = arith.index_cast %add3A_747 : i32 to index
        %get3A_799 = arith.constant 80 : index
        %get3A_800 = tpu.vector_load %arg10[%get3A_798, %get3A_799] {strides = array<i32>} : memref<128x128xf32, #tpu.memory_space<vmem>>, vector<1x16xf32>,
        %get3A_801 = vector.shape_cast %get3A_800 : vector<1x16xf32> to vector<16xf32>
        %mul3A_802 = arith.mulf %get3A_801, %gather3A_743 : vector<16xf32>
        %swap3A_803 = arith.index_cast %add3A_747 : i32 to index
        %swap3A_804 = arith.constant 80 : index
        %swap3A_805 = tpu.vector_load %arg10[%swap3A_803, %swap3A_804] {strides = array<i32>} : memref<128x128xf32, #tpu.memory_space<vmem>>, vector<1x16xf32>,
        %swap3A_806 = vector.shape_cast %swap3A_805 : vector<1x16xf32> to vector<16xf32>
        %swap3A_807 = vector.shape_cast %mul3A_802 : vector<16xf32> to vector<1x16xf32>
        tpu.vector_store %arg10[%swap3A_803, %swap3A_804], %swap3A_807 {strides = array<i32>} : memref<128x128xf32, #tpu.memory_space<vmem>>, vector<1x16xf32>,
        %get3A_808 = arith.index_cast %add3A_747 : i32 to index
        %get3A_809 = arith.constant 96 : index
        %get3A_810 = tpu.vector_load %arg10[%get3A_808, %get3A_809] {strides = array<i32>} : memref<128x128xf32, #tpu.memory_space<vmem>>, vector<1x16xf32>,
        %get3A_811 = vector.shape_cast %get3A_810 : vector<1x16xf32> to vector<16xf32>
        %mul3A_812 = arith.mulf %get3A_811, %gather3A_743 : vector<16xf32>
        %swap3A_813 = arith.index_cast %add3A_747 : i32 to index
        %swap3A_814 = arith.constant 96 : index
        %swap3A_815 = tpu.vector_load %arg10[%swap3A_813, %swap3A_814] {strides = array<i32>} : memref<128x128xf32, #tpu.memory_space<vmem>>, vector<1x16xf32>,
        %swap3A_816 = vector.shape_cast %swap3A_815 : vector<1x16xf32> to vector<16xf32>
        %swap3A_817 = vector.shape_cast %mul3A_812 : vector<16xf32> to vector<1x16xf32>
        tpu.vector_store %arg10[%swap3A_813, %swap3A_814], %swap3A_817 {strides = array<i32>} : memref<128x128xf32, #tpu.memory_space<vmem>>, vector<1x16xf32>,
        %get3A_818 = arith.index_cast %add3A_747 : i32 to index
        %get3A_819 = arith.constant 112 : index
        %get3A_820 = tpu.vector_load %arg10[%get3A_818, %get3A_819] {strides = array<i32>} : memref<128x128xf32, #tpu.memory_space<vmem>>, vector<1x16xf32>,
        %get3A_821 = vector.shape_cast %get3A_820 : vector<1x16xf32> to vector<16xf32>
        %mul3A_822 = arith.mulf %get3A_821, %gather3A_743 : vector<16xf32>
        %swap3A_823 = arith.index_cast %add3A_747 : i32 to index
        %swap3A_824 = arith.constant 112 : index
        %swap3A_825 = tpu.vector_load %arg10[%swap3A_823, %swap3A_824] {strides = array<i32>} : memref<128x128xf32, #tpu.memory_space<vmem>>, vector<1x16xf32>,
        %swap3A_826 = vector.shape_cast %swap3A_825 : vector<1x16xf32> to vector<16xf32>
        %swap3A_827 = vector.shape_cast %mul3A_822 : vector<16xf32> to vector<1x16xf32>
        tpu.vector_store %arg10[%swap3A_823, %swap3A_824], %swap3A_827 {strides = array<i32>} : memref<128x128xf32, #tpu.memory_space<vmem>>, vector<1x16xf32>,
        %broadcast_in_dim3A_828 = arith.constant 8 : i32
        %broadcast_in_dim3A_829 = vector.broadcast %broadcast_in_dim3A_828 : i32 to vector<16xi32>
        %lt3A_830 = arith.constant 0 : i32
        %lt3A_831 = vector.broadcast %lt3A_830 : i32 to vector<16xi32>
        %lt3A_832 = arith.cmpi slt, %broadcast_in_dim3A_829, %lt3A_831 : vector<16xi32>
        %add3A_833 = arith.constant 16 : i32
        %add3A_834 = vector.broadcast %add3A_833 : i32 to vector<16xi32>
        %add3A_835 = arith.addi %broadcast_in_dim3A_829, %add3A_834 : vector<16xi32>
        %select_n3A_836 = arith.select %lt3A_832, %add3A_835, %broadcast_in_dim3A_829 : vector<16xi1>, vector<16xi32>
        %broadcast_in_dim3A_837 = vector.shape_cast %select_n3A_836 : vector<16xi32> to vector<16x1xi32>
        %gather3A_838 = vector.shape_cast %broadcast_in_dim3A_837 : vector<16x1xi32> to vector<16xi32>
        %gather3A_839 = tpu.dynamic_gather %get3A_62[%gather3A_838] in [0] : vector<16xf32>, vector<16xi32> -> vector<16xf32>
        %mul3A_840 = arith.constant 16 : i32
        %mul3A_841 = arith.muli %scan3A_57, %mul3A_840 : i32
        %add3A_842 = arith.constant 8 : i32
        %add3A_843 = arith.addi %mul3A_841, %add3A_842 : i32
        %get3A_844 = arith.index_cast %add3A_843 : i32 to index
        %get3A_845 = arith.constant 0 : index
        %get3A_846 = tpu.vector_load %arg10[%get3A_844, %get3A_845] {strides = array<i32>} : memref<128x128xf32, #tpu.memory_space<vmem>>, vector<1x16xf32>,
        %get3A_847 = vector.shape_cast %get3A_846 : vector<1x16xf32> to vector<16xf32>
        %mul3A_848 = arith.mulf %get3A_847, %gather3A_839 : vector<16xf32>
        %swap3A_849 = arith.index_cast %add3A_843 : i32 to index
        %swap3A_850 = arith.constant 0 : index
        %swap3A_851 = tpu.vector_load %arg10[%swap3A_849, %swap3A_850] {strides = array<i32>} : memref<128x128xf32, #tpu.memory_space<vmem>>, vector<1x16xf32>,
        %swap3A_852 = vector.shape_cast %swap3A_851 : vector<1x16xf32> to vector<16xf32>
        %swap3A_853 = vector.shape_cast %mul3A_848 : vector<16xf32> to vector<1x16xf32>
        tpu.vector_store %arg10[%swap3A_849, %swap3A_850], %swap3A_853 {strides = array<i32>} : memref<128x128xf32, #tpu.memory_space<vmem>>, vector<1x16xf32>,
        %get3A_854 = arith.index_cast %add3A_843 : i32 to index
        %get3A_855 = arith.constant 16 : index
        %get3A_856 = tpu.vector_load %arg10[%get3A_854, %get3A_855] {strides = array<i32>} : memref<128x128xf32, #tpu.memory_space<vmem>>, vector<1x16xf32>,
        %get3A_857 = vector.shape_cast %get3A_856 : vector<1x16xf32> to vector<16xf32>
        %mul3A_858 = arith.mulf %get3A_857, %gather3A_839 : vector<16xf32>
        %swap3A_859 = arith.index_cast %add3A_843 : i32 to index
        %swap3A_860 = arith.constant 16 : index
        %swap3A_861 = tpu.vector_load %arg10[%swap3A_859, %swap3A_860] {strides = array<i32>} : memref<128x128xf32, #tpu.memory_space<vmem>>, vector<1x16xf32>,
        %swap3A_862 = vector.shape_cast %swap3A_861 : vector<1x16xf32> to vector<16xf32>
        %swap3A_863 = vector.shape_cast %mul3A_858 : vector<16xf32> to vector<1x16xf32>
        tpu.vector_store %arg10[%swap3A_859, %swap3A_860], %swap3A_863 {strides = array<i32>} : memref<128x128xf32, #tpu.memory_space<vmem>>, vector<1x16xf32>,
        %get3A_864 = arith.index_cast %add3A_843 : i32 to index
        %get3A_865 = arith.constant 32 : index
        %get3A_866 = tpu.vector_load %arg10[%get3A_864, %get3A_865] {strides = array<i32>} : memref<128x128xf32, #tpu.memory_space<vmem>>, vector<1x16xf32>,
        %get3A_867 = vector.shape_cast %get3A_866 : vector<1x16xf32> to vector<16xf32>
        %mul3A_868 = arith.mulf %get3A_867, %gather3A_839 : vector<16xf32>
        %swap3A_869 = arith.index_cast %add3A_843 : i32 to index
        %swap3A_870 = arith.constant 32 : index
        %swap3A_871 = tpu.vector_load %arg10[%swap3A_869, %swap3A_870] {strides = array<i32>} : memref<128x128xf32, #tpu.memory_space<vmem>>, vector<1x16xf32>,
        %swap3A_872 = vector.shape_cast %swap3A_871 : vector<1x16xf32> to vector<16xf32>
        %swap3A_873 = vector.shape_cast %mul3A_868 : vector<16xf32> to vector<1x16xf32>
        tpu.vector_store %arg10[%swap3A_869, %swap3A_870], %swap3A_873 {strides = array<i32>} : memref<128x128xf32, #tpu.memory_space<vmem>>, vector<1x16xf32>,
        %get3A_874 = arith.index_cast %add3A_843 : i32 to index
        %get3A_875 = arith.constant 48 : index
        %get3A_876 = tpu.vector_load %arg10[%get3A_874, %get3A_875] {strides = array<i32>} : memref<128x128xf32, #tpu.memory_space<vmem>>, vector<1x16xf32>,
        %get3A_877 = vector.shape_cast %get3A_876 : vector<1x16xf32> to vector<16xf32>
        %mul3A_878 = arith.mulf %get3A_877, %gather3A_839 : vector<16xf32>
        %swap3A_879 = arith.index_cast %add3A_843 : i32 to index
        %swap3A_880 = arith.constant 48 : index
        %swap3A_881 = tpu.vector_load %arg10[%swap3A_879, %swap3A_880] {strides = array<i32>} : memref<128x128xf32, #tpu.memory_space<vmem>>, vector<1x16xf32>,
        %swap3A_882 = vector.shape_cast %swap3A_881 : vector<1x16xf32> to vector<16xf32>
        %swap3A_883 = vector.shape_cast %mul3A_878 : vector<16xf32> to vector<1x16xf32>
        tpu.vector_store %arg10[%swap3A_879, %swap3A_880], %swap3A_883 {strides = array<i32>} : memref<128x128xf32, #tpu.memory_space<vmem>>, vector<1x16xf32>,
        %get3A_884 = arith.index_cast %add3A_843 : i32 to index
        %get3A_885 = arith.constant 64 : index
        %get3A_886 = tpu.vector_load %arg10[%get3A_884, %get3A_885] {strides = array<i32>} : memref<128x128xf32, #tpu.memory_space<vmem>>, vector<1x16xf32>,
        %get3A_887 = vector.shape_cast %get3A_886 : vector<1x16xf32> to vector<16xf32>
        %mul3A_888 = arith.mulf %get3A_887, %gather3A_839 : vector<16xf32>
        %swap3A_889 = arith.index_cast %add3A_843 : i32 to index
        %swap3A_890 = arith.constant 64 : index
        %swap3A_891 = tpu.vector_load %arg10[%swap3A_889, %swap3A_890] {strides = array<i32>} : memref<128x128xf32, #tpu.memory_space<vmem>>, vector<1x16xf32>,
        %swap3A_892 = vector.shape_cast %swap3A_891 : vector<1x16xf32> to vector<16xf32>
        %swap3A_893 = vector.shape_cast %mul3A_888 : vector<16xf32> to vector<1x16xf32>
        tpu.vector_store %arg10[%swap3A_889, %swap3A_890], %swap3A_893 {strides = array<i32>} : memref<128x128xf32, #tpu.memory_space<vmem>>, vector<1x16xf32>,
        %get3A_894 = arith.index_cast %add3A_843 : i32 to index
        %get3A_895 = arith.constant 80 : index
        %get3A_896 = tpu.vector_load %arg10[%get3A_894, %get3A_895] {strides = array<i32>} : memref<128x128xf32, #tpu.memory_space<vmem>>, vector<1x16xf32>,
        %get3A_897 = vector.shape_cast %get3A_896 : vector<1x16xf32> to vector<16xf32>
        %mul3A_898 = arith.mulf %get3A_897, %gather3A_839 : vector<16xf32>
        %swap3A_899 = arith.index_cast %add3A_843 : i32 to index
        %swap3A_900 = arith.constant 80 : index
        %swap3A_901 = tpu.vector_load %arg10[%swap3A_899, %swap3A_900] {strides = array<i32>} : memref<128x128xf32, #tpu.memory_space<vmem>>, vector<1x16xf32>,
        %swap3A_902 = vector.shape_cast %swap3A_901 : vector<1x16xf32> to vector<16xf32>
        %swap3A_903 = vector.shape_cast %mul3A_898 : vector<16xf32> to vector<1x16xf32>
        tpu.vector_store %arg10[%swap3A_899, %swap3A_900], %swap3A_903 {strides = array<i32>} : memref<128x128xf32, #tpu.memory_space<vmem>>, vector<1x16xf32>,
        %get3A_904 = arith.index_cast %add3A_843 : i32 to index
        %get3A_905 = arith.constant 96 : index
        %get3A_906 = tpu.vector_load %arg10[%get3A_904, %get3A_905] {strides = array<i32>} : memref<128x128xf32, #tpu.memory_space<vmem>>, vector<1x16xf32>,
        %get3A_907 = vector.shape_cast %get3A_906 : vector<1x16xf32> to vector<16xf32>
        %mul3A_908 = arith.mulf %get3A_907, %gather3A_839 : vector<16xf32>
        %swap3A_909 = arith.index_cast %add3A_843 : i32 to index
        %swap3A_910 = arith.constant 96 : index
        %swap3A_911 = tpu.vector_load %arg10[%swap3A_909, %swap3A_910] {strides = array<i32>} : memref<128x128xf32, #tpu.memory_space<vmem>>, vector<1x16xf32>,
        %swap3A_912 = vector.shape_cast %swap3A_911 : vector<1x16xf32> to vector<16xf32>
        %swap3A_913 = vector.shape_cast %mul3A_908 : vector<16xf32> to vector<1x16xf32>
        tpu.vector_store %arg10[%swap3A_909, %swap3A_910], %swap3A_913 {strides = array<i32>} : memref<128x128xf32, #tpu.memory_space<vmem>>, vector<1x16xf32>,
        %get3A_914 = arith.index_cast %add3A_843 : i32 to index
        %get3A_915 = arith.constant 112 : index
        %get3A_916 = tpu.vector_load %arg10[%get3A_914, %get3A_915] {strides = array<i32>} : memref<128x128xf32, #tpu.memory_space<vmem>>, vector<1x16xf32>,
        %get3A_917 = vector.shape_cast %get3A_916 : vector<1x16xf32> to vector<16xf32>
        %mul3A_918 = arith.mulf %get3A_917, %gather3A_839 : vector<16xf32>
        %swap3A_919 = arith.index_cast %add3A_843 : i32 to index
        %swap3A_920 = arith.constant 112 : index
        %swap3A_921 = tpu.vector_load %arg10[%swap3A_919, %swap3A_920] {strides = array<i32>} : memref<128x128xf32, #tpu.memory_space<vmem>>, vector<1x16xf32>,
        %swap3A_922 = vector.shape_cast %swap3A_921 : vector<1x16xf32> to vector<16xf32>
        %swap3A_923 = vector.shape_cast %mul3A_918 : vector<16xf32> to vector<1x16xf32>
        tpu.vector_store %arg10[%swap3A_919, %swap3A_920], %swap3A_923 {strides = array<i32>} : memref<128x128xf32, #tpu.memory_space<vmem>>, vector<1x16xf32>,
        %broadcast_in_dim3A_924 = arith.constant 9 : i32
        %broadcast_in_dim3A_925 = vector.broadcast %broadcast_in_dim3A_924 : i32 to vector<16xi32>
        %lt3A_926 = arith.constant 0 : i32
        %lt3A_927 = vector.broadcast %lt3A_926 : i32 to vector<16xi32>
        %lt3A_928 = arith.cmpi slt, %broadcast_in_dim3A_925, %lt3A_927 : vector<16xi32>
        %add3A_929 = arith.constant 16 : i32
        %add3A_930 = vector.broadcast %add3A_929 : i32 to vector<16xi32>
        %add3A_931 = arith.addi %broadcast_in_dim3A_925, %add3A_930 : vector<16xi32>
        %select_n3A_932 = arith.select %lt3A_928, %add3A_931, %broadcast_in_dim3A_925 : vector<16xi1>, vector<16xi32>
        %broadcast_in_dim3A_933 = vector.shape_cast %select_n3A_932 : vector<16xi32> to vector<16x1xi32>
        %gather3A_934 = vector.shape_cast %broadcast_in_dim3A_933 : vector<16x1xi32> to vector<16xi32>
        %gather3A_935 = tpu.dynamic_gather %get3A_62[%gather3A_934] in [0] : vector<16xf32>, vector<16xi32> -> vector<16xf32>
        %mul3A_936 = arith.constant 16 : i32
        %mul3A_937 = arith.muli %scan3A_57, %mul3A_936 : i32
        %add3A_938 = arith.constant 9 : i32
        %add3A_939 = arith.addi %mul3A_937, %add3A_938 : i32
        %get3A_940 = arith.index_cast %add3A_939 : i32 to index
        %get3A_941 = arith.constant 0 : index
        %get3A_942 = tpu.vector_load %arg10[%get3A_940, %get3A_941] {strides = array<i32>} : memref<128x128xf32, #tpu.memory_space<vmem>>, vector<1x16xf32>,
        %get3A_943 = vector.shape_cast %get3A_942 : vector<1x16xf32> to vector<16xf32>
        %mul3A_944 = arith.mulf %get3A_943, %gather3A_935 : vector<16xf32>
        %swap3A_945 = arith.index_cast %add3A_939 : i32 to index
        %swap3A_946 = arith.constant 0 : index
        %swap3A_947 = tpu.vector_load %arg10[%swap3A_945, %swap3A_946] {strides = array<i32>} : memref<128x128xf32, #tpu.memory_space<vmem>>, vector<1x16xf32>,
        %swap3A_948 = vector.shape_cast %swap3A_947 : vector<1x16xf32> to vector<16xf32>
        %swap3A_949 = vector.shape_cast %mul3A_944 : vector<16xf32> to vector<1x16xf32>
        tpu.vector_store %arg10[%swap3A_945, %swap3A_946], %swap3A_949 {strides = array<i32>} : memref<128x128xf32, #tpu.memory_space<vmem>>, vector<1x16xf32>,
        %get3A_950 = arith.index_cast %add3A_939 : i32 to index
        %get3A_951 = arith.constant 16 : index
        %get3A_952 = tpu.vector_load %arg10[%get3A_950, %get3A_951] {strides = array<i32>} : memref<128x128xf32, #tpu.memory_space<vmem>>, vector<1x16xf32>,
        %get3A_953 = vector.shape_cast %get3A_952 : vector<1x16xf32> to vector<16xf32>
        %mul3A_954 = arith.mulf %get3A_953, %gather3A_935 : vector<16xf32>
        %swap3A_955 = arith.index_cast %add3A_939 : i32 to index
        %swap3A_956 = arith.constant 16 : index
        %swap3A_957 = tpu.vector_load %arg10[%swap3A_955, %swap3A_956] {strides = array<i32>} : memref<128x128xf32, #tpu.memory_space<vmem>>, vector<1x16xf32>,
        %swap3A_958 = vector.shape_cast %swap3A_957 : vector<1x16xf32> to vector<16xf32>
        %swap3A_959 = vector.shape_cast %mul3A_954 : vector<16xf32> to vector<1x16xf32>
        tpu.vector_store %arg10[%swap3A_955, %swap3A_956], %swap3A_959 {strides = array<i32>} : memref<128x128xf32, #tpu.memory_space<vmem>>, vector<1x16xf32>,
        %get3A_960 = arith.index_cast %add3A_939 : i32 to index
        %get3A_961 = arith.constant 32 : index
        %get3A_962 = tpu.vector_load %arg10[%get3A_960, %get3A_961] {strides = array<i32>} : memref<128x128xf32, #tpu.memory_space<vmem>>, vector<1x16xf32>,
        %get3A_963 = vector.shape_cast %get3A_962 : vector<1x16xf32> to vector<16xf32>
        %mul3A_964 = arith.mulf %get3A_963, %gather3A_935 : vector<16xf32>
        %swap3A_965 = arith.index_cast %add3A_939 : i32 to index
        %swap3A_966 = arith.constant 32 : index
        %swap3A_967 = tpu.vector_load %arg10[%swap3A_965, %swap3A_966] {strides = array<i32>} : memref<128x128xf32, #tpu.memory_space<vmem>>, vector<1x16xf32>,
        %swap3A_968 = vector.shape_cast %swap3A_967 : vector<1x16xf32> to vector<16xf32>
        %swap3A_969 = vector.shape_cast %mul3A_964 : vector<16xf32> to vector<1x16xf32>
        tpu.vector_store %arg10[%swap3A_965, %swap3A_966], %swap3A_969 {strides = array<i32>} : memref<128x128xf32, #tpu.memory_space<vmem>>, vector<1x16xf32>,
        %get3A_970 = arith.index_cast %add3A_939 : i32 to index
        %get3A_971 = arith.constant 48 : index
        %get3A_972 = tpu.vector_load %arg10[%get3A_970, %get3A_971] {strides = array<i32>} : memref<128x128xf32, #tpu.memory_space<vmem>>, vector<1x16xf32>,
        %get3A_973 = vector.shape_cast %get3A_972 : vector<1x16xf32> to vector<16xf32>
        %mul3A_974 = arith.mulf %get3A_973, %gather3A_935 : vector<16xf32>
        %swap3A_975 = arith.index_cast %add3A_939 : i32 to index
        %swap3A_976 = arith.constant 48 : index
        %swap3A_977 = tpu.vector_load %arg10[%swap3A_975, %swap3A_976] {strides = array<i32>} : memref<128x128xf32, #tpu.memory_space<vmem>>, vector<1x16xf32>,
        %swap3A_978 = vector.shape_cast %swap3A_977 : vector<1x16xf32> to vector<16xf32>
        %swap3A_979 = vector.shape_cast %mul3A_974 : vector<16xf32> to vector<1x16xf32>
        tpu.vector_store %arg10[%swap3A_975, %swap3A_976], %swap3A_979 {strides = array<i32>} : memref<128x128xf32, #tpu.memory_space<vmem>>, vector<1x16xf32>,
        %get3A_980 = arith.index_cast %add3A_939 : i32 to index
        %get3A_981 = arith.constant 64 : index
        %get3A_982 = tpu.vector_load %arg10[%get3A_980, %get3A_981] {strides = array<i32>} : memref<128x128xf32, #tpu.memory_space<vmem>>, vector<1x16xf32>,
        %get3A_983 = vector.shape_cast %get3A_982 : vector<1x16xf32> to vector<16xf32>
        %mul3A_984 = arith.mulf %get3A_983, %gather3A_935 : vector<16xf32>
        %swap3A_985 = arith.index_cast %add3A_939 : i32 to index
        %swap3A_986 = arith.constant 64 : index
        %swap3A_987 = tpu.vector_load %arg10[%swap3A_985, %swap3A_986] {strides = array<i32>} : memref<128x128xf32, #tpu.memory_space<vmem>>, vector<1x16xf32>,
        %swap3A_988 = vector.shape_cast %swap3A_987 : vector<1x16xf32> to vector<16xf32>
        %swap3A_989 = vector.shape_cast %mul3A_984 : vector<16xf32> to vector<1x16xf32>
        tpu.vector_store %arg10[%swap3A_985, %swap3A_986], %swap3A_989 {strides = array<i32>} : memref<128x128xf32, #tpu.memory_space<vmem>>, vector<1x16xf32>,
        %get3A_990 = arith.index_cast %add3A_939 : i32 to index
        %get3A_991 = arith.constant 80 : index
        %get3A_992 = tpu.vector_load %arg10[%get3A_990, %get3A_991] {strides = array<i32>} : memref<128x128xf32, #tpu.memory_space<vmem>>, vector<1x16xf32>,
        %get3A_993 = vector.shape_cast %get3A_992 : vector<1x16xf32> to vector<16xf32>
        %mul3A_994 = arith.mulf %get3A_993, %gather3A_935 : vector<16xf32>
        %swap3A_995 = arith.index_cast %add3A_939 : i32 to index
        %swap3A_996 = arith.constant 80 : index
        %swap3A_997 = tpu.vector_load %arg10[%swap3A_995, %swap3A_996] {strides = array<i32>} : memref<128x128xf32, #tpu.memory_space<vmem>>, vector<1x16xf32>,
        %swap3A_998 = vector.shape_cast %swap3A_997 : vector<1x16xf32> to vector<16xf32>
        %swap3A_999 = vector.shape_cast %mul3A_994 : vector<16xf32> to vector<1x16xf32>
        tpu.vector_store %arg10[%swap3A_995, %swap3A_996], %swap3A_999 {strides = array<i32>} : memref<128x128xf32, #tpu.memory_space<vmem>>, vector<1x16xf32>,
        %get3A_1000 = arith.index_cast %add3A_939 : i32 to index
        %get3A_1001 = arith.constant 96 : index
        %get3A_1002 = tpu.vector_load %arg10[%get3A_1000, %get3A_1001] {strides = array<i32>} : memref<128x128xf32, #tpu.memory_space<vmem>>, vector<1x16xf32>,
        %get3A_1003 = vector.shape_cast %get3A_1002 : vector<1x16xf32> to vector<16xf32>
        %mul3A_1004 = arith.mulf %get3A_1003, %gather3A_935 : vector<16xf32>
        %swap3A_1005 = arith.index_cast %add3A_939 : i32 to index
        %swap3A_1006 = arith.constant 96 : index
        %swap3A_1007 = tpu.vector_load %arg10[%swap3A_1005, %swap3A_1006] {strides = array<i32>} : memref<128x128xf32, #tpu.memory_space<vmem>>, vector<1x16xf32>,
        %swap3A_1008 = vector.shape_cast %swap3A_1007 : vector<1x16xf32> to vector<16xf32>
        %swap3A_1009 = vector.shape_cast %mul3A_1004 : vector<16xf32> to vector<1x16xf32>
        tpu.vector_store %arg10[%swap3A_1005, %swap3A_1006], %swap3A_1009 {strides = array<i32>} : memref<128x128xf32, #tpu.memory_space<vmem>>, vector<1x16xf32>,
        %get3A_1010 = arith.index_cast %add3A_939 : i32 to index
        %get3A_1011 = arith.constant 112 : index
        %get3A_1012 = tpu.vector_load %arg10[%get3A_1010, %get3A_1011] {strides = array<i32>} : memref<128x128xf32, #tpu.memory_space<vmem>>, vector<1x16xf32>,
        %get3A_1013 = vector.shape_cast %get3A_1012 : vector<1x16xf32> to vector<16xf32>
        %mul3A_1014 = arith.mulf %get3A_1013, %gather3A_935 : vector<16xf32>
        %swap3A_1015 = arith.index_cast %add3A_939 : i32 to index
        %swap3A_1016 = arith.constant 112 : index
        %swap3A_1017 = tpu.vector_load %arg10[%swap3A_1015, %swap3A_1016] {strides = array<i32>} : memref<128x128xf32, #tpu.memory_space<vmem>>, vector<1x16xf32>,
        %swap3A_1018 = vector.shape_cast %swap3A_1017 : vector<1x16xf32> to vector<16xf32>
        %swap3A_1019 = vector.shape_cast %mul3A_1014 : vector<16xf32> to vector<1x16xf32>
        tpu.vector_store %arg10[%swap3A_1015, %swap3A_1016], %swap3A_1019 {strides = array<i32>} : memref<128x128xf32, #tpu.memory_space<vmem>>, vector<1x16xf32>,
        %broadcast_in_dim3A_1020 = arith.constant 10 : i32
        %broadcast_in_dim3A_1021 = vector.broadcast %broadcast_in_dim3A_1020 : i32 to vector<16xi32>
        %lt3A_1022 = arith.constant 0 : i32
        %lt3A_1023 = vector.broadcast %lt3A_1022 : i32 to vector<16xi32>
        %lt3A_1024 = arith.cmpi slt, %broadcast_in_dim3A_1021, %lt3A_1023 : vector<16xi32>
        %add3A_1025 = arith.constant 16 : i32
        %add3A_1026 = vector.broadcast %add3A_1025 : i32 to vector<16xi32>
        %add3A_1027 = arith.addi %broadcast_in_dim3A_1021, %add3A_1026 : vector<16xi32>
        %select_n3A_1028 = arith.select %lt3A_1024, %add3A_1027, %broadcast_in_dim3A_1021 : vector<16xi1>, vector<16xi32>
        %broadcast_in_dim3A_1029 = vector.shape_cast %select_n3A_1028 : vector<16xi32> to vector<16x1xi32>
        %gather3A_1030 = vector.shape_cast %broadcast_in_dim3A_1029 : vector<16x1xi32> to vector<16xi32>
        %gather3A_1031 = tpu.dynamic_gather %get3A_62[%gather3A_1030] in [0] : vector<16xf32>, vector<16xi32> -> vector<16xf32>
        %mul3A_1032 = arith.constant 16 : i32
        %mul3A_1033 = arith.muli %scan3A_57, %mul3A_1032 : i32
        %add3A_1034 = arith.constant 10 : i32
        %add3A_1035 = arith.addi %mul3A_1033, %add3A_1034 : i32
        %get3A_1036 = arith.index_cast %add3A_1035 : i32 to index
        %get3A_1037 = arith.constant 0 : index
        %get3A_1038 = tpu.vector_load %arg10[%get3A_1036, %get3A_1037] {strides = array<i32>} : memref<128x128xf32, #tpu.memory_space<vmem>>, vector<1x16xf32>,
        %get3A_1039 = vector.shape_cast %get3A_1038 : vector<1x16xf32> to vector<16xf32>
        %mul3A_1040 = arith.mulf %get3A_1039, %gather3A_1031 : vector<16xf32>
        %swap3A_1041 = arith.index_cast %add3A_1035 : i32 to index
        %swap3A_1042 = arith.constant 0 : index
        %swap3A_1043 = tpu.vector_load %arg10[%swap3A_1041, %swap3A_1042] {strides = array<i32>} : memref<128x128xf32, #tpu.memory_space<vmem>>, vector<1x16xf32>,
        %swap3A_1044 = vector.shape_cast %swap3A_1043 : vector<1x16xf32> to vector<16xf32>
        %swap3A_1045 = vector.shape_cast %mul3A_1040 : vector<16xf32> to vector<1x16xf32>
        tpu.vector_store %arg10[%swap3A_1041, %swap3A_1042], %swap3A_1045 {strides = array<i32>} : memref<128x128xf32, #tpu.memory_space<vmem>>, vector<1x16xf32>,
        %get3A_1046 = arith.index_cast %add3A_1035 : i32 to index
        %get3A_1047 = arith.constant 16 : index
        %get3A_1048 = tpu.vector_load %arg10[%get3A_1046, %get3A_1047] {strides = array<i32>} : memref<128x128xf32, #tpu.memory_space<vmem>>, vector<1x16xf32>,
        %get3A_1049 = vector.shape_cast %get3A_1048 : vector<1x16xf32> to vector<16xf32>
        %mul3A_1050 = arith.mulf %get3A_1049, %gather3A_1031 : vector<16xf32>
        %swap3A_1051 = arith.index_cast %add3A_1035 : i32 to index
        %swap3A_1052 = arith.constant 16 : index
        %swap3A_1053 = tpu.vector_load %arg10[%swap3A_1051, %swap3A_1052] {strides = array<i32>} : memref<128x128xf32, #tpu.memory_space<vmem>>, vector<1x16xf32>,
        %swap3A_1054 = vector.shape_cast %swap3A_1053 : vector<1x16xf32> to vector<16xf32>
        %swap3A_1055 = vector.shape_cast %mul3A_1050 : vector<16xf32> to vector<1x16xf32>
        tpu.vector_store %arg10[%swap3A_1051, %swap3A_1052], %swap3A_1055 {strides = array<i32>} : memref<128x128xf32, #tpu.memory_space<vmem>>, vector<1x16xf32>,
        %get3A_1056 = arith.index_cast %add3A_1035 : i32 to index
        %get3A_1057 = arith.constant 32 : index
        %get3A_1058 = tpu.vector_load %arg10[%get3A_1056, %get3A_1057] {strides = array<i32>} : memref<128x128xf32, #tpu.memory_space<vmem>>, vector<1x16xf32>,
        %get3A_1059 = vector.shape_cast %get3A_1058 : vector<1x16xf32> to vector<16xf32>
        %mul3A_1060 = arith.mulf %get3A_1059, %gather3A_1031 : vector<16xf32>
        %swap3A_1061 = arith.index_cast %add3A_1035 : i32 to index
        %swap3A_1062 = arith.constant 32 : index
        %swap3A_1063 = tpu.vector_load %arg10[%swap3A_1061, %swap3A_1062] {strides = array<i32>} : memref<128x128xf32, #tpu.memory_space<vmem>>, vector<1x16xf32>,
        %swap3A_1064 = vector.shape_cast %swap3A_1063 : vector<1x16xf32> to vector<16xf32>
        %swap3A_1065 = vector.shape_cast %mul3A_1060 : vector<16xf32> to vector<1x16xf32>
        tpu.vector_store %arg10[%swap3A_1061, %swap3A_1062], %swap3A_1065 {strides = array<i32>} : memref<128x128xf32, #tpu.memory_space<vmem>>, vector<1x16xf32>,
        %get3A_1066 = arith.index_cast %add3A_1035 : i32 to index
        %get3A_1067 = arith.constant 48 : index
        %get3A_1068 = tpu.vector_load %arg10[%get3A_1066, %get3A_1067] {strides = array<i32>} : memref<128x128xf32, #tpu.memory_space<vmem>>, vector<1x16xf32>,
        %get3A_1069 = vector.shape_cast %get3A_1068 : vector<1x16xf32> to vector<16xf32>
        %mul3A_1070 = arith.mulf %get3A_1069, %gather3A_1031 : vector<16xf32>
        %swap3A_1071 = arith.index_cast %add3A_1035 : i32 to index
        %swap3A_1072 = arith.constant 48 : index
        %swap3A_1073 = tpu.vector_load %arg10[%swap3A_1071, %swap3A_1072] {strides = array<i32>} : memref<128x128xf32, #tpu.memory_space<vmem>>, vector<1x16xf32>,
        %swap3A_1074 = vector.shape_cast %swap3A_1073 : vector<1x16xf32> to vector<16xf32>
        %swap3A_1075 = vector.shape_cast %mul3A_1070 : vector<16xf32> to vector<1x16xf32>
        tpu.vector_store %arg10[%swap3A_1071, %swap3A_1072], %swap3A_1075 {strides = array<i32>} : memref<128x128xf32, #tpu.memory_space<vmem>>, vector<1x16xf32>,
        %get3A_1076 = arith.index_cast %add3A_1035 : i32 to index
        %get3A_1077 = arith.constant 64 : index
        %get3A_1078 = tpu.vector_load %arg10[%get3A_1076, %get3A_1077] {strides = array<i32>} : memref<128x128xf32, #tpu.memory_space<vmem>>, vector<1x16xf32>,
        %get3A_1079 = vector.shape_cast %get3A_1078 : vector<1x16xf32> to vector<16xf32>
        %mul3A_1080 = arith.mulf %get3A_1079, %gather3A_1031 : vector<16xf32>
        %swap3A_1081 = arith.index_cast %add3A_1035 : i32 to index
        %swap3A_1082 = arith.constant 64 : index
        %swap3A_1083 = tpu.vector_load %arg10[%swap3A_1081, %swap3A_1082] {strides = array<i32>} : memref<128x128xf32, #tpu.memory_space<vmem>>, vector<1x16xf32>,
        %swap3A_1084 = vector.shape_cast %swap3A_1083 : vector<1x16xf32> to vector<16xf32>
        %swap3A_1085 = vector.shape_cast %mul3A_1080 : vector<16xf32> to vector<1x16xf32>
        tpu.vector_store %arg10[%swap3A_1081, %swap3A_1082], %swap3A_1085 {strides = array<i32>} : memref<128x128xf32, #tpu.memory_space<vmem>>, vector<1x16xf32>,
        %get3A_1086 = arith.index_cast %add3A_1035 : i32 to index
        %get3A_1087 = arith.constant 80 : index
        %get3A_1088 = tpu.vector_load %arg10[%get3A_1086, %get3A_1087] {strides = array<i32>} : memref<128x128xf32, #tpu.memory_space<vmem>>, vector<1x16xf32>,
        %get3A_1089 = vector.shape_cast %get3A_1088 : vector<1x16xf32> to vector<16xf32>
        %mul3A_1090 = arith.mulf %get3A_1089, %gather3A_1031 : vector<16xf32>
        %swap3A_1091 = arith.index_cast %add3A_1035 : i32 to index
        %swap3A_1092 = arith.constant 80 : index
        %swap3A_1093 = tpu.vector_load %arg10[%swap3A_1091, %swap3A_1092] {strides = array<i32>} : memref<128x128xf32, #tpu.memory_space<vmem>>, vector<1x16xf32>,
        %swap3A_1094 = vector.shape_cast %swap3A_1093 : vector<1x16xf32> to vector<16xf32>
        %swap3A_1095 = vector.shape_cast %mul3A_1090 : vector<16xf32> to vector<1x16xf32>
        tpu.vector_store %arg10[%swap3A_1091, %swap3A_1092], %swap3A_1095 {strides = array<i32>} : memref<128x128xf32, #tpu.memory_space<vmem>>, vector<1x16xf32>,
        %get3A_1096 = arith.index_cast %add3A_1035 : i32 to index
        %get3A_1097 = arith.constant 96 : index
        %get3A_1098 = tpu.vector_load %arg10[%get3A_1096, %get3A_1097] {strides = array<i32>} : memref<128x128xf32, #tpu.memory_space<vmem>>, vector<1x16xf32>,
        %get3A_1099 = vector.shape_cast %get3A_1098 : vector<1x16xf32> to vector<16xf32>
        %mul3A_1100 = arith.mulf %get3A_1099, %gather3A_1031 : vector<16xf32>
        %swap3A_1101 = arith.index_cast %add3A_1035 : i32 to index
        %swap3A_1102 = arith.constant 96 : index
        %swap3A_1103 = tpu.vector_load %arg10[%swap3A_1101, %swap3A_1102] {strides = array<i32>} : memref<128x128xf32, #tpu.memory_space<vmem>>, vector<1x16xf32>,
        %swap3A_1104 = vector.shape_cast %swap3A_1103 : vector<1x16xf32> to vector<16xf32>
        %swap3A_1105 = vector.shape_cast %mul3A_1100 : vector<16xf32> to vector<1x16xf32>
        tpu.vector_store %arg10[%swap3A_1101, %swap3A_1102], %swap3A_1105 {strides = array<i32>} : memref<128x128xf32, #tpu.memory_space<vmem>>, vector<1x16xf32>,
        %get3A_1106 = arith.index_cast %add3A_1035 : i32 to index
        %get3A_1107 = arith.constant 112 : index
        %get3A_1108 = tpu.vector_load %arg10[%get3A_1106, %get3A_1107] {strides = array<i32>} : memref<128x128xf32, #tpu.memory_space<vmem>>, vector<1x16xf32>,
        %get3A_1109 = vector.shape_cast %get3A_1108 : vector<1x16xf32> to vector<16xf32>
        %mul3A_1110 = arith.mulf %get3A_1109, %gather3A_1031 : vector<16xf32>
        %swap3A_1111 = arith.index_cast %add3A_1035 : i32 to index
        %swap3A_1112 = arith.constant 112 : index
        %swap3A_1113 = tpu.vector_load %arg10[%swap3A_1111, %swap3A_1112] {strides = array<i32>} : memref<128x128xf32, #tpu.memory_space<vmem>>, vector<1x16xf32>,
        %swap3A_1114 = vector.shape_cast %swap3A_1113 : vector<1x16xf32> to vector<16xf32>
        %swap3A_1115 = vector.shape_cast %mul3A_1110 : vector<16xf32> to vector<1x16xf32>
        tpu.vector_store %arg10[%swap3A_1111, %swap3A_1112], %swap3A_1115 {strides = array<i32>} : memref<128x128xf32, #tpu.memory_space<vmem>>, vector<1x16xf32>,
        %broadcast_in_dim3A_1116 = arith.constant 11 : i32
        %broadcast_in_dim3A_1117 = vector.broadcast %broadcast_in_dim3A_1116 : i32 to vector<16xi32>
        %lt3A_1118 = arith.constant 0 : i32
        %lt3A_1119 = vector.broadcast %lt3A_1118 : i32 to vector<16xi32>
        %lt3A_1120 = arith.cmpi slt, %broadcast_in_dim3A_1117, %lt3A_1119 : vector<16xi32>
        %add3A_1121 = arith.constant 16 : i32
        %add3A_1122 = vector.broadcast %add3A_1121 : i32 to vector<16xi32>
        %add3A_1123 = arith.addi %broadcast_in_dim3A_1117, %add3A_1122 : vector<16xi32>
        %select_n3A_1124 = arith.select %lt3A_1120, %add3A_1123, %broadcast_in_dim3A_1117 : vector<16xi1>, vector<16xi32>
        %broadcast_in_dim3A_1125 = vector.shape_cast %select_n3A_1124 : vector<16xi32> to vector<16x1xi32>
        %gather3A_1126 = vector.shape_cast %broadcast_in_dim3A_1125 : vector<16x1xi32> to vector<16xi32>
        %gather3A_1127 = tpu.dynamic_gather %get3A_62[%gather3A_1126] in [0] : vector<16xf32>, vector<16xi32> -> vector<16xf32>
        %mul3A_1128 = arith.constant 16 : i32
        %mul3A_1129 = arith.muli %scan3A_57, %mul3A_1128 : i32
        %add3A_1130 = arith.constant 11 : i32
        %add3A_1131 = arith.addi %mul3A_1129, %add3A_1130 : i32
        %get3A_1132 = arith.index_cast %add3A_1131 : i32 to index
        %get3A_1133 = arith.constant 0 : index
        %get3A_1134 = tpu.vector_load %arg10[%get3A_1132, %get3A_1133] {strides = array<i32>} : memref<128x128xf32, #tpu.memory_space<vmem>>, vector<1x16xf32>,
        %get3A_1135 = vector.shape_cast %get3A_1134 : vector<1x16xf32> to vector<16xf32>
        %mul3A_1136 = arith.mulf %get3A_1135, %gather3A_1127 : vector<16xf32>
        %swap3A_1137 = arith.index_cast %add3A_1131 : i32 to index
        %swap3A_1138 = arith.constant 0 : index
        %swap3A_1139 = tpu.vector_load %arg10[%swap3A_1137, %swap3A_1138] {strides = array<i32>} : memref<128x128xf32, #tpu.memory_space<vmem>>, vector<1x16xf32>,
        %swap3A_1140 = vector.shape_cast %swap3A_1139 : vector<1x16xf32> to vector<16xf32>
        %swap3A_1141 = vector.shape_cast %mul3A_1136 : vector<16xf32> to vector<1x16xf32>
        tpu.vector_store %arg10[%swap3A_1137, %swap3A_1138], %swap3A_1141 {strides = array<i32>} : memref<128x128xf32, #tpu.memory_space<vmem>>, vector<1x16xf32>,
        %get3A_1142 = arith.index_cast %add3A_1131 : i32 to index
        %get3A_1143 = arith.constant 16 : index
        %get3A_1144 = tpu.vector_load %arg10[%get3A_1142, %get3A_1143] {strides = array<i32>} : memref<128x128xf32, #tpu.memory_space<vmem>>, vector<1x16xf32>,
        %get3A_1145 = vector.shape_cast %get3A_1144 : vector<1x16xf32> to vector<16xf32>
        %mul3A_1146 = arith.mulf %get3A_1145, %gather3A_1127 : vector<16xf32>
        %swap3A_1147 = arith.index_cast %add3A_1131 : i32 to index
        %swap3A_1148 = arith.constant 16 : index
        %swap3A_1149 = tpu.vector_load %arg10[%swap3A_1147, %swap3A_1148] {strides = array<i32>} : memref<128x128xf32, #tpu.memory_space<vmem>>, vector<1x16xf32>,
        %swap3A_1150 = vector.shape_cast %swap3A_1149 : vector<1x16xf32> to vector<16xf32>
        %swap3A_1151 = vector.shape_cast %mul3A_1146 : vector<16xf32> to vector<1x16xf32>
        tpu.vector_store %arg10[%swap3A_1147, %swap3A_1148], %swap3A_1151 {strides = array<i32>} : memref<128x128xf32, #tpu.memory_space<vmem>>, vector<1x16xf32>,
        %get3A_1152 = arith.index_cast %add3A_1131 : i32 to index
        %get3A_1153 = arith.constant 32 : index
        %get3A_1154 = tpu.vector_load %arg10[%get3A_1152, %get3A_1153] {strides = array<i32>} : memref<128x128xf32, #tpu.memory_space<vmem>>, vector<1x16xf32>,
        %get3A_1155 = vector.shape_cast %get3A_1154 : vector<1x16xf32> to vector<16xf32>
        %mul3A_1156 = arith.mulf %get3A_1155, %gather3A_1127 : vector<16xf32>
        %swap3A_1157 = arith.index_cast %add3A_1131 : i32 to index
        %swap3A_1158 = arith.constant 32 : index
        %swap3A_1159 = tpu.vector_load %arg10[%swap3A_1157, %swap3A_1158] {strides = array<i32>} : memref<128x128xf32, #tpu.memory_space<vmem>>, vector<1x16xf32>,
        %swap3A_1160 = vector.shape_cast %swap3A_1159 : vector<1x16xf32> to vector<16xf32>
        %swap3A_1161 = vector.shape_cast %mul3A_1156 : vector<16xf32> to vector<1x16xf32>
        tpu.vector_store %arg10[%swap3A_1157, %swap3A_1158], %swap3A_1161 {strides = array<i32>} : memref<128x128xf32, #tpu.memory_space<vmem>>, vector<1x16xf32>,
        %get3A_1162 = arith.index_cast %add3A_1131 : i32 to index
        %get3A_1163 = arith.constant 48 : index
        %get3A_1164 = tpu.vector_load %arg10[%get3A_1162, %get3A_1163] {strides = array<i32>} : memref<128x128xf32, #tpu.memory_space<vmem>>, vector<1x16xf32>,
        %get3A_1165 = vector.shape_cast %get3A_1164 : vector<1x16xf32> to vector<16xf32>
        %mul3A_1166 = arith.mulf %get3A_1165, %gather3A_1127 : vector<16xf32>
        %swap3A_1167 = arith.index_cast %add3A_1131 : i32 to index
        %swap3A_1168 = arith.constant 48 : index
        %swap3A_1169 = tpu.vector_load %arg10[%swap3A_1167, %swap3A_1168] {strides = array<i32>} : memref<128x128xf32, #tpu.memory_space<vmem>>, vector<1x16xf32>,
        %swap3A_1170 = vector.shape_cast %swap3A_1169 : vector<1x16xf32> to vector<16xf32>
        %swap3A_1171 = vector.shape_cast %mul3A_1166 : vector<16xf32> to vector<1x16xf32>
        tpu.vector_store %arg10[%swap3A_1167, %swap3A_1168], %swap3A_1171 {strides = array<i32>} : memref<128x128xf32, #tpu.memory_space<vmem>>, vector<1x16xf32>,
        %get3A_1172 = arith.index_cast %add3A_1131 : i32 to index
        %get3A_1173 = arith.constant 64 : index
        %get3A_1174 = tpu.vector_load %arg10[%get3A_1172, %get3A_1173] {strides = array<i32>} : memref<128x128xf32, #tpu.memory_space<vmem>>, vector<1x16xf32>,
        %get3A_1175 = vector.shape_cast %get3A_1174 : vector<1x16xf32> to vector<16xf32>
        %mul3A_1176 = arith.mulf %get3A_1175, %gather3A_1127 : vector<16xf32>
        %swap3A_1177 = arith.index_cast %add3A_1131 : i32 to index
        %swap3A_1178 = arith.constant 64 : index
        %swap3A_1179 = tpu.vector_load %arg10[%swap3A_1177, %swap3A_1178] {strides = array<i32>} : memref<128x128xf32, #tpu.memory_space<vmem>>, vector<1x16xf32>,
        %swap3A_1180 = vector.shape_cast %swap3A_1179 : vector<1x16xf32> to vector<16xf32>
        %swap3A_1181 = vector.shape_cast %mul3A_1176 : vector<16xf32> to vector<1x16xf32>
        tpu.vector_store %arg10[%swap3A_1177, %swap3A_1178], %swap3A_1181 {strides = array<i32>} : memref<128x128xf32, #tpu.memory_space<vmem>>, vector<1x16xf32>,
        %get3A_1182 = arith.index_cast %add3A_1131 : i32 to index
        %get3A_1183 = arith.constant 80 : index
        %get3A_1184 = tpu.vector_load %arg10[%get3A_1182, %get3A_1183] {strides = array<i32>} : memref<128x128xf32, #tpu.memory_space<vmem>>, vector<1x16xf32>,
        %get3A_1185 = vector.shape_cast %get3A_1184 : vector<1x16xf32> to vector<16xf32>
        %mul3A_1186 = arith.mulf %get3A_1185, %gather3A_1127 : vector<16xf32>
        %swap3A_1187 = arith.index_cast %add3A_1131 : i32 to index
        %swap3A_1188 = arith.constant 80 : index
        %swap3A_1189 = tpu.vector_load %arg10[%swap3A_1187, %swap3A_1188] {strides = array<i32>} : memref<128x128xf32, #tpu.memory_space<vmem>>, vector<1x16xf32>,
        %swap3A_1190 = vector.shape_cast %swap3A_1189 : vector<1x16xf32> to vector<16xf32>
        %swap3A_1191 = vector.shape_cast %mul3A_1186 : vector<16xf32> to vector<1x16xf32>
        tpu.vector_store %arg10[%swap3A_1187, %swap3A_1188], %swap3A_1191 {strides = array<i32>} : memref<128x128xf32, #tpu.memory_space<vmem>>, vector<1x16xf32>,
        %get3A_1192 = arith.index_cast %add3A_1131 : i32 to index
        %get3A_1193 = arith.constant 96 : index
        %get3A_1194 = tpu.vector_load %arg10[%get3A_1192, %get3A_1193] {strides = array<i32>} : memref<128x128xf32, #tpu.memory_space<vmem>>, vector<1x16xf32>,
        %get3A_1195 = vector.shape_cast %get3A_1194 : vector<1x16xf32> to vector<16xf32>
        %mul3A_1196 = arith.mulf %get3A_1195, %gather3A_1127 : vector<16xf32>
        %swap3A_1197 = arith.index_cast %add3A_1131 : i32 to index
        %swap3A_1198 = arith.constant 96 : index
        %swap3A_1199 = tpu.vector_load %arg10[%swap3A_1197, %swap3A_1198] {strides = array<i32>} : memref<128x128xf32, #tpu.memory_space<vmem>>, vector<1x16xf32>,
        %swap3A_1200 = vector.shape_cast %swap3A_1199 : vector<1x16xf32> to vector<16xf32>
        %swap3A_1201 = vector.shape_cast %mul3A_1196 : vector<16xf32> to vector<1x16xf32>
        tpu.vector_store %arg10[%swap3A_1197, %swap3A_1198], %swap3A_1201 {strides = array<i32>} : memref<128x128xf32, #tpu.memory_space<vmem>>, vector<1x16xf32>,
        %get3A_1202 = arith.index_cast %add3A_1131 : i32 to index
        %get3A_1203 = arith.constant 112 : index
        %get3A_1204 = tpu.vector_load %arg10[%get3A_1202, %get3A_1203] {strides = array<i32>} : memref<128x128xf32, #tpu.memory_space<vmem>>, vector<1x16xf32>,
        %get3A_1205 = vector.shape_cast %get3A_1204 : vector<1x16xf32> to vector<16xf32>
        %mul3A_1206 = arith.mulf %get3A_1205, %gather3A_1127 : vector<16xf32>
        %swap3A_1207 = arith.index_cast %add3A_1131 : i32 to index
        %swap3A_1208 = arith.constant 112 : index
        %swap3A_1209 = tpu.vector_load %arg10[%swap3A_1207, %swap3A_1208] {strides = array<i32>} : memref<128x128xf32, #tpu.memory_space<vmem>>, vector<1x16xf32>,
        %swap3A_1210 = vector.shape_cast %swap3A_1209 : vector<1x16xf32> to vector<16xf32>
        %swap3A_1211 = vector.shape_cast %mul3A_1206 : vector<16xf32> to vector<1x16xf32>
        tpu.vector_store %arg10[%swap3A_1207, %swap3A_1208], %swap3A_1211 {strides = array<i32>} : memref<128x128xf32, #tpu.memory_space<vmem>>, vector<1x16xf32>,
        %broadcast_in_dim3A_1212 = arith.constant 12 : i32
        %broadcast_in_dim3A_1213 = vector.broadcast %broadcast_in_dim3A_1212 : i32 to vector<16xi32>
        %lt3A_1214 = arith.constant 0 : i32
        %lt3A_1215 = vector.broadcast %lt3A_1214 : i32 to vector<16xi32>
        %lt3A_1216 = arith.cmpi slt, %broadcast_in_dim3A_1213, %lt3A_1215 : vector<16xi32>
        %add3A_1217 = arith.constant 16 : i32
        %add3A_1218 = vector.broadcast %add3A_1217 : i32 to vector<16xi32>
        %add3A_1219 = arith.addi %broadcast_in_dim3A_1213, %add3A_1218 : vector<16xi32>
        %select_n3A_1220 = arith.select %lt3A_1216, %add3A_1219, %broadcast_in_dim3A_1213 : vector<16xi1>, vector<16xi32>
        %broadcast_in_dim3A_1221 = vector.shape_cast %select_n3A_1220 : vector<16xi32> to vector<16x1xi32>
        %gather3A_1222 = vector.shape_cast %broadcast_in_dim3A_1221 : vector<16x1xi32> to vector<16xi32>
        %gather3A_1223 = tpu.dynamic_gather %get3A_62[%gather3A_1222] in [0] : vector<16xf32>, vector<16xi32> -> vector<16xf32>
        %mul3A_1224 = arith.constant 16 : i32
        %mul3A_1225 = arith.muli %scan3A_57, %mul3A_1224 : i32
        %add3A_1226 = arith.constant 12 : i32
        %add3A_1227 = arith.addi %mul3A_1225, %add3A_1226 : i32
        %get3A_1228 = arith.index_cast %add3A_1227 : i32 to index
        %get3A_1229 = arith.constant 0 : index
        %get3A_1230 = tpu.vector_load %arg10[%get3A_1228, %get3A_1229] {strides = array<i32>} : memref<128x128xf32, #tpu.memory_space<vmem>>, vector<1x16xf32>,
        %get3A_1231 = vector.shape_cast %get3A_1230 : vector<1x16xf32> to vector<16xf32>
        %mul3A_1232 = arith.mulf %get3A_1231, %gather3A_1223 : vector<16xf32>
        %swap3A_1233 = arith.index_cast %add3A_1227 : i32 to index
        %swap3A_1234 = arith.constant 0 : index
        %swap3A_1235 = tpu.vector_load %arg10[%swap3A_1233, %swap3A_1234] {strides = array<i32>} : memref<128x128xf32, #tpu.memory_space<vmem>>, vector<1x16xf32>,
        %swap3A_1236 = vector.shape_cast %swap3A_1235 : vector<1x16xf32> to vector<16xf32>
        %swap3A_1237 = vector.shape_cast %mul3A_1232 : vector<16xf32> to vector<1x16xf32>
        tpu.vector_store %arg10[%swap3A_1233, %swap3A_1234], %swap3A_1237 {strides = array<i32>} : memref<128x128xf32, #tpu.memory_space<vmem>>, vector<1x16xf32>,
        %get3A_1238 = arith.index_cast %add3A_1227 : i32 to index
        %get3A_1239 = arith.constant 16 : index
        %get3A_1240 = tpu.vector_load %arg10[%get3A_1238, %get3A_1239] {strides = array<i32>} : memref<128x128xf32, #tpu.memory_space<vmem>>, vector<1x16xf32>,
        %get3A_1241 = vector.shape_cast %get3A_1240 : vector<1x16xf32> to vector<16xf32>
        %mul3A_1242 = arith.mulf %get3A_1241, %gather3A_1223 : vector<16xf32>
        %swap3A_1243 = arith.index_cast %add3A_1227 : i32 to index
        %swap3A_1244 = arith.constant 16 : index
        %swap3A_1245 = tpu.vector_load %arg10[%swap3A_1243, %swap3A_1244] {strides = array<i32>} : memref<128x128xf32, #tpu.memory_space<vmem>>, vector<1x16xf32>,
        %swap3A_1246 = vector.shape_cast %swap3A_1245 : vector<1x16xf32> to vector<16xf32>
        %swap3A_1247 = vector.shape_cast %mul3A_1242 : vector<16xf32> to vector<1x16xf32>
        tpu.vector_store %arg10[%swap3A_1243, %swap3A_1244], %swap3A_1247 {strides = array<i32>} : memref<128x128xf32, #tpu.memory_space<vmem>>, vector<1x16xf32>,
        %get3A_1248 = arith.index_cast %add3A_1227 : i32 to index
        %get3A_1249 = arith.constant 32 : index
        %get3A_1250 = tpu.vector_load %arg10[%get3A_1248, %get3A_1249] {strides = array<i32>} : memref<128x128xf32, #tpu.memory_space<vmem>>, vector<1x16xf32>,
        %get3A_1251 = vector.shape_cast %get3A_1250 : vector<1x16xf32> to vector<16xf32>
        %mul3A_1252 = arith.mulf %get3A_1251, %gather3A_1223 : vector<16xf32>
        %swap3A_1253 = arith.index_cast %add3A_1227 : i32 to index
        %swap3A_1254 = arith.constant 32 : index
        %swap3A_1255 = tpu.vector_load %arg10[%swap3A_1253, %swap3A_1254] {strides = array<i32>} : memref<128x128xf32, #tpu.memory_space<vmem>>, vector<1x16xf32>,
        %swap3A_1256 = vector.shape_cast %swap3A_1255 : vector<1x16xf32> to vector<16xf32>
        %swap3A_1257 = vector.shape_cast %mul3A_1252 : vector<16xf32> to vector<1x16xf32>
        tpu.vector_store %arg10[%swap3A_1253, %swap3A_1254], %swap3A_1257 {strides = array<i32>} : memref<128x128xf32, #tpu.memory_space<vmem>>, vector<1x16xf32>,
        %get3A_1258 = arith.index_cast %add3A_1227 : i32 to index
        %get3A_1259 = arith.constant 48 : index
        %get3A_1260 = tpu.vector_load %arg10[%get3A_1258, %get3A_1259] {strides = array<i32>} : memref<128x128xf32, #tpu.memory_space<vmem>>, vector<1x16xf32>,
        %get3A_1261 = vector.shape_cast %get3A_1260 : vector<1x16xf32> to vector<16xf32>
        %mul3A_1262 = arith.mulf %get3A_1261, %gather3A_1223 : vector<16xf32>
        %swap3A_1263 = arith.index_cast %add3A_1227 : i32 to index
        %swap3A_1264 = arith.constant 48 : index
        %swap3A_1265 = tpu.vector_load %arg10[%swap3A_1263, %swap3A_1264] {strides = array<i32>} : memref<128x128xf32, #tpu.memory_space<vmem>>, vector<1x16xf32>,
        %swap3A_1266 = vector.shape_cast %swap3A_1265 : vector<1x16xf32> to vector<16xf32>
        %swap3A_1267 = vector.shape_cast %mul3A_1262 : vector<16xf32> to vector<1x16xf32>
        tpu.vector_store %arg10[%swap3A_1263, %swap3A_1264], %swap3A_1267 {strides = array<i32>} : memref<128x128xf32, #tpu.memory_space<vmem>>, vector<1x16xf32>,
        %get3A_1268 = arith.index_cast %add3A_1227 : i32 to index
        %get3A_1269 = arith.constant 64 : index
        %get3A_1270 = tpu.vector_load %arg10[%get3A_1268, %get3A_1269] {strides = array<i32>} : memref<128x128xf32, #tpu.memory_space<vmem>>, vector<1x16xf32>,
        %get3A_1271 = vector.shape_cast %get3A_1270 : vector<1x16xf32> to vector<16xf32>
        %mul3A_1272 = arith.mulf %get3A_1271, %gather3A_1223 : vector<16xf32>
        %swap3A_1273 = arith.index_cast %add3A_1227 : i32 to index
        %swap3A_1274 = arith.constant 64 : index
        %swap3A_1275 = tpu.vector_load %arg10[%swap3A_1273, %swap3A_1274] {strides = array<i32>} : memref<128x128xf32, #tpu.memory_space<vmem>>, vector<1x16xf32>,
        %swap3A_1276 = vector.shape_cast %swap3A_1275 : vector<1x16xf32> to vector<16xf32>
        %swap3A_1277 = vector.shape_cast %mul3A_1272 : vector<16xf32> to vector<1x16xf32>
        tpu.vector_store %arg10[%swap3A_1273, %swap3A_1274], %swap3A_1277 {strides = array<i32>} : memref<128x128xf32, #tpu.memory_space<vmem>>, vector<1x16xf32>,
        %get3A_1278 = arith.index_cast %add3A_1227 : i32 to index
        %get3A_1279 = arith.constant 80 : index
        %get3A_1280 = tpu.vector_load %arg10[%get3A_1278, %get3A_1279] {strides = array<i32>} : memref<128x128xf32, #tpu.memory_space<vmem>>, vector<1x16xf32>,
        %get3A_1281 = vector.shape_cast %get3A_1280 : vector<1x16xf32> to vector<16xf32>
        %mul3A_1282 = arith.mulf %get3A_1281, %gather3A_1223 : vector<16xf32>
        %swap3A_1283 = arith.index_cast %add3A_1227 : i32 to index
        %swap3A_1284 = arith.constant 80 : index
        %swap3A_1285 = tpu.vector_load %arg10[%swap3A_1283, %swap3A_1284] {strides = array<i32>} : memref<128x128xf32, #tpu.memory_space<vmem>>, vector<1x16xf32>,
        %swap3A_1286 = vector.shape_cast %swap3A_1285 : vector<1x16xf32> to vector<16xf32>
        %swap3A_1287 = vector.shape_cast %mul3A_1282 : vector<16xf32> to vector<1x16xf32>
        tpu.vector_store %arg10[%swap3A_1283, %swap3A_1284], %swap3A_1287 {strides = array<i32>} : memref<128x128xf32, #tpu.memory_space<vmem>>, vector<1x16xf32>,
        %get3A_1288 = arith.index_cast %add3A_1227 : i32 to index
        %get3A_1289 = arith.constant 96 : index
        %get3A_1290 = tpu.vector_load %arg10[%get3A_1288, %get3A_1289] {strides = array<i32>} : memref<128x128xf32, #tpu.memory_space<vmem>>, vector<1x16xf32>,
        %get3A_1291 = vector.shape_cast %get3A_1290 : vector<1x16xf32> to vector<16xf32>
        %mul3A_1292 = arith.mulf %get3A_1291, %gather3A_1223 : vector<16xf32>
        %swap3A_1293 = arith.index_cast %add3A_1227 : i32 to index
        %swap3A_1294 = arith.constant 96 : index
        %swap3A_1295 = tpu.vector_load %arg10[%swap3A_1293, %swap3A_1294] {strides = array<i32>} : memref<128x128xf32, #tpu.memory_space<vmem>>, vector<1x16xf32>,
        %swap3A_1296 = vector.shape_cast %swap3A_1295 : vector<1x16xf32> to vector<16xf32>
        %swap3A_1297 = vector.shape_cast %mul3A_1292 : vector<16xf32> to vector<1x16xf32>
        tpu.vector_store %arg10[%swap3A_1293, %swap3A_1294], %swap3A_1297 {strides = array<i32>} : memref<128x128xf32, #tpu.memory_space<vmem>>, vector<1x16xf32>,
        %get3A_1298 = arith.index_cast %add3A_1227 : i32 to index
        %get3A_1299 = arith.constant 112 : index
        %get3A_1300 = tpu.vector_load %arg10[%get3A_1298, %get3A_1299] {strides = array<i32>} : memref<128x128xf32, #tpu.memory_space<vmem>>, vector<1x16xf32>,
        %get3A_1301 = vector.shape_cast %get3A_1300 : vector<1x16xf32> to vector<16xf32>
        %mul3A_1302 = arith.mulf %get3A_1301, %gather3A_1223 : vector<16xf32>
        %swap3A_1303 = arith.index_cast %add3A_1227 : i32 to index
        %swap3A_1304 = arith.constant 112 : index
        %swap3A_1305 = tpu.vector_load %arg10[%swap3A_1303, %swap3A_1304] {strides = array<i32>} : memref<128x128xf32, #tpu.memory_space<vmem>>, vector<1x16xf32>,
        %swap3A_1306 = vector.shape_cast %swap3A_1305 : vector<1x16xf32> to vector<16xf32>
        %swap3A_1307 = vector.shape_cast %mul3A_1302 : vector<16xf32> to vector<1x16xf32>
        tpu.vector_store %arg10[%swap3A_1303, %swap3A_1304], %swap3A_1307 {strides = array<i32>} : memref<128x128xf32, #tpu.memory_space<vmem>>, vector<1x16xf32>,
        %broadcast_in_dim3A_1308 = arith.constant 13 : i32
        %broadcast_in_dim3A_1309 = vector.broadcast %broadcast_in_dim3A_1308 : i32 to vector<16xi32>
        %lt3A_1310 = arith.constant 0 : i32
        %lt3A_1311 = vector.broadcast %lt3A_1310 : i32 to vector<16xi32>
        %lt3A_1312 = arith.cmpi slt, %broadcast_in_dim3A_1309, %lt3A_1311 : vector<16xi32>
        %add3A_1313 = arith.constant 16 : i32
        %add3A_1314 = vector.broadcast %add3A_1313 : i32 to vector<16xi32>
        %add3A_1315 = arith.addi %broadcast_in_dim3A_1309, %add3A_1314 : vector<16xi32>
        %select_n3A_1316 = arith.select %lt3A_1312, %add3A_1315, %broadcast_in_dim3A_1309 : vector<16xi1>, vector<16xi32>
        %broadcast_in_dim3A_1317 = vector.shape_cast %select_n3A_1316 : vector<16xi32> to vector<16x1xi32>
        %gather3A_1318 = vector.shape_cast %broadcast_in_dim3A_1317 : vector<16x1xi32> to vector<16xi32>
        %gather3A_1319 = tpu.dynamic_gather %get3A_62[%gather3A_1318] in [0] : vector<16xf32>, vector<16xi32> -> vector<16xf32>
        %mul3A_1320 = arith.constant 16 : i32
        %mul3A_1321 = arith.muli %scan3A_57, %mul3A_1320 : i32
        %add3A_1322 = arith.constant 13 : i32
        %add3A_1323 = arith.addi %mul3A_1321, %add3A_1322 : i32
        %get3A_1324 = arith.index_cast %add3A_1323 : i32 to index
        %get3A_1325 = arith.constant 0 : index
        %get3A_1326 = tpu.vector_load %arg10[%get3A_1324, %get3A_1325] {strides = array<i32>} : memref<128x128xf32, #tpu.memory_space<vmem>>, vector<1x16xf32>,
        %get3A_1327 = vector.shape_cast %get3A_1326 : vector<1x16xf32> to vector<16xf32>
        %mul3A_1328 = arith.mulf %get3A_1327, %gather3A_1319 : vector<16xf32>
        %swap3A_1329 = arith.index_cast %add3A_1323 : i32 to index
        %swap3A_1330 = arith.constant 0 : index
        %swap3A_1331 = tpu.vector_load %arg10[%swap3A_1329, %swap3A_1330] {strides = array<i32>} : memref<128x128xf32, #tpu.memory_space<vmem>>, vector<1x16xf32>,
        %swap3A_1332 = vector.shape_cast %swap3A_1331 : vector<1x16xf32> to vector<16xf32>
        %swap3A_1333 = vector.shape_cast %mul3A_1328 : vector<16xf32> to vector<1x16xf32>
        tpu.vector_store %arg10[%swap3A_1329, %swap3A_1330], %swap3A_1333 {strides = array<i32>} : memref<128x128xf32, #tpu.memory_space<vmem>>, vector<1x16xf32>,
        %get3A_1334 = arith.index_cast %add3A_1323 : i32 to index
        %get3A_1335 = arith.constant 16 : index
        %get3A_1336 = tpu.vector_load %arg10[%get3A_1334, %get3A_1335] {strides = array<i32>} : memref<128x128xf32, #tpu.memory_space<vmem>>, vector<1x16xf32>,
        %get3A_1337 = vector.shape_cast %get3A_1336 : vector<1x16xf32> to vector<16xf32>
        %mul3A_1338 = arith.mulf %get3A_1337, %gather3A_1319 : vector<16xf32>
        %swap3A_1339 = arith.index_cast %add3A_1323 : i32 to index
        %swap3A_1340 = arith.constant 16 : index
        %swap3A_1341 = tpu.vector_load %arg10[%swap3A_1339, %swap3A_1340] {strides = array<i32>} : memref<128x128xf32, #tpu.memory_space<vmem>>, vector<1x16xf32>,
        %swap3A_1342 = vector.shape_cast %swap3A_1341 : vector<1x16xf32> to vector<16xf32>
        %swap3A_1343 = vector.shape_cast %mul3A_1338 : vector<16xf32> to vector<1x16xf32>
        tpu.vector_store %arg10[%swap3A_1339, %swap3A_1340], %swap3A_1343 {strides = array<i32>} : memref<128x128xf32, #tpu.memory_space<vmem>>, vector<1x16xf32>,
        %get3A_1344 = arith.index_cast %add3A_1323 : i32 to index
        %get3A_1345 = arith.constant 32 : index
        %get3A_1346 = tpu.vector_load %arg10[%get3A_1344, %get3A_1345] {strides = array<i32>} : memref<128x128xf32, #tpu.memory_space<vmem>>, vector<1x16xf32>,
        %get3A_1347 = vector.shape_cast %get3A_1346 : vector<1x16xf32> to vector<16xf32>
        %mul3A_1348 = arith.mulf %get3A_1347, %gather3A_1319 : vector<16xf32>
        %swap3A_1349 = arith.index_cast %add3A_1323 : i32 to index
        %swap3A_1350 = arith.constant 32 : index
        %swap3A_1351 = tpu.vector_load %arg10[%swap3A_1349, %swap3A_1350] {strides = array<i32>} : memref<128x128xf32, #tpu.memory_space<vmem>>, vector<1x16xf32>,
        %swap3A_1352 = vector.shape_cast %swap3A_1351 : vector<1x16xf32> to vector<16xf32>
        %swap3A_1353 = vector.shape_cast %mul3A_1348 : vector<16xf32> to vector<1x16xf32>
        tpu.vector_store %arg10[%swap3A_1349, %swap3A_1350], %swap3A_1353 {strides = array<i32>} : memref<128x128xf32, #tpu.memory_space<vmem>>, vector<1x16xf32>,
        %get3A_1354 = arith.index_cast %add3A_1323 : i32 to index
        %get3A_1355 = arith.constant 48 : index
        %get3A_1356 = tpu.vector_load %arg10[%get3A_1354, %get3A_1355] {strides = array<i32>} : memref<128x128xf32, #tpu.memory_space<vmem>>, vector<1x16xf32>,
        %get3A_1357 = vector.shape_cast %get3A_1356 : vector<1x16xf32> to vector<16xf32>
        %mul3A_1358 = arith.mulf %get3A_1357, %gather3A_1319 : vector<16xf32>
        %swap3A_1359 = arith.index_cast %add3A_1323 : i32 to index
        %swap3A_1360 = arith.constant 48 : index
        %swap3A_1361 = tpu.vector_load %arg10[%swap3A_1359, %swap3A_1360] {strides = array<i32>} : memref<128x128xf32, #tpu.memory_space<vmem>>, vector<1x16xf32>,
        %swap3A_1362 = vector.shape_cast %swap3A_1361 : vector<1x16xf32> to vector<16xf32>
        %swap3A_1363 = vector.shape_cast %mul3A_1358 : vector<16xf32> to vector<1x16xf32>
        tpu.vector_store %arg10[%swap3A_1359, %swap3A_1360], %swap3A_1363 {strides = array<i32>} : memref<128x128xf32, #tpu.memory_space<vmem>>, vector<1x16xf32>,
        %get3A_1364 = arith.index_cast %add3A_1323 : i32 to index
        %get3A_1365 = arith.constant 64 : index
        %get3A_1366 = tpu.vector_load %arg10[%get3A_1364, %get3A_1365] {strides = array<i32>} : memref<128x128xf32, #tpu.memory_space<vmem>>, vector<1x16xf32>,
        %get3A_1367 = vector.shape_cast %get3A_1366 : vector<1x16xf32> to vector<16xf32>
        %mul3A_1368 = arith.mulf %get3A_1367, %gather3A_1319 : vector<16xf32>
        %swap3A_1369 = arith.index_cast %add3A_1323 : i32 to index
        %swap3A_1370 = arith.constant 64 : index
        %swap3A_1371 = tpu.vector_load %arg10[%swap3A_1369, %swap3A_1370] {strides = array<i32>} : memref<128x128xf32, #tpu.memory_space<vmem>>, vector<1x16xf32>,
        %swap3A_1372 = vector.shape_cast %swap3A_1371 : vector<1x16xf32> to vector<16xf32>
        %swap3A_1373 = vector.shape_cast %mul3A_1368 : vector<16xf32> to vector<1x16xf32>
        tpu.vector_store %arg10[%swap3A_1369, %swap3A_1370], %swap3A_1373 {strides = array<i32>} : memref<128x128xf32, #tpu.memory_space<vmem>>, vector<1x16xf32>,
        %get3A_1374 = arith.index_cast %add3A_1323 : i32 to index
        %get3A_1375 = arith.constant 80 : index
        %get3A_1376 = tpu.vector_load %arg10[%get3A_1374, %get3A_1375] {strides = array<i32>} : memref<128x128xf32, #tpu.memory_space<vmem>>, vector<1x16xf32>,
        %get3A_1377 = vector.shape_cast %get3A_1376 : vector<1x16xf32> to vector<16xf32>
        %mul3A_1378 = arith.mulf %get3A_1377, %gather3A_1319 : vector<16xf32>
        %swap3A_1379 = arith.index_cast %add3A_1323 : i32 to index
        %swap3A_1380 = arith.constant 80 : index
        %swap3A_1381 = tpu.vector_load %arg10[%swap3A_1379, %swap3A_1380] {strides = array<i32>} : memref<128x128xf32, #tpu.memory_space<vmem>>, vector<1x16xf32>,
        %swap3A_1382 = vector.shape_cast %swap3A_1381 : vector<1x16xf32> to vector<16xf32>
        %swap3A_1383 = vector.shape_cast %mul3A_1378 : vector<16xf32> to vector<1x16xf32>
        tpu.vector_store %arg10[%swap3A_1379, %swap3A_1380], %swap3A_1383 {strides = array<i32>} : memref<128x128xf32, #tpu.memory_space<vmem>>, vector<1x16xf32>,
        %get3A_1384 = arith.index_cast %add3A_1323 : i32 to index
        %get3A_1385 = arith.constant 96 : index
        %get3A_1386 = tpu.vector_load %arg10[%get3A_1384, %get3A_1385] {strides = array<i32>} : memref<128x128xf32, #tpu.memory_space<vmem>>, vector<1x16xf32>,
        %get3A_1387 = vector.shape_cast %get3A_1386 : vector<1x16xf32> to vector<16xf32>
        %mul3A_1388 = arith.mulf %get3A_1387, %gather3A_1319 : vector<16xf32>
        %swap3A_1389 = arith.index_cast %add3A_1323 : i32 to index
        %swap3A_1390 = arith.constant 96 : index
        %swap3A_1391 = tpu.vector_load %arg10[%swap3A_1389, %swap3A_1390] {strides = array<i32>} : memref<128x128xf32, #tpu.memory_space<vmem>>, vector<1x16xf32>,
        %swap3A_1392 = vector.shape_cast %swap3A_1391 : vector<1x16xf32> to vector<16xf32>
        %swap3A_1393 = vector.shape_cast %mul3A_1388 : vector<16xf32> to vector<1x16xf32>
        tpu.vector_store %arg10[%swap3A_1389, %swap3A_1390], %swap3A_1393 {strides = array<i32>} : memref<128x128xf32, #tpu.memory_space<vmem>>, vector<1x16xf32>,
        %get3A_1394 = arith.index_cast %add3A_1323 : i32 to index
        %get3A_1395 = arith.constant 112 : index
        %get3A_1396 = tpu.vector_load %arg10[%get3A_1394, %get3A_1395] {strides = array<i32>} : memref<128x128xf32, #tpu.memory_space<vmem>>, vector<1x16xf32>,
        %get3A_1397 = vector.shape_cast %get3A_1396 : vector<1x16xf32> to vector<16xf32>
        %mul3A_1398 = arith.mulf %get3A_1397, %gather3A_1319 : vector<16xf32>
        %swap3A_1399 = arith.index_cast %add3A_1323 : i32 to index
        %swap3A_1400 = arith.constant 112 : index
        %swap3A_1401 = tpu.vector_load %arg10[%swap3A_1399, %swap3A_1400] {strides = array<i32>} : memref<128x128xf32, #tpu.memory_space<vmem>>, vector<1x16xf32>,
        %swap3A_1402 = vector.shape_cast %swap3A_1401 : vector<1x16xf32> to vector<16xf32>
        %swap3A_1403 = vector.shape_cast %mul3A_1398 : vector<16xf32> to vector<1x16xf32>
        tpu.vector_store %arg10[%swap3A_1399, %swap3A_1400], %swap3A_1403 {strides = array<i32>} : memref<128x128xf32, #tpu.memory_space<vmem>>, vector<1x16xf32>,
        %broadcast_in_dim3A_1404 = arith.constant 14 : i32
        %broadcast_in_dim3A_1405 = vector.broadcast %broadcast_in_dim3A_1404 : i32 to vector<16xi32>
        %lt3A_1406 = arith.constant 0 : i32
        %lt3A_1407 = vector.broadcast %lt3A_1406 : i32 to vector<16xi32>
        %lt3A_1408 = arith.cmpi slt, %broadcast_in_dim3A_1405, %lt3A_1407 : vector<16xi32>
        %add3A_1409 = arith.constant 16 : i32
        %add3A_1410 = vector.broadcast %add3A_1409 : i32 to vector<16xi32>
        %add3A_1411 = arith.addi %broadcast_in_dim3A_1405, %add3A_1410 : vector<16xi32>
        %select_n3A_1412 = arith.select %lt3A_1408, %add3A_1411, %broadcast_in_dim3A_1405 : vector<16xi1>, vector<16xi32>
        %broadcast_in_dim3A_1413 = vector.shape_cast %select_n3A_1412 : vector<16xi32> to vector<16x1xi32>
        %gather3A_1414 = vector.shape_cast %broadcast_in_dim3A_1413 : vector<16x1xi32> to vector<16xi32>
        %gather3A_1415 = tpu.dynamic_gather %get3A_62[%gather3A_1414] in [0] : vector<16xf32>, vector<16xi32> -> vector<16xf32>
        %mul3A_1416 = arith.constant 16 : i32
        %mul3A_1417 = arith.muli %scan3A_57, %mul3A_1416 : i32
        %add3A_1418 = arith.constant 14 : i32
        %add3A_1419 = arith.addi %mul3A_1417, %add3A_1418 : i32
        %get3A_1420 = arith.index_cast %add3A_1419 : i32 to index
        %get3A_1421 = arith.constant 0 : index
        %get3A_1422 = tpu.vector_load %arg10[%get3A_1420, %get3A_1421] {strides = array<i32>} : memref<128x128xf32, #tpu.memory_space<vmem>>, vector<1x16xf32>,
        %get3A_1423 = vector.shape_cast %get3A_1422 : vector<1x16xf32> to vector<16xf32>
        %mul3A_1424 = arith.mulf %get3A_1423, %gather3A_1415 : vector<16xf32>
        %swap3A_1425 = arith.index_cast %add3A_1419 : i32 to index
        %swap3A_1426 = arith.constant 0 : index
        %swap3A_1427 = tpu.vector_load %arg10[%swap3A_1425, %swap3A_1426] {strides = array<i32>} : memref<128x128xf32, #tpu.memory_space<vmem>>, vector<1x16xf32>,
        %swap3A_1428 = vector.shape_cast %swap3A_1427 : vector<1x16xf32> to vector<16xf32>
        %swap3A_1429 = vector.shape_cast %mul3A_1424 : vector<16xf32> to vector<1x16xf32>
        tpu.vector_store %arg10[%swap3A_1425, %swap3A_1426], %swap3A_1429 {strides = array<i32>} : memref<128x128xf32, #tpu.memory_space<vmem>>, vector<1x16xf32>,
        %get3A_1430 = arith.index_cast %add3A_1419 : i32 to index
        %get3A_1431 = arith.constant 16 : index
        %get3A_1432 = tpu.vector_load %arg10[%get3A_1430, %get3A_1431] {strides = array<i32>} : memref<128x128xf32, #tpu.memory_space<vmem>>, vector<1x16xf32>,
        %get3A_1433 = vector.shape_cast %get3A_1432 : vector<1x16xf32> to vector<16xf32>
        %mul3A_1434 = arith.mulf %get3A_1433, %gather3A_1415 : vector<16xf32>
        %swap3A_1435 = arith.index_cast %add3A_1419 : i32 to index
        %swap3A_1436 = arith.constant 16 : index
        %swap3A_1437 = tpu.vector_load %arg10[%swap3A_1435, %swap3A_1436] {strides = array<i32>} : memref<128x128xf32, #tpu.memory_space<vmem>>, vector<1x16xf32>,
        %swap3A_1438 = vector.shape_cast %swap3A_1437 : vector<1x16xf32> to vector<16xf32>
        %swap3A_1439 = vector.shape_cast %mul3A_1434 : vector<16xf32> to vector<1x16xf32>
        tpu.vector_store %arg10[%swap3A_1435, %swap3A_1436], %swap3A_1439 {strides = array<i32>} : memref<128x128xf32, #tpu.memory_space<vmem>>, vector<1x16xf32>,
        %get3A_1440 = arith.index_cast %add3A_1419 : i32 to index
        %get3A_1441 = arith.constant 32 : index
        %get3A_1442 = tpu.vector_load %arg10[%get3A_1440, %get3A_1441] {strides = array<i32>} : memref<128x128xf32, #tpu.memory_space<vmem>>, vector<1x16xf32>,
        %get3A_1443 = vector.shape_cast %get3A_1442 : vector<1x16xf32> to vector<16xf32>
        %mul3A_1444 = arith.mulf %get3A_1443, %gather3A_1415 : vector<16xf32>
        %swap3A_1445 = arith.index_cast %add3A_1419 : i32 to index
        %swap3A_1446 = arith.constant 32 : index
        %swap3A_1447 = tpu.vector_load %arg10[%swap3A_1445, %swap3A_1446] {strides = array<i32>} : memref<128x128xf32, #tpu.memory_space<vmem>>, vector<1x16xf32>,
        %swap3A_1448 = vector.shape_cast %swap3A_1447 : vector<1x16xf32> to vector<16xf32>
        %swap3A_1449 = vector.shape_cast %mul3A_1444 : vector<16xf32> to vector<1x16xf32>
        tpu.vector_store %arg10[%swap3A_1445, %swap3A_1446], %swap3A_1449 {strides = array<i32>} : memref<128x128xf32, #tpu.memory_space<vmem>>, vector<1x16xf32>,
        %get3A_1450 = arith.index_cast %add3A_1419 : i32 to index
        %get3A_1451 = arith.constant 48 : index
        %get3A_1452 = tpu.vector_load %arg10[%get3A_1450, %get3A_1451] {strides = array<i32>} : memref<128x128xf32, #tpu.memory_space<vmem>>, vector<1x16xf32>,
        %get3A_1453 = vector.shape_cast %get3A_1452 : vector<1x16xf32> to vector<16xf32>
        %mul3A_1454 = arith.mulf %get3A_1453, %gather3A_1415 : vector<16xf32>
        %swap3A_1455 = arith.index_cast %add3A_1419 : i32 to index
        %swap3A_1456 = arith.constant 48 : index
        %swap3A_1457 = tpu.vector_load %arg10[%swap3A_1455, %swap3A_1456] {strides = array<i32>} : memref<128x128xf32, #tpu.memory_space<vmem>>, vector<1x16xf32>,
        %swap3A_1458 = vector.shape_cast %swap3A_1457 : vector<1x16xf32> to vector<16xf32>
        %swap3A_1459 = vector.shape_cast %mul3A_1454 : vector<16xf32> to vector<1x16xf32>
        tpu.vector_store %arg10[%swap3A_1455, %swap3A_1456], %swap3A_1459 {strides = array<i32>} : memref<128x128xf32, #tpu.memory_space<vmem>>, vector<1x16xf32>,
        %get3A_1460 = arith.index_cast %add3A_1419 : i32 to index
        %get3A_1461 = arith.constant 64 : index
        %get3A_1462 = tpu.vector_load %arg10[%get3A_1460, %get3A_1461] {strides = array<i32>} : memref<128x128xf32, #tpu.memory_space<vmem>>, vector<1x16xf32>,
        %get3A_1463 = vector.shape_cast %get3A_1462 : vector<1x16xf32> to vector<16xf32>
        %mul3A_1464 = arith.mulf %get3A_1463, %gather3A_1415 : vector<16xf32>
        %swap3A_1465 = arith.index_cast %add3A_1419 : i32 to index
        %swap3A_1466 = arith.constant 64 : index
        %swap3A_1467 = tpu.vector_load %arg10[%swap3A_1465, %swap3A_1466] {strides = array<i32>} : memref<128x128xf32, #tpu.memory_space<vmem>>, vector<1x16xf32>,
        %swap3A_1468 = vector.shape_cast %swap3A_1467 : vector<1x16xf32> to vector<16xf32>
        %swap3A_1469 = vector.shape_cast %mul3A_1464 : vector<16xf32> to vector<1x16xf32>
        tpu.vector_store %arg10[%swap3A_1465, %swap3A_1466], %swap3A_1469 {strides = array<i32>} : memref<128x128xf32, #tpu.memory_space<vmem>>, vector<1x16xf32>,
        %get3A_1470 = arith.index_cast %add3A_1419 : i32 to index
        %get3A_1471 = arith.constant 80 : index
        %get3A_1472 = tpu.vector_load %arg10[%get3A_1470, %get3A_1471] {strides = array<i32>} : memref<128x128xf32, #tpu.memory_space<vmem>>, vector<1x16xf32>,
        %get3A_1473 = vector.shape_cast %get3A_1472 : vector<1x16xf32> to vector<16xf32>
        %mul3A_1474 = arith.mulf %get3A_1473, %gather3A_1415 : vector<16xf32>
        %swap3A_1475 = arith.index_cast %add3A_1419 : i32 to index
        %swap3A_1476 = arith.constant 80 : index
        %swap3A_1477 = tpu.vector_load %arg10[%swap3A_1475, %swap3A_1476] {strides = array<i32>} : memref<128x128xf32, #tpu.memory_space<vmem>>, vector<1x16xf32>,
        %swap3A_1478 = vector.shape_cast %swap3A_1477 : vector<1x16xf32> to vector<16xf32>
        %swap3A_1479 = vector.shape_cast %mul3A_1474 : vector<16xf32> to vector<1x16xf32>
        tpu.vector_store %arg10[%swap3A_1475, %swap3A_1476], %swap3A_1479 {strides = array<i32>} : memref<128x128xf32, #tpu.memory_space<vmem>>, vector<1x16xf32>,
        %get3A_1480 = arith.index_cast %add3A_1419 : i32 to index
        %get3A_1481 = arith.constant 96 : index
        %get3A_1482 = tpu.vector_load %arg10[%get3A_1480, %get3A_1481] {strides = array<i32>} : memref<128x128xf32, #tpu.memory_space<vmem>>, vector<1x16xf32>,
        %get3A_1483 = vector.shape_cast %get3A_1482 : vector<1x16xf32> to vector<16xf32>
        %mul3A_1484 = arith.mulf %get3A_1483, %gather3A_1415 : vector<16xf32>
        %swap3A_1485 = arith.index_cast %add3A_1419 : i32 to index
        %swap3A_1486 = arith.constant 96 : index
        %swap3A_1487 = tpu.vector_load %arg10[%swap3A_1485, %swap3A_1486] {strides = array<i32>} : memref<128x128xf32, #tpu.memory_space<vmem>>, vector<1x16xf32>,
        %swap3A_1488 = vector.shape_cast %swap3A_1487 : vector<1x16xf32> to vector<16xf32>
        %swap3A_1489 = vector.shape_cast %mul3A_1484 : vector<16xf32> to vector<1x16xf32>
        tpu.vector_store %arg10[%swap3A_1485, %swap3A_1486], %swap3A_1489 {strides = array<i32>} : memref<128x128xf32, #tpu.memory_space<vmem>>, vector<1x16xf32>,
        %get3A_1490 = arith.index_cast %add3A_1419 : i32 to index
        %get3A_1491 = arith.constant 112 : index
        %get3A_1492 = tpu.vector_load %arg10[%get3A_1490, %get3A_1491] {strides = array<i32>} : memref<128x128xf32, #tpu.memory_space<vmem>>, vector<1x16xf32>,
        %get3A_1493 = vector.shape_cast %get3A_1492 : vector<1x16xf32> to vector<16xf32>
        %mul3A_1494 = arith.mulf %get3A_1493, %gather3A_1415 : vector<16xf32>
        %swap3A_1495 = arith.index_cast %add3A_1419 : i32 to index
        %swap3A_1496 = arith.constant 112 : index
        %swap3A_1497 = tpu.vector_load %arg10[%swap3A_1495, %swap3A_1496] {strides = array<i32>} : memref<128x128xf32, #tpu.memory_space<vmem>>, vector<1x16xf32>,
        %swap3A_1498 = vector.shape_cast %swap3A_1497 : vector<1x16xf32> to vector<16xf32>
        %swap3A_1499 = vector.shape_cast %mul3A_1494 : vector<16xf32> to vector<1x16xf32>
        tpu.vector_store %arg10[%swap3A_1495, %swap3A_1496], %swap3A_1499 {strides = array<i32>} : memref<128x128xf32, #tpu.memory_space<vmem>>, vector<1x16xf32>,
        %broadcast_in_dim3A_1500 = arith.constant 15 : i32
        %broadcast_in_dim3A_1501 = vector.broadcast %broadcast_in_dim3A_1500 : i32 to vector<16xi32>
        %lt3A_1502 = arith.constant 0 : i32
        %lt3A_1503 = vector.broadcast %lt3A_1502 : i32 to vector<16xi32>
        %lt3A_1504 = arith.cmpi slt, %broadcast_in_dim3A_1501, %lt3A_1503 : vector<16xi32>
        %add3A_1505 = arith.constant 16 : i32
        %add3A_1506 = vector.broadcast %add3A_1505 : i32 to vector<16xi32>
        %add3A_1507 = arith.addi %broadcast_in_dim3A_1501, %add3A_1506 : vector<16xi32>
        %select_n3A_1508 = arith.select %lt3A_1504, %add3A_1507, %broadcast_in_dim3A_1501 : vector<16xi1>, vector<16xi32>
        %broadcast_in_dim3A_1509 = vector.shape_cast %select_n3A_1508 : vector<16xi32> to vector<16x1xi32>
        %gather3A_1510 = vector.shape_cast %broadcast_in_dim3A_1509 : vector<16x1xi32> to vector<16xi32>
        %gather3A_1511 = tpu.dynamic_gather %get3A_62[%gather3A_1510] in [0] : vector<16xf32>, vector<16xi32> -> vector<16xf32>
        %mul3A_1512 = arith.constant 16 : i32
        %mul3A_1513 = arith.muli %scan3A_57, %mul3A_1512 : i32
        %add3A_1514 = arith.constant 15 : i32
        %add3A_1515 = arith.addi %mul3A_1513, %add3A_1514 : i32
        %get3A_1516 = arith.index_cast %add3A_1515 : i32 to index
        %get3A_1517 = arith.constant 0 : index
        %get3A_1518 = tpu.vector_load %arg10[%get3A_1516, %get3A_1517] {strides = array<i32>} : memref<128x128xf32, #tpu.memory_space<vmem>>, vector<1x16xf32>,
        %get3A_1519 = vector.shape_cast %get3A_1518 : vector<1x16xf32> to vector<16xf32>
        %mul3A_1520 = arith.mulf %get3A_1519, %gather3A_1511 : vector<16xf32>
        %swap3A_1521 = arith.index_cast %add3A_1515 : i32 to index
        %swap3A_1522 = arith.constant 0 : index
        %swap3A_1523 = tpu.vector_load %arg10[%swap3A_1521, %swap3A_1522] {strides = array<i32>} : memref<128x128xf32, #tpu.memory_space<vmem>>, vector<1x16xf32>,
        %swap3A_1524 = vector.shape_cast %swap3A_1523 : vector<1x16xf32> to vector<16xf32>
        %swap3A_1525 = vector.shape_cast %mul3A_1520 : vector<16xf32> to vector<1x16xf32>
        tpu.vector_store %arg10[%swap3A_1521, %swap3A_1522], %swap3A_1525 {strides = array<i32>} : memref<128x128xf32, #tpu.memory_space<vmem>>, vector<1x16xf32>,
        %get3A_1526 = arith.index_cast %add3A_1515 : i32 to index
        %get3A_1527 = arith.constant 16 : index
        %get3A_1528 = tpu.vector_load %arg10[%get3A_1526, %get3A_1527] {strides = array<i32>} : memref<128x128xf32, #tpu.memory_space<vmem>>, vector<1x16xf32>,
        %get3A_1529 = vector.shape_cast %get3A_1528 : vector<1x16xf32> to vector<16xf32>
        %mul3A_1530 = arith.mulf %get3A_1529, %gather3A_1511 : vector<16xf32>
        %swap3A_1531 = arith.index_cast %add3A_1515 : i32 to index
        %swap3A_1532 = arith.constant 16 : index
        %swap3A_1533 = tpu.vector_load %arg10[%swap3A_1531, %swap3A_1532] {strides = array<i32>} : memref<128x128xf32, #tpu.memory_space<vmem>>, vector<1x16xf32>,
        %swap3A_1534 = vector.shape_cast %swap3A_1533 : vector<1x16xf32> to vector<16xf32>
        %swap3A_1535 = vector.shape_cast %mul3A_1530 : vector<16xf32> to vector<1x16xf32>
        tpu.vector_store %arg10[%swap3A_1531, %swap3A_1532], %swap3A_1535 {strides = array<i32>} : memref<128x128xf32, #tpu.memory_space<vmem>>, vector<1x16xf32>,
        %get3A_1536 = arith.index_cast %add3A_1515 : i32 to index
        %get3A_1537 = arith.constant 32 : index
        %get3A_1538 = tpu.vector_load %arg10[%get3A_1536, %get3A_1537] {strides = array<i32>} : memref<128x128xf32, #tpu.memory_space<vmem>>, vector<1x16xf32>,
        %get3A_1539 = vector.shape_cast %get3A_1538 : vector<1x16xf32> to vector<16xf32>
        %mul3A_1540 = arith.mulf %get3A_1539, %gather3A_1511 : vector<16xf32>
        %swap3A_1541 = arith.index_cast %add3A_1515 : i32 to index
        %swap3A_1542 = arith.constant 32 : index
        %swap3A_1543 = tpu.vector_load %arg10[%swap3A_1541, %swap3A_1542] {strides = array<i32>} : memref<128x128xf32, #tpu.memory_space<vmem>>, vector<1x16xf32>,
        %swap3A_1544 = vector.shape_cast %swap3A_1543 : vector<1x16xf32> to vector<16xf32>
        %swap3A_1545 = vector.shape_cast %mul3A_1540 : vector<16xf32> to vector<1x16xf32>
        tpu.vector_store %arg10[%swap3A_1541, %swap3A_1542], %swap3A_1545 {strides = array<i32>} : memref<128x128xf32, #tpu.memory_space<vmem>>, vector<1x16xf32>,
        %get3A_1546 = arith.index_cast %add3A_1515 : i32 to index
        %get3A_1547 = arith.constant 48 : index
        %get3A_1548 = tpu.vector_load %arg10[%get3A_1546, %get3A_1547] {strides = array<i32>} : memref<128x128xf32, #tpu.memory_space<vmem>>, vector<1x16xf32>,
        %get3A_1549 = vector.shape_cast %get3A_1548 : vector<1x16xf32> to vector<16xf32>
        %mul3A_1550 = arith.mulf %get3A_1549, %gather3A_1511 : vector<16xf32>
        %swap3A_1551 = arith.index_cast %add3A_1515 : i32 to index
        %swap3A_1552 = arith.constant 48 : index
        %swap3A_1553 = tpu.vector_load %arg10[%swap3A_1551, %swap3A_1552] {strides = array<i32>} : memref<128x128xf32, #tpu.memory_space<vmem>>, vector<1x16xf32>,
        %swap3A_1554 = vector.shape_cast %swap3A_1553 : vector<1x16xf32> to vector<16xf32>
        %swap3A_1555 = vector.shape_cast %mul3A_1550 : vector<16xf32> to vector<1x16xf32>
        tpu.vector_store %arg10[%swap3A_1551, %swap3A_1552], %swap3A_1555 {strides = array<i32>} : memref<128x128xf32, #tpu.memory_space<vmem>>, vector<1x16xf32>,
        %get3A_1556 = arith.index_cast %add3A_1515 : i32 to index
        %get3A_1557 = arith.constant 64 : index
        %get3A_1558 = tpu.vector_load %arg10[%get3A_1556, %get3A_1557] {strides = array<i32>} : memref<128x128xf32, #tpu.memory_space<vmem>>, vector<1x16xf32>,
        %get3A_1559 = vector.shape_cast %get3A_1558 : vector<1x16xf32> to vector<16xf32>
        %mul3A_1560 = arith.mulf %get3A_1559, %gather3A_1511 : vector<16xf32>
        %swap3A_1561 = arith.index_cast %add3A_1515 : i32 to index
        %swap3A_1562 = arith.constant 64 : index
        %swap3A_1563 = tpu.vector_load %arg10[%swap3A_1561, %swap3A_1562] {strides = array<i32>} : memref<128x128xf32, #tpu.memory_space<vmem>>, vector<1x16xf32>,
        %swap3A_1564 = vector.shape_cast %swap3A_1563 : vector<1x16xf32> to vector<16xf32>
        %swap3A_1565 = vector.shape_cast %mul3A_1560 : vector<16xf32> to vector<1x16xf32>
        tpu.vector_store %arg10[%swap3A_1561, %swap3A_1562], %swap3A_1565 {strides = array<i32>} : memref<128x128xf32, #tpu.memory_space<vmem>>, vector<1x16xf32>,
        %get3A_1566 = arith.index_cast %add3A_1515 : i32 to index
        %get3A_1567 = arith.constant 80 : index
        %get3A_1568 = tpu.vector_load %arg10[%get3A_1566, %get3A_1567] {strides = array<i32>} : memref<128x128xf32, #tpu.memory_space<vmem>>, vector<1x16xf32>,
        %get3A_1569 = vector.shape_cast %get3A_1568 : vector<1x16xf32> to vector<16xf32>
        %mul3A_1570 = arith.mulf %get3A_1569, %gather3A_1511 : vector<16xf32>
        %swap3A_1571 = arith.index_cast %add3A_1515 : i32 to index
        %swap3A_1572 = arith.constant 80 : index
        %swap3A_1573 = tpu.vector_load %arg10[%swap3A_1571, %swap3A_1572] {strides = array<i32>} : memref<128x128xf32, #tpu.memory_space<vmem>>, vector<1x16xf32>,
        %swap3A_1574 = vector.shape_cast %swap3A_1573 : vector<1x16xf32> to vector<16xf32>
        %swap3A_1575 = vector.shape_cast %mul3A_1570 : vector<16xf32> to vector<1x16xf32>
        tpu.vector_store %arg10[%swap3A_1571, %swap3A_1572], %swap3A_1575 {strides = array<i32>} : memref<128x128xf32, #tpu.memory_space<vmem>>, vector<1x16xf32>,
        %get3A_1576 = arith.index_cast %add3A_1515 : i32 to index
        %get3A_1577 = arith.constant 96 : index
        %get3A_1578 = tpu.vector_load %arg10[%get3A_1576, %get3A_1577] {strides = array<i32>} : memref<128x128xf32, #tpu.memory_space<vmem>>, vector<1x16xf32>,
        %get3A_1579 = vector.shape_cast %get3A_1578 : vector<1x16xf32> to vector<16xf32>
        %mul3A_1580 = arith.mulf %get3A_1579, %gather3A_1511 : vector<16xf32>
        %swap3A_1581 = arith.index_cast %add3A_1515 : i32 to index
        %swap3A_1582 = arith.constant 96 : index
        %swap3A_1583 = tpu.vector_load %arg10[%swap3A_1581, %swap3A_1582] {strides = array<i32>} : memref<128x128xf32, #tpu.memory_space<vmem>>, vector<1x16xf32>,
        %swap3A_1584 = vector.shape_cast %swap3A_1583 : vector<1x16xf32> to vector<16xf32>
        %swap3A_1585 = vector.shape_cast %mul3A_1580 : vector<16xf32> to vector<1x16xf32>
        tpu.vector_store %arg10[%swap3A_1581, %swap3A_1582], %swap3A_1585 {strides = array<i32>} : memref<128x128xf32, #tpu.memory_space<vmem>>, vector<1x16xf32>,
        %get3A_1586 = arith.index_cast %add3A_1515 : i32 to index
        %get3A_1587 = arith.constant 112 : index
        %get3A_1588 = tpu.vector_load %arg10[%get3A_1586, %get3A_1587] {strides = array<i32>} : memref<128x128xf32, #tpu.memory_space<vmem>>, vector<1x16xf32>,
        %get3A_1589 = vector.shape_cast %get3A_1588 : vector<1x16xf32> to vector<16xf32>
        %mul3A_1590 = arith.mulf %get3A_1589, %gather3A_1511 : vector<16xf32>
        %swap3A_1591 = arith.index_cast %add3A_1515 : i32 to index
        %swap3A_1592 = arith.constant 112 : index
        %swap3A_1593 = tpu.vector_load %arg10[%swap3A_1591, %swap3A_1592] {strides = array<i32>} : memref<128x128xf32, #tpu.memory_space<vmem>>, vector<1x16xf32>,
        %swap3A_1594 = vector.shape_cast %swap3A_1593 : vector<1x16xf32> to vector<16xf32>
        %swap3A_1595 = vector.shape_cast %mul3A_1590 : vector<16xf32> to vector<1x16xf32>
        tpu.vector_store %arg10[%swap3A_1591, %swap3A_1592], %swap3A_1595 {strides = array<i32>} : memref<128x128xf32, #tpu.memory_space<vmem>>, vector<1x16xf32>,
      }
      %scan3A_56 = arith.constant 8 : i32
      "tpu.region"() ({
        %run_scoped3A = tpu.sem_alloc : memref<!tpu.dma_semaphore, #tpu.memory_space<semaphore_mem>>
        %dma_start3A_57 = arith.constant 0 : i32
        %dma_start3A_58 = tpu.memref_slice %arg8[%scan3A_40, %dma_start3A_57] : memref<80x128xi32, #tpu.memory_space<vmem>> -> memref<1x128xi32, #tpu.memory_space<vmem>>
        %dma_start3A_59 = tpu.memref_squeeze %dma_start3A_58 : memref<1x128xi32, #tpu.memory_space<vmem>> -> memref<128xi32, #tpu.memory_space<vmem>>
        %dma_start3A_60 = arith.constant 0 : i32
        %dma_start3A_61 = arith.constant 0 : i32
        %dma_start3A_62 = tpu.memref_slice %arg11[%dma_start3A_60, %dma_start3A_61] : memref<10240x128xf32, #tpu.memory_space<vmem_shared>> -> memref<10240x128xf32, #tpu.memory_space<vmem_shared>>
        tpu.enqueue_indirect_dma source(%arg10 : memref<128x128xf32, #tpu.memory_space<vmem>>) target(%dma_start3A_62 : memref<10240x128xf32, #tpu.memory_space<vmem_shared>>) offsets(%dma_start3A_59 : memref<128xi32, #tpu.memory_space<vmem>>) semaphore(%run_scoped3A : memref<!tpu.dma_semaphore, #tpu.memory_space<semaphore_mem>>) {add = true}
        %dma_wait3A_63 = arith.constant 0 : i32
        %dma_wait3A_64 = tpu.memref_slice %arg8[%scan3A_40, %dma_wait3A_63] : memref<80x128xi32, #tpu.memory_space<vmem>> -> memref<1x128xi32, #tpu.memory_space<vmem>>
        %dma_wait3A_65 = tpu.memref_squeeze %dma_wait3A_64 : memref<1x128xi32, #tpu.memory_space<vmem>> -> memref<128xi32, #tpu.memory_space<vmem>>
        %dma_wait3A_66 = arith.constant 0 : i32
        %dma_wait3A_67 = arith.constant 0 : i32
        %dma_wait3A_68 = tpu.memref_slice %arg11[%dma_wait3A_66, %dma_wait3A_67] : memref<10240x128xf32, #tpu.memory_space<vmem_shared>> -> memref<10240x128xf32, #tpu.memory_space<vmem_shared>>
        tpu.wait_indirect_dma semaphore(%run_scoped3A : memref<!tpu.dma_semaphore, #tpu.memory_space<semaphore_mem>>) src(%arg10 : memref<128x128xf32, #tpu.memory_space<vmem>>) dst(%dma_wait3A_68 : memref<10240x128xf32, #tpu.memory_space<vmem_shared>>)
        tpu.yield
      }) : () -> ()
    }
    %scan3A_32 = arith.constant 80 : i32
    %barrier3A_33 = arith.constant 0 : index
    tpu.barrier barrier_id(%barrier3A_33)
    %lt3A = arith.constant 15 : i32
    %lt3A_34 = arith.cmpi slt, %arg1, %lt3A : i32
    %convert_element_type3A = arith.extui %lt3A_34 : i1 to i32
    %cond3A = arith.constant 0 : i32
    %cond3A_35 = arith.cmpi ne, %convert_element_type3A, %cond3A : i32
    scf.if %cond3A_35 {
      %mul3A_40 = arith.constant 640 : i32
      %mul3A_41 = arith.muli %arg1, %mul3A_40 : i32
      %mul3A_42 = arith.constant 640 : i32
      %mul3A_43 = arith.muli %arg1, %mul3A_42 : i32
      "tpu.region"() ({
        %run_scoped3A = tpu.sem_alloc : memref<!tpu.dma_semaphore, #tpu.memory_space<semaphore_mem>>
        %dma_start3A = arith.constant 0 : i32
        %dma_start3A_44 = tpu.memref_slice %arg6[%arg0, %mul3A_43, %dma_start3A] : memref<2x10000x128xf32, #tpu.memory_space<hbm>> -> memref<1x640x128xf32, #tpu.memory_space<hbm>>
        %dma_start3A_45 = tpu.memref_squeeze %dma_start3A_44 : memref<1x640x128xf32, #tpu.memory_space<hbm>> -> memref<640x128xf32, #tpu.memory_space<hbm>>
        %dma_start3A_46 = arith.constant 0 : i32
        %dma_start3A_47 = tpu.memref_slice %arg11[%mul3A_41, %dma_start3A_46] : memref<10240x128xf32, #tpu.memory_space<vmem_shared>> -> memref<640x128xf32, #tpu.memory_space<vmem_shared>>
        tpu.enqueue_dma source(%dma_start3A_47 : memref<640x128xf32, #tpu.memory_space<vmem_shared>>) target(%dma_start3A_45 : memref<640x128xf32, #tpu.memory_space<hbm>>) target_semaphore(%run_scoped3A : memref<!tpu.dma_semaphore, #tpu.memory_space<semaphore_mem>>)
        %dma_wait3A = arith.constant 0 : i32
        %dma_wait3A_48 = tpu.memref_slice %arg6[%arg0, %mul3A_43, %dma_wait3A] : memref<2x10000x128xf32, #tpu.memory_space<hbm>> -> memref<1x640x128xf32, #tpu.memory_space<hbm>>
        %dma_wait3A_49 = tpu.memref_squeeze %dma_wait3A_48 : memref<1x640x128xf32, #tpu.memory_space<hbm>> -> memref<640x128xf32, #tpu.memory_space<hbm>>
        %dma_wait3A_50 = arith.constant 0 : i32
        %dma_wait3A_51 = tpu.memref_slice %arg11[%mul3A_41, %dma_wait3A_50] : memref<10240x128xf32, #tpu.memory_space<vmem_shared>> -> memref<640x128xf32, #tpu.memory_space<vmem_shared>>
        tpu.wait_dma2 semaphore(%run_scoped3A : memref<!tpu.dma_semaphore, #tpu.memory_space<semaphore_mem>>) src(%dma_wait3A_51 : memref<640x128xf32, #tpu.memory_space<vmem_shared>>) dst(%dma_wait3A_49 : memref<640x128xf32, #tpu.memory_space<hbm>>)
        tpu.yield
      }) : () -> ()
    } else {
    }
    %eq3A = arith.constant 15 : i32
    %eq3A_36 = arith.cmpi eq, %arg1, %eq3A : i32
    %convert_element_type3A_37 = arith.extui %eq3A_36 : i1 to i32
    %cond3A_38 = arith.constant 0 : i32
    %cond3A_39 = arith.cmpi ne, %convert_element_type3A_37, %cond3A_38 : i32
    scf.if %cond3A_39 {
      "tpu.region"() ({
        %run_scoped3A = tpu.sem_alloc : memref<!tpu.dma_semaphore, #tpu.memory_space<semaphore_mem>>
        %dma_start3A = arith.constant 9600 : i32
        %dma_start3A_40 = arith.constant 0 : i32
        %dma_start3A_41 = tpu.memref_slice %arg6[%arg0, %dma_start3A, %dma_start3A_40] : memref<2x10000x128xf32, #tpu.memory_space<hbm>> -> memref<1x400x128xf32, #tpu.memory_space<hbm>>
        %dma_start3A_42 = tpu.memref_squeeze %dma_start3A_41 : memref<1x400x128xf32, #tpu.memory_space<hbm>> -> memref<400x128xf32, #tpu.memory_space<hbm>>
        %dma_start3A_43 = arith.constant 9600 : i32
        %dma_start3A_44 = arith.constant 0 : i32
        %dma_start3A_45 = tpu.memref_slice %arg11[%dma_start3A_43, %dma_start3A_44] : memref<10240x128xf32, #tpu.memory_space<vmem_shared>> -> memref<400x128xf32, #tpu.memory_space<vmem_shared>>
        tpu.enqueue_dma source(%dma_start3A_45 : memref<400x128xf32, #tpu.memory_space<vmem_shared>>) target(%dma_start3A_42 : memref<400x128xf32, #tpu.memory_space<hbm>>) target_semaphore(%run_scoped3A : memref<!tpu.dma_semaphore, #tpu.memory_space<semaphore_mem>>)
        %dma_wait3A = arith.constant 9600 : i32
        %dma_wait3A_46 = arith.constant 0 : i32
        %dma_wait3A_47 = tpu.memref_slice %arg6[%arg0, %dma_wait3A, %dma_wait3A_46] : memref<2x10000x128xf32, #tpu.memory_space<hbm>> -> memref<1x400x128xf32, #tpu.memory_space<hbm>>
        %dma_wait3A_48 = tpu.memref_squeeze %dma_wait3A_47 : memref<1x400x128xf32, #tpu.memory_space<hbm>> -> memref<400x128xf32, #tpu.memory_space<hbm>>
        %dma_wait3A_49 = arith.constant 9600 : i32
        %dma_wait3A_50 = arith.constant 0 : i32
        %dma_wait3A_51 = tpu.memref_slice %arg11[%dma_wait3A_49, %dma_wait3A_50] : memref<10240x128xf32, #tpu.memory_space<vmem_shared>> -> memref<400x128xf32, #tpu.memory_space<vmem_shared>>
        tpu.wait_dma2 semaphore(%run_scoped3A : memref<!tpu.dma_semaphore, #tpu.memory_space<semaphore_mem>>) src(%dma_wait3A_51 : memref<400x128xf32, #tpu.memory_space<vmem_shared>>) dst(%dma_wait3A_48 : memref<400x128xf32, #tpu.memory_space<hbm>>)
        tpu.yield
      }) : () -> ()
    } else {
    }
    return
  }
}

module attributes {stable_mosaic.version = 14 : i64} {
  func.func @_mm_body(%arg0: i32, %arg1: memref<2x1000x128xf32, #tpu.memory_space<vmem>>, %arg2: memref<128x128xf32, #tpu.memory_space<vmem>>, %arg3: memref<1x128xf32, #tpu.memory_space<vmem>>, %arg4: memref<1000x128xf32, #tpu.memory_space<vmem>>) attributes {dimension_semantics = [#tpu.dimension_semantics<arbitrary>], iteration_bounds = array<i64: 10>, scalar_prefetch = 0 : i64, scratch_operands = 0 : i64, tpu.core_type = #tpu.core_type<tc>, window_params = [{transform_indices = @transform_0, window_bounds = array<i64: 2, 1000, 128>}, {pipeline_mode = #tpu.pipeline_mode<synchronous>, transform_indices = @transform_1, window_bounds = array<i64: 128, 128>}, {pipeline_mode = #tpu.pipeline_mode<synchronous>, transform_indices = @transform_2, window_bounds = array<i64: 1, 128>}, {transform_indices = @transform_3, window_bounds = array<i64: 1000, 128>}]} {
    %get3A = arith.constant 0 : index
    %get3A_0 = arith.constant 0 : index
    %get3A_1 = arith.constant 0 : index
    %get3A_2 = vector.load %arg1[%get3A, %get3A_0, %get3A_1] : memref<2x1000x128xf32, #tpu.memory_space<vmem>>, vector<1x1000x128xf32>
    %get3A_3 = vector.shape_cast %get3A_2 : vector<1x1000x128xf32> to vector<1000x128xf32>
    %get3A_4 = arith.constant 1 : index
    %get3A_5 = arith.constant 0 : index
    %get3A_6 = arith.constant 0 : index
    %get3A_7 = vector.load %arg1[%get3A_4, %get3A_5, %get3A_6] : memref<2x1000x128xf32, #tpu.memory_space<vmem>>, vector<1x1000x128xf32>
    %get3A_8 = vector.shape_cast %get3A_7 : vector<1x1000x128xf32> to vector<1000x128xf32>
    %add3A = arith.addf %get3A_3, %get3A_8 : vector<1000x128xf32>
    %get3A_9 = arith.constant 0 : index
    %get3A_10 = arith.constant 0 : index
    %get3A_11 = vector.load %arg2[%get3A_9, %get3A_10] : memref<128x128xf32, #tpu.memory_space<vmem>>, vector<128x128xf32>
    %dot_general3A = arith.constant dense<0.000000e+00> : vector<1000x128xf32>
    %dot_general3A_12 = tpu.matmul %add3A, %get3A_11, %dot_general3A {dimension_numbers = #tpu.dot_dimension_numbers<[1], [0], [0], [1], [0, 0, 1, 1], [], []>, transpose_lhs_hint = false} : vector<1000x128xf32>, vector<128x128xf32>, vector<1000x128xf32> -> vector<1000x128xf32>
    %get3A_13 = arith.constant 0 : index
    %get3A_14 = arith.constant 0 : index
    %get3A_15 = vector.load %arg3[%get3A_13, %get3A_14] : memref<1x128xf32, #tpu.memory_space<vmem>>, vector<1x128xf32>
    %add3A_16 = vector.broadcast %get3A_15 : vector<1x128xf32> to vector<1000x128xf32>
    %add3A_17 = arith.addf %dot_general3A_12, %add3A_16 : vector<1000x128xf32>
    %swap3A = arith.constant 0 : index
    %swap3A_18 = arith.constant 0 : index
    %swap3A_19 = vector.load %arg4[%swap3A, %swap3A_18] : memref<1000x128xf32, #tpu.memory_space<vmem>>, vector<1000x128xf32>
    tpu.vector_store %arg4[%swap3A, %swap3A_18], %add3A_17 {strides = array<i32>} : memref<1000x128xf32, #tpu.memory_space<vmem>>, vector<1000x128xf32>,
    return
  }
  func.func @transform_0(%arg0: i32) -> (i32, i32, i32) {
    %c0_i32 = arith.constant 0 : i32
    %c0_i32_0 = arith.constant 0 : i32
    %c0_i32_1 = arith.constant 0 : i32
    return %c0_i32, %arg0, %c0_i32_0 : i32, i32, i32
  }
  func.func @transform_1(%arg0: i32) -> (i32, i32) {
    %c0_i32 = arith.constant 0 : i32
    %c0_i32_0 = arith.constant 0 : i32
    %c0_i32_1 = arith.constant 0 : i32
    return %c0_i32, %c0_i32_0 : i32, i32
  }
  func.func @transform_2(%arg0: i32) -> (i32, i32) {
    %c0_i32 = arith.constant 0 : i32
    %c0_i32_0 = arith.constant 0 : i32
    %c0_i32_1 = arith.constant 0 : i32
    return %c0_i32, %c0_i32_0 : i32, i32
  }
  func.func @transform_3(%arg0: i32) -> (i32, i32) {
    %c0_i32 = arith.constant 0 : i32
    %c0_i32_0 = arith.constant 0 : i32
    return %arg0, %c0_i32 : i32, i32
  }
}

</mosaic_0001>

<sc_bundles>
// kernel: kernel.4.cloned.1.call-start
scs
__scs_entry_jumppad:
0x0: {  	(pc) =	sbr.rel $0x88, $3  }
0x1: {  	(tag) =	ssettag $0x0;
	lr =	simm.s32 $0x1  }
0x2: {  	[smem:$0x3F9C] =	sst lr;
	_ =	strace $0xD0000000  }
0x3: {  	_ = 	snop  }
0x4: {  	_ = 	snop  }
0x5: {  	_ = 	snop  }
0x6: {  	_ = 	snop  }
0x7: {  	_ = 	snop  }
__scs_overlays_trampoline_lowered:
0x8: {  	[smem:$0x3FAB] =	sst s0  }
0x9: {  	[smem:$0x3FAC] =	sst s1  }
0xa: {  	[smem:$0x3FAD] =	sst s2  }
0xb: {  	[smem:$0x3FAE] =	sst s3  }
0xc: {  	[smem:$0x3FAF] =	sst s4  }
0xd: {  	[smem:$0x3FB0] =	sst s5  }
0xe: {  	[smem:$0x3FB1] =	sst s6  }
0xf: {  	[smem:$0x3FB2] =	sst s7  }
0x10: {  	[smem:$0x3FB3] =	sst s8  }
0x11: {  	[smem:$0x3FB4] =	sst s9;
	s0 =	simm.s32 @!p0 $0x0  }
0x12: {  	s1 =	sld [smem:$0x3F9A];
	s0 =	simm.s32 @p0 $0x1  }
0x13: {  	[smem:$0x3FB5] =	sst s0;
	s0 =	simm.s32 @!p1 $0x0  }
0x14: {  	s2 =	sld [smem:$0x3F99];
	s0 =	simm.s32 @p1 $0x1  }
0x15: {  	[smem:$0x3FB6] =	sst s0;
	s0 =	simm.s32 @!p2 $0x0  }
0x16: {  	s3 =	sld [smem:$0x3FDB];
	s0 =	simm.s32 @p2 $0x1  }
0x17: {  	s4 =	simm.s32 $0x1BF5;
	[smem:$0x3FB8] =	sst s0  }
0x18: {  	s0 =	sld [smem:$0x3F9B];
	_ =	swait.ge [sflag:s4], $0x0  }
0x19: {  	s7 =	sld [smem:$0x3F9C]  }
0x1a: {  	s8 =	sadd.s32 $0xFFFFE003, lr  }
0x1b: {  	s9 =	sadd.s32 $0xFFFFFEF7, lr;
	s5 =	simm.s32 $0xFFFFFFFF;
	p2 =	slt.u32 s8, $0xFFFFF086  }
0x1c: {  	p1 =	slt.u32 s9, $0xF7A;
	s5 =	simm.s32 @!p2 $0x0  }
0x1d: {  	s5 =	simm.s32 @p1 $0x1;
	p0 =	seq.s32 s7, s2  }
0x1e: {  	s7 =	smul.u32 @!p0 $0xF7A, s2;
	p2 =	seq.s32 @!p0 s5, $0x0  }
0x1f: {  	s9 =	smul.u32 $0xF7A, s1;
	s8 =	simm.s32 @!p0 $0x1BF5;
	p2 =	por !p2, p0  }
0x20: {  	[sflag:s8] =	ssyncset.s32 @!p0 $0xFFFFF086;
	s6 =	sadd.s32 @!p0 s3, s7;
	s7 =	simm.s32 @!p0 $0x108  }
0x21: {  	s3 =	sadd.s32 s3, s9;
	s6 =	sadd.s32 @!p0 $0x88, s6;
	s7 =	simm.s32 @p2 $0x1082  }
0x22: {  	[simem:s7], [sflag:s8] =	dma.local @!p0 [hbm:s6], $0xF7A  }
0x23: {  	s9 =	sor.u32 $0xD0000000, s2;
	s6 =	simm.s32 $0x108;
	_ =	swait.ge @!p0 [sflag:s8], $0x0  }
0x24: {  	s3 =	sadd.s32 $0x88, s3;
	s6 =	simm.s32 @!p1 $0x1082;
	[sflag:s4] =	ssyncset.s32 $0xFFFFF086  }
0x25: {  	[simem:s6], [sflag:s4] =	dma.local [hbm:s3], $0xF7A  }
0x26: {  	[smem:$0x3F9C] =	sst s1;
	(tag) =	ssettag s2;
	_ =	strace s9  }
0x27: {  	s1 =	sld [smem:$0x3FAC]  }
0x28: {  	s2 =	sld [smem:$0x3FAD]  }
0x29: {  	s4 =	sld [smem:$0x3FAF]  }
0x2a: {  	p0 =	seq.s32 s5, $0x0;
	s5 =	sld [smem:$0x3FB0]  }
0x2b: {  	s6 =	sld [smem:$0x3FB1]  }
0x2c: {  	s7 =	sld [smem:$0x3FB2]  }
0x2d: {  	s3 =	simm.s32 $0x108;
	s8 =	sld [smem:$0x3FB3]  }
0x2e: {  	s3 =	simm.s32 @!p0 $0x1082;
	s9 =	sld [smem:$0x3FB4]  }
0x2f: {  	lr =	sadd.s32 s0, s3;
	s0 =	sld [smem:$0x3FAB]  }
0x30: {  	s3 =	sld [smem:$0x3FAE]  }
0x31: {  	[smem:$0x3FB7] =	sst s10  }
0x32: {  	s10 =	sld [smem:$0x3FB5];
	_ =	sdelay $0x3  }
0x33: {  	p0 =	seq.s32 s10, $0x1;
	s10 =	sld [smem:$0x3FB7];
	_ =	sdelay $0x3  }
0x34: {  	[smem:$0x3FB7] =	sst s10  }
0x35: {  	s10 =	sld [smem:$0x3FB6];
	_ =	sdelay $0x3  }
0x36: {  	p1 =	seq.s32 s10, $0x1;
	s10 =	sld [smem:$0x3FB7];
	_ =	sdelay $0x3  }
0x37: {  	[smem:$0x3FB7] =	sst s10  }
0x38: {  	s10 =	sld [smem:$0x3FB8]  }
0x39: {  	_ = 	snop;
	(pc) =	sbr.ind lr, $3  }
0x3a: {  	_ = 	snop  }
0x3b: {  	_ = 	snop  }
0x3c: {  	p2 =	seq.s32 s10, $0x1;
	s10 =	sld [smem:$0x3FB7]  }
0x3d: {  	_ =	shalt  }
0x3e: {  	_ =	shalt  }
0x3f: {  	_ =	shalt  }
0x40: {  	_ =	shalt  }
0x41: {  	_ =	shalt  }
0x42: {  	_ =	shalt  }
0x43: {  	_ =	shalt  }
0x44: {  	_ =	shalt  }
0x45: {  	_ =	shalt  }
0x46: {  	_ =	shalt  }
0x47: {  	_ =	shalt  }
0x48: {  	_ =	shalt  }
0x49: {  	_ =	shalt  }
0x4a: {  	_ =	shalt  }
0x4b: {  	_ =	shalt  }
0x4c: {  	_ =	shalt  }
0x4d: {  	_ =	shalt  }
0x4e: {  	_ =	shalt  }
0x4f: {  	_ =	shalt  }
0x50: {  	_ =	shalt  }
0x51: {  	_ =	shalt  }
0x52: {  	_ =	shalt  }
0x53: {  	_ =	shalt  }
0x54: {  	_ =	shalt  }
0x55: {  	_ =	shalt  }
0x56: {  	_ =	shalt  }
0x57: {  	_ =	shalt  }
0x58: {  	_ =	shalt  }
0x59: {  	_ =	shalt  }
0x5a: {  	_ =	shalt  }
0x5b: {  	_ =	shalt  }
0x5c: {  	_ =	shalt  }
0x5d: {  	_ =	shalt  }
0x5e: {  	_ =	shalt  }
0x5f: {  	_ =	shalt  }
0x60: {  	_ =	shalt  }
0x61: {  	_ =	shalt  }
0x62: {  	_ =	shalt  }
0x63: {  	_ =	shalt  }
0x64: {  	_ =	shalt  }
0x65: {  	_ =	shalt  }
0x66: {  	_ =	shalt  }
0x67: {  	_ =	shalt  }
0x68: {  	_ =	shalt  }
0x69: {  	_ =	shalt  }
0x6a: {  	_ =	shalt  }
0x6b: {  	_ =	shalt  }
0x6c: {  	_ =	shalt  }
0x6d: {  	_ =	shalt  }
0x6e: {  	_ =	shalt  }
0x6f: {  	_ =	shalt  }
0x70: {  	_ =	shalt  }
0x71: {  	_ =	shalt  }
0x72: {  	_ =	shalt  }
0x73: {  	_ =	shalt  }
0x74: {  	_ =	shalt  }
0x75: {  	_ =	shalt  }
0x76: {  	_ =	shalt  }
0x77: {  	_ =	shalt  }
0x78: {  	_ =	shalt  }
0x79: {  	_ =	shalt  }
0x7a: {  	_ =	shalt  }
0x7b: {  	_ =	shalt  }
0x7c: {  	_ =	shalt  }
0x7d: {  	_ =	shalt  }
0x7e: {  	_ =	shalt  }
0x7f: {  	_ =	shalt  }
0x80: {  	_ =	shalt  }
0x81: {  	_ =	shalt  }
0x82: {  	_ =	shalt  }
0x83: {  	_ =	shalt  }
0x84: {  	_ =	shalt  }
0x85: {  	_ =	shalt  }
0x86: {  	_ =	shalt  }
0x87: {  	_ =	shalt  }
.Lfunc_end0:
.L_simem_size_0:
called_computation_lowered:
.L_overlay_start_0:
0x88: {  	s2 =	sld [smem:$0x3FD9]  }
0x89: {  	s3 =	sld [smem:$0x3FFE];
	_ =	sdelay $0x1  }
0x8a: {  	s1 =	srdreg.scid  }
0x8b: {  	s0 =	sand.u32 $0x1, s1  }
0x8c: {  	s17 =	sshll.u32 s0, $0xA;
	s2 =	sadd.s32 s3, s2  }
0x8d: {  	s2 =	sadd.s32 s2, s17  }
0x8e: {  	[smem:$0x3FC3] =	sst s2  }
0x8f: {  	_ = 	snop  }
0x90: {  	s2 =	sld [smem:$0x3FC9]  }
0x91: {  	s18 =	sld [smem:$0x3FD0];
	(tm) =	ssettm $0x1  }
0x92: {  	s4 =	sld [smem:$0x3FFB];
	_ =	sdelay $0x3  }
0x93: {  	_ =	strace s4  }
0x94: {  	s4 =	sld [smem:$0x3FFC];
	_ =	sdelay $0x3  }
0x95: {  	_ =	strace s4  }
0x96: {  	s4 =	sld [smem:$0x3FFD];
	_ =	sdelay $0x3  }
0x97: {  	_ =	strace s4  }
0x98: {  	_ =	strace $0x8FFFFFFF  }
0x99: {  	s19 =	sld [smem:$0x3FDB];
	_ =	sdelay $0x1  }
0x9a: {  	s5 =	simm.s32 $_scs_section_size  }
0x9b: {  	s6 =	simm.s32 $_size__tile_overlayer_lowered;
	s7 =	simm.s32 $_tile_overlayer_lowered  }
0x9c: {  	s22 =	simm.s32 $0x1BFF;
	s21 =	sshll.u32 s7, $0x1;
	s4 =	sadd.s32 s5, s19  }
0x9d: {  	s8 =	simm.s32 $0x0;
	s20 =	sshll.u32 s6, $0x1;
	s6 =	sadd.s32 s21, s4  }
0x9e: {  	[timem:s8], [sflag:s22] =	dma.local [hbm:s6], s20  }
0x9f: {  	_ =	swait.ge [sflag:s22], s20  }
0xa0: {  	s5 =	ssub.s32 $0x0, s20;
	[sflag:s22] =	ssyncset.done $0x0  }
0xa1: {  	[sflag:s22] =	ssyncadd.s32 s5;
	_ =	sdelay $0x1  }
0xa2: {  	s23 =	simm.s32 $0x1B8B  }
0xa3: {  	_ =	swait.ge [sflag:s23], $0x1  }
0xa4: {  	[sflag:s23] =	ssyncset.done $0x0  }
0xa5: {  	s25 =	simm.s32 $0x1B8E;
	s24 =	sld [smem:$0x3FFE];
	[sflag:s23] =	ssyncadd.s32 $0xFFFFFFFF  }
0xa6: {  	s26 =	simm.s32 $execute0_lowered;
	[smem:$0x3FD2] =	sst s25  }
0xa7: {  	s6 =	sshll.u32 s26, $0x1;
	_ =	strace $0x80000046;
	[dreg:$0x1] =	wrdreg $0xFFFFFFFF  }
0xa8: {  	s28 =	simm.s32 $_size_execute0_lowered;
	s4 =	sadd.s32 s4, s6;
	[dreg:$0x0] =	wrdreg $0x0  }
0xa9: {  	s6 =	sshll.u32 s28, $0x1;
	[dreg:$0x2] =	wrdreg s4  }
0xaa: {  	[dreg:$0x3] =	wrdreg s6  }
0xab: {  	[dreg:$0x4] =	wrdreg $0xC0  }
0xac: {  	_ =	task [dreg:s8], $0x5FFFF  }
0xad: {  	[dreg:$0x1] =	wrdreg $0xFFFFFFFF  }
0xae: {  	[dreg:$0x0] =	wrdreg $0x60  }
0xaf: {  	[dreg:$0x2] =	wrdreg s2  }
0xb0: {  	[dreg:$0x3] =	wrdreg s18  }
0xb1: {  	[dreg:$0x4] =	wrdreg s24  }
0xb2: {  	[dreg:$0x5] =	wrdreg $0xB8000  }
0xb3: {  	[dreg:$0x6] =	wrdreg $0x9  }
0xb4: {  	_ =	task.clear_ibuf [dreg:s8], $0x7FFFF;
	_ =	strace $0x90000046  }
0xb5: {  	s29 =	simm.s32 $0x9;
	_ =	strace $0x80000048  }
0xb6: {  	_ =	swait.ge [sflag:s29], $0x1  }
0xb7: {  	[sflag:s29] =	ssyncadd.s32 $0xFFFFFFFF  }
0xb8: {  	_ =	strace $0x90000048  }
0xb9: {  	_ =	sfence  }
0xba: {  	s30 =	sld [smem:$0x0];
	_ =	sdelay $0x2  }
0xbb: {  	s31 =	sshll.u32 s1, $0xD;
	s1 =	sshrl.u32 s1, $0x2  }
0xbc: {  	s3 =	sand.u32 $0x4000, s31;
	s1 =	sadd.s32 s1, s30  }
0xbd: {  	s0 =	sor.u32 s3, s0;
	s1 =	sshll.u32 s1, $0x11  }
0xbe: {  	s0 =	sor.u32 s1, s0  }
0xbf: {  	s0 =	sadd.s32 $0x8F2B, s0  }
0xc0: {  	[sflag:s0] =	ssyncadd.remote.s32 $0x1  }
0xc1: {  	_ =	sfence.sel $0xFFFF  }
0xc2: {  	[dreg:$0x0] =	wrdreg $0xFFFFFFFF;
	(pc) =	sbr.abs _section_cstart, $3  }
0xc3: {  	[dreg:$0x1] =	wrdreg $0xFFFFFFFF  }
0xc4: {  	_ =	task.clear_ibuf [dreg:s8], $0x2FFFF;
	_ =	strace $0x9FFFFFFF  }
0xc5: {  	(tm) =	ssettm $0x7FFFFFFF  }
tec
execute0_lowered:
.L_overlay_start_1:
0x0: {  	(tag) =	ssettag $0x1  }
0x1: {  	s0 =	rddreg [dreg:$0x0]  }
0x2: {  	s10 =	rddreg [dreg:$0x1]  }
0x3: {  	s5 =	rddreg [dreg:$0x2]  }
0x4: {  	s1 =	srdreg.scid;
	s3 =	rddreg [dreg:$0x3]  }
0x5: {  	s4 =	simm.s32 $0x0;
	s17 =	simm.s32 $0x2;
	s18 =	simm.s32 $0x2800  }
0x6: {  	s19 =	simm.s32 $0x5000;
	s20 =	simm.s32 $0x80;
	s21 =	simm.s32 $0x1  }
0x7: {  	s6 =	sand.u32 $0x1, s1;
	s1 =	stileid.u32;
	[smem:$0x7FF] =	sst s4  }
0x8: {  	s13 =	sadd.s32 $0x14400, s5;
	s22 =	sadd.s32 $0x12C000, s3;
	s30 =	smul.u32 $0x50000, s1  }
0x9: {  	s2 =	sshll.u32 s6, $0x4;
	s8 =	ssub.s32 $0x2, s6;
	s14 =	smul.u32 $0x138800, s6  }
0xa: {  	s16 =	smul.u32 $0x14000, s1;
	p0 =	seq.s32 s1, $0xF;
	s7 =	sor.u32 s1, s2  }
0xb: {  	s2 =	rddreg [dreg:$0x4];
	_ =	strace $0x80000047;
	s31 =	sshrl.u32 s8, $0x1  }
0xc: {  	s22 =	sshrl.u32 @p0 s22, $0x3;
	s11 =	smul.u32 $0x500, s7;
	s7 =	sshrl.u32 s30, $0x2  }
0xd: {  	v0 =	vimm.f32 $0.0e+00;
	v1 =	vimm.s32 $0x0;
	s15 =	ssub.s32 s8, s31;
	s16 =	sadd.s32 s16, s14;
	s14 =	sshrl.u32 s14, $0x3  }
0xe: {  	v2 =	vimm.s32 $0x1;
	v3 =	vimm.s32 $0x2;
	v4 =	vimm.s32 $0x3;
	s16 =	sshrl.u32 s16, $0x3;
	s14 =	sadd.s32 s13, s14;
	s15 =	smax.u32 s15, $0x1  }
0xf: {  	v5 =	vimm.s32 $0x4;
	v6 =	vimm.s32 $0x5;
	v7 =	vimm.s32 $0x6;
	s12 =	sadd.s32 s11, s5;
	s5 =	sadd.s32 s7, s3;
	s10 =	sadd.s32 s10, s11  }
0x10: {  	v8 =	vimm.s32 $0x7;
	v9 =	vimm.s32 $0x8;
	v10 =	vimm.s32 $0x9;
	s13 =	sadd.s32 s13, s16;
	s14 =	sadd.s32 $0x25800, s14;
	s16 =	simm.s32 $0x7800  }
0x11: {  	v11 =	vimm.s32 $0xA;
	v12 =	vimm.s32 $0xB;
	v13 =	vimm.s32 $0xC;
	s6 =	sadd.s32 $0x4000, s5;
	s7 =	sadd.s32 $0x8000, s5;
	s8 =	sadd.s32 $0xC000, s5  }
0x12: {  	v14 =	vimm.s32 $0xD;
	v15 =	vimm.s32 $0xE;
	v16 =	vimm.s32 $0xF;
	s9 =	sadd.s32 $0x10000, s5;
	s11 =	sadd.s32 $0x400, s12;
	s12 =	sadd.s32 $0xA400, s12  }
.LBB2_1:
0x13: {  	s23 =	simm.s32 $0x0;
	s24 =	simm.s32 $0x200  }
.LBB2_2:
0x14: {  	p1 =	sne.s32 s24, $0xFE00;
	[tilespmem:s23+$0x7870] =	vst v0  }
0x15: {  	[tilespmem:s23+$0x7800] =	vst v0  }
0x16: {  	[tilespmem:s23+$0x7810] =	vst v0  }
.Ltmp0:
0x17: {  	[tilespmem:s23+$0x7820] =	vst v0;
	(pc) =	sbr.rel @p1 .LBB2_2-.Ltmp0, $4  }
0x18: {  	[tilespmem:s23+$0x7830] =	vst v0  }
0x19: {  	[tilespmem:s23+$0x7840] =	vst v0  }
0x1a: {  	[tilespmem:s23+$0x7850] =	vst v0  }
0x1b: {  	[tilespmem:s23+$0x7860] =	vst v0;
	s23 =	sshra.s32 s24, $0x2;
	s24 =	sadd.s32 $0x200, s24  }
0x1c: {  	[tilespmem:s23+$0x7870] =	vst v0  }
0x1d: {  	[tilespmem:s23+$0x7800] =	vst v0  }
0x1e: {  	[tilespmem:s23+$0x7810] =	vst v0  }
0x1f: {  	[tilespmem:s23+$0x7820] =	vst v0  }
0x20: {  	[tilespmem:s23+$0x7830] =	vst v0  }
0x21: {  	[tilespmem:s23+$0x7840] =	vst v0  }
0x22: {  	[tilespmem:s23+$0x7850] =	vst v0  }
0x23: {  	[tilespmem:s23+$0x7860] =	vst v0  }
0x24: {  	[spmem:s5] =	stream.linear.scatter [tilespmem:s16], [sflag:$0x2], $0x4000, $0x38;
	[tilespmem:$0x1F800] =	vst v63  }
0x25: {  	_ =	swait.ge [sflag:s17], $0x4000  }
0x26: {  	[sflag:s17] =	ssyncset.done $0x0  }
0x27: {  	[sflag:s17] =	ssyncadd.s32 $0xFFFFC000  }
0x28: {  	[spmem:s6] =	stream.linear.scatter [tilespmem:s16], [sflag:$0x2], $0x4000, $0x38;
	[tilespmem:$0x1F800] =	vst v63  }
0x29: {  	_ =	swait.ge [sflag:s17], $0x4000  }
0x2a: {  	[sflag:s17] =	ssyncset.done $0x0  }
0x2b: {  	[sflag:s17] =	ssyncadd.s32 $0xFFFFC000  }
0x2c: {  	[spmem:s7] =	stream.linear.scatter [tilespmem:s16], [sflag:$0x2], $0x4000, $0x38;
	[tilespmem:$0x1F800] =	vst v63  }
0x2d: {  	_ =	swait.ge [sflag:s17], $0x4000  }
0x2e: {  	[sflag:s17] =	ssyncset.done $0x0  }
0x2f: {  	[sflag:s17] =	ssyncadd.s32 $0xFFFFC000  }
0x30: {  	[spmem:s8] =	stream.linear.scatter [tilespmem:s16], [sflag:$0x2], $0x4000, $0x38;
	[tilespmem:$0x1F800] =	vst v63  }
0x31: {  	_ =	swait.ge [sflag:s17], $0x4000  }
0x32: {  	[sflag:s17] =	ssyncset.done $0x0  }
0x33: {  	[sflag:s17] =	ssyncadd.s32 $0xFFFFC000  }
0x34: {  	[spmem:s9] =	stream.linear.scatter [tilespmem:s16], [sflag:$0x2], $0x4000, $0x38;
	[tilespmem:$0x1F800] =	vst v63  }
0x35: {  	_ =	swait.ge [sflag:s17], $0x4000  }
0x36: {  	[sflag:s17] =	ssyncset.done $0x0  }
0x37: {  	[sflag:s17] =	ssyncadd.s32 $0xFFFFC000  }
0x38: {  	s23 =	simm.s32 $0x0;
	[bflag:$0x0] =	sbarrier.arrive $0xFFFF  }
0x39: {  	[tilespmem:s23], [sflag:$0x2] =	stream.linear.gather [hbm4b:s10+s23], $0x2800, $0x38;
	[tilespmem:$0x1F800] =	vst v63  }
0x3a: {  	_ =	swait.ge [sflag:s17], $0x2800  }
0x3b: {  	[sflag:s17] =	ssyncset.done $0x0  }
0x3c: {  	[sflag:s17] =	ssyncadd.s32 $0xFFFFD800  }
0x3d: {  	[tilespmem:s18], [sflag:$0x2] =	stream.linear.gather [hbm4b:s11+s23], $0x2800, $0x38;
	[tilespmem:$0x1F800] =	vst v63  }
0x3e: {  	_ =	swait.ge [sflag:s17], $0x2800  }
0x3f: {  	[sflag:s17] =	ssyncset.done $0x0  }
0x40: {  	[sflag:s17] =	ssyncadd.s32 $0xFFFFD800  }
0x41: {  	[tilespmem:s19], [sflag:$0x2] =	stream.linear.gather [hbm4b:s12+s23], $0x2800, $0x38;
	[tilespmem:$0x1F800] =	vst v63  }
0x42: {  	_ =	swait.ge [sflag:s17], $0x2800  }
0x43: {  	[sflag:s17] =	ssyncset.done $0x0  }
0x44: {  	[sflag:s17] =	ssyncadd.s32 $0xFFFFD800  }
.LBB2_4:
0x45: {  	s24 =	sshll.u32 s23, $0x7  }
0x46: {  	[tilespmem:s16], [sflag:$0x1] =	stream.indirect.gather [hbm4b:s0+s20], $0x80, s24, s20, $0xb8;
	[tilespmem:$0x1F800] =	vst v63  }
0x47: {  	s25 =	sadd.s32 $0x5000, s24  }
0x48: {  	_ =	swait.ge [sflag:s21], $0x4000;
	v17 =	vmov s25  }
0x49: {  	[sflag:s21] =	ssyncset.done $0x0  }
0x4a: {  	s25 =	simm.s32 $0x0;
	[sflag:s21] =	ssyncadd.s32 $0xFFFFC000  }
.LBB2_5:
0x4b: {  	s26 =	sshll.u32 s25, $0x4  }
0x4c: {  	s26 =	sand.u32 $0x3FFFFFF0, s26  }
0x4d: {  	s31 =	sshll.u32 s25, $0xB;
	v18 =	vld.idx.msk [tilespmem:v17+s26+$0x0 ss:$0x1], $0xffff  }
0x4e: {  	s26 =	sand.u32 $0x3FFFF800, s31  }
0x4f: {  	v19 =	vld [tilespmem:s26+$0x7800]  }
0x50: {  	v20 =	vld [tilespmem:s26+$0x7810]  }
0x51: {  	v21 =	vld [tilespmem:s26+$0x7820]  }
0x52: {  	v23 =	vld [tilespmem:s26+$0x7830];
	v22 =	vperm.xlane v18, v1  }
0x53: {  	v24 =	vld [tilespmem:s26+$0x7840]  }
0x54: {  	v25 =	vld [tilespmem:s26+$0x7850];
	v19 =	vmul.f32 v19, v22  }
0x55: {  	v26 =	vld [tilespmem:s26+$0x7860];
	v20 =	vmul.f32 v20, v22  }
0x56: {  	v43 =	vld [tilespmem:s26+$0x7870];
	[tilespmem:s26+$0x7800] =	vst v19;
	v19 =	vmul.f32 v21, v22  }
0x57: {  	v45 =	vld [tilespmem:s26+$0x7880];
	v44 =	vmul.f32 v23, v22;
	[tilespmem:s26+$0x7810] =	vst v20  }
0x58: {  	v46 =	vld [tilespmem:s26+$0x7890];
	[tilespmem:s26+$0x7820] =	vst v19;
	v19 =	vmul.f32 v24, v22  }
0x59: {  	v48 =	vld [tilespmem:s26+$0x78A0];
	v47 =	vmul.f32 v25, v22;
	[tilespmem:s26+$0x7830] =	vst v44  }
0x5a: {  	v27 =	vld [tilespmem:s26+$0x78B0];
	v49 =	vperm.xlane v18, v2;
	[tilespmem:s26+$0x7840] =	vst v19;
	v19 =	vmul.f32 v26, v22  }
0x5b: {  	v51 =	vld [tilespmem:s26+$0x78C0];
	v50 =	vmul.f32 v43, v22;
	[tilespmem:s26+$0x7850] =	vst v47  }
0x5c: {  	v52 =	vld [tilespmem:s26+$0x78D0];
	[tilespmem:s26+$0x7860] =	vst v19;
	v19 =	vmul.f32 v45, v49  }
0x5d: {  	v54 =	vld [tilespmem:s26+$0x78E0];
	v53 =	vmul.f32 v46, v49;
	[tilespmem:s26+$0x7870] =	vst v50  }
0x5e: {  	v55 =	vld [tilespmem:s26+$0x78F0];
	[tilespmem:s26+$0x7880] =	vst v19;
	v19 =	vmul.f32 v48, v49  }
0x5f: {  	v57 =	vld [tilespmem:s26+$0x7900];
	v56 =	vmul.f32 v27, v49;
	[tilespmem:s26+$0x7890] =	vst v53  }
0x60: {  	v58 =	vld [tilespmem:s26+$0x7910];
	[tilespmem:s26+$0x78A0] =	vst v19;
	v19 =	vmul.f32 v51, v49  }
0x61: {  	v60 =	vld [tilespmem:s26+$0x7920];
	v59 =	vmul.f32 v52, v49;
	[tilespmem:s26+$0x78B0] =	vst v56  }
0x62: {  	v62 =	vld [tilespmem:s26+$0x7930];
	v61 =	vperm.xlane v18, v3;
	[tilespmem:s26+$0x78C0] =	vst v19;
	v19 =	vmul.f32 v54, v49  }
0x63: {  	v28 =	vld [tilespmem:s26+$0x7940];
	v63 =	vmul.f32 v55, v49;
	[tilespmem:s26+$0x78D0] =	vst v59  }
0x64: {  	v29 =	vld [tilespmem:s26+$0x7950];
	[tilespmem:s26+$0x78E0] =	vst v19;
	v19 =	vmul.f32 v57, v61  }
0x65: {  	v31 =	vld [tilespmem:s26+$0x7960];
	v30 =	vmul.f32 v58, v61;
	[tilespmem:s26+$0x78F0] =	vst v63  }
0x66: {  	v32 =	vld [tilespmem:s26+$0x7970];
	[tilespmem:s26+$0x7900] =	vst v19;
	v19 =	vmul.f32 v60, v61  }
0x67: {  	v34 =	vld [tilespmem:s26+$0x7980];
	v33 =	vmul.f32 v62, v61;
	[tilespmem:s26+$0x7910] =	vst v30  }
0x68: {  	v35 =	vld [tilespmem:s26+$0x7990];
	[tilespmem:s26+$0x7920] =	vst v19;
	v19 =	vmul.f32 v28, v61  }
0x69: {  	v37 =	vld [tilespmem:s26+$0x79A0];
	v36 =	vmul.f32 v29, v61;
	[tilespmem:s26+$0x7930] =	vst v33  }
0x6a: {  	v39 =	vld [tilespmem:s26+$0x79B0];
	v38 =	vperm.xlane v18, v4;
	[tilespmem:s26+$0x7940] =	vst v19;
	v19 =	vmul.f32 v31, v61  }
0x6b: {  	v41 =	vld [tilespmem:s26+$0x79C0];
	v40 =	vmul.f32 v32, v61;
	[tilespmem:s26+$0x7950] =	vst v36  }
0x6c: {  	v45 =	vld [tilespmem:s26+$0x79F0];
	[tilespmem:s26+$0x7960] =	vst v19;
	v19 =	vmul.f32 v34, v38  }
0x6d: {  	v43 =	vmul.f32 v35, v38;
	[tilespmem:s26+$0x7970] =	vst v40;
	v44 =	vld [tilespmem:s26+$0x79E0]  }
0x6e: {  	v42 =	vld [tilespmem:s26+$0x79D0];
	[tilespmem:s26+$0x7980] =	vst v19;
	v19 =	vmul.f32 v37, v38  }
0x6f: {  	v46 =	vmul.f32 v39, v38;
	[tilespmem:s26+$0x7990] =	vst v43;
	v47 =	vld [tilespmem:s26+$0x7A00]  }
0x70: {  	v52 =	vld [tilespmem:s26+$0x7A30];
	[tilespmem:s26+$0x79A0] =	vst v19;
	v19 =	vmul.f32 v41, v38  }
0x71: {  	[tilespmem:s26+$0x79B0] =	vst v46;
	v50 =	vld [tilespmem:s26+$0x7A20];
	v53 =	vmul.f32 v45, v38  }
0x72: {  	v55 =	vld [tilespmem:s26+$0x7A50];
	v51 =	vperm.xlane v18, v5;
	[tilespmem:s26+$0x79C0] =	vst v19;
	v19 =	vmul.f32 v44, v38  }
0x73: {  	v49 =	vmul.f32 v42, v38;
	v54 =	vld [tilespmem:s26+$0x7A40];
	[tilespmem:s26+$0x79F0] =	vst v53  }
0x74: {  	v58 =	vld [tilespmem:s26+$0x7A70];
	[tilespmem:s26+$0x79E0] =	vst v19;
	v19 =	vmul.f32 v47, v51  }
0x75: {  	v59 =	vmul.f32 v52, v51;
	[tilespmem:s26+$0x79D0] =	vst v49;
	v57 =	vld [tilespmem:s26+$0x7A60]  }
0x76: {  	v48 =	vld [tilespmem:s26+$0x7A10];
	[tilespmem:s26+$0x7A00] =	vst v19;
	v19 =	vmul.f32 v50, v51  }
0x77: {  	v62 =	vmul.f32 v55, v51;
	[tilespmem:s26+$0x7A30] =	vst v59;
	v60 =	vld [tilespmem:s26+$0x7A80]  }
0x78: {  	v40 =	vld [tilespmem:s26+$0x7B10];
	[tilespmem:s26+$0x7A20] =	vst v19;
	v19 =	vmul.f32 v54, v51  }
0x79: {  	v63 =	vld [tilespmem:s26+$0x7AA0];
	v32 =	vmul.f32 v58, v51;
	[tilespmem:s26+$0x7A50] =	vst v62  }
0x7a: {  	v30 =	vperm.xlane v18, v6;
	v61 =	vld [tilespmem:s26+$0x7A90];
	[tilespmem:s26+$0x7A40] =	vst v19;
	v19 =	vmul.f32 v57, v51  }
0x7b: {  	v33 =	vld [tilespmem:s26+$0x7AC0];
	v43 =	vperm.xlane v18, v7;
	v56 =	vmul.f32 v48, v51;
	[tilespmem:s26+$0x7A70] =	vst v32  }
0x7c: {  	v53 =	vld [tilespmem:s26+$0x7B90];
	[tilespmem:s26+$0x7A60] =	vst v19;
	v19 =	vmul.f32 v60, v30  }
0x7d: {  	v36 =	vld [tilespmem:s26+$0x7AE0];
	v48 =	vmul.f32 v40, v43;
	[tilespmem:s26+$0x7A10] =	vst v56  }
0x7e: {  	v31 =	vld [tilespmem:s26+$0x7AB0];
	[tilespmem:s26+$0x7A80] =	vst v19;
	v19 =	vmul.f32 v63, v30  }
0x7f: {  	v39 =	vld [tilespmem:s26+$0x7B00];
	[tilespmem:s26+$0x7B10] =	vst v48;
	v56 =	vperm.xlane v18, v8;
	v35 =	vmul.f32 v61, v30  }
0x80: {  	v34 =	vld [tilespmem:s26+$0x7AD0];
	[tilespmem:s26+$0x7AA0] =	vst v19;
	v19 =	vmul.f32 v33, v30  }
0x81: {  	v42 =	vld [tilespmem:s26+$0x7B20];
	v61 =	vmul.f32 v53, v56;
	[tilespmem:s26+$0x7A90] =	vst v35  }
0x82: {  	v37 =	vld [tilespmem:s26+$0x7AF0];
	[tilespmem:s26+$0x7AC0] =	vst v19;
	v19 =	vmul.f32 v36, v30  }
0x83: {  	v46 =	vld [tilespmem:s26+$0x7B40];
	[tilespmem:s26+$0x7B90] =	vst v61;
	v38 =	vmul.f32 v31, v30  }
0x84: {  	v47 =	vld [tilespmem:s26+$0x7B50];
	[tilespmem:s26+$0x7AE0] =	vst v19;
	v19 =	vmul.f32 v39, v43  }
0x85: {  	v49 =	vld [tilespmem:s26+$0x7B60];
	v41 =	vmul.f32 v34, v30;
	[tilespmem:s26+$0x7AB0] =	vst v38  }
0x86: {  	v38 =	vld [tilespmem:s26+$0x7C50];
	[tilespmem:s26+$0x7B00] =	vst v19;
	v19 =	vmul.f32 v42, v43  }
0x87: {  	v52 =	vld [tilespmem:s26+$0x7B80];
	[tilespmem:s26+$0x7AD0] =	vst v41;
	v45 =	vmul.f32 v37, v30  }
0x88: {  	v44 =	vld [tilespmem:s26+$0x7B30];
	[tilespmem:s26+$0x7B20] =	vst v19;
	v19 =	vmul.f32 v46, v43  }
0x89: {  	v55 =	vld [tilespmem:s26+$0x7BA0];
	v34 =	vperm.xlane v18, v9;
	[tilespmem:s26+$0x7AF0] =	vst v45;
	v54 =	vmul.f32 v47, v43  }
0x8a: {  	v50 =	vld [tilespmem:s26+$0x7B70];
	[tilespmem:s26+$0x7B40] =	vst v19;
	v19 =	vmul.f32 v49, v43  }
0x8b: {  	v59 =	vld [tilespmem:s26+$0x7BC0];
	v45 =	vmul.f32 v38, v34;
	[tilespmem:s26+$0x7B50] =	vst v54  }
0x8c: {  	v57 =	vld [tilespmem:s26+$0x7BB0];
	[tilespmem:s26+$0x7B60] =	vst v19;
	v19 =	vmul.f32 v52, v56  }
0x8d: {  	v62 =	vld [tilespmem:s26+$0x7BE0];
	v51 =	vmul.f32 v44, v43;
	[tilespmem:s26+$0x7C50] =	vst v45  }
0x8e: {  	v60 =	vld [tilespmem:s26+$0x7BD0];
	[tilespmem:s26+$0x7B80] =	vst v19;
	v19 =	vmul.f32 v55, v56  }
0x8f: {  	v58 =	vmul.f32 v50, v43;
	[tilespmem:s26+$0x7B30] =	vst v51;
	v30 =	vld [tilespmem:s26+$0x7C00]  }
0x90: {  	v51 =	vld [tilespmem:s26+$0x7CD0];
	[tilespmem:s26+$0x7BA0] =	vst v19;
	v19 =	vmul.f32 v59, v56  }
0x91: {  	[tilespmem:s26+$0x7B70] =	vst v58;
	v29 =	vmul.f32 v57, v56;
	v33 =	vld [tilespmem:s26+$0x7C20]  }
0x92: {  	v63 =	vld [tilespmem:s26+$0x7BF0];
	[tilespmem:s26+$0x7BC0] =	vst v19;
	v19 =	vmul.f32 v62, v56  }
0x93: {  	v37 =	vld [tilespmem:s26+$0x7C40];
	v47 =	vperm.xlane v18, v10;
	[tilespmem:s26+$0x7BB0] =	vst v29;
	v32 =	vmul.f32 v60, v56  }
0x94: {  	v61 =	vld [tilespmem:s26+$0x7D30];
	[tilespmem:s26+$0x7BE0] =	vst v19;
	v19 =	vmul.f32 v30, v34  }
0x95: {  	v40 =	vld [tilespmem:s26+$0x7C60];
	v58 =	vmul.f32 v51, v47;
	[tilespmem:s26+$0x7BD0] =	vst v32  }
0x96: {  	v31 =	vld [tilespmem:s26+$0x7C10];
	[tilespmem:s26+$0x7C00] =	vst v19;
	v19 =	vmul.f32 v33, v34  }
0x97: {  	v60 =	vperm.xlane v18, v11;
	v36 =	vmul.f32 v63, v56;
	[tilespmem:s26+$0x7CD0] =	vst v58;
	v43 =	vld [tilespmem:s26+$0x7C80]  }
0x98: {  	v57 =	vld [tilespmem:s26+$0x7D10];
	[tilespmem:s26+$0x7C20] =	vst v19;
	v19 =	vmul.f32 v37, v34  }
0x99: {  	v32 =	vmul.f32 v61, v60;
	[tilespmem:s26+$0x7BF0] =	vst v36;
	v46 =	vld [tilespmem:s26+$0x7CA0]  }
0x9a: {  	v35 =	vld [tilespmem:s26+$0x7C30];
	[tilespmem:s26+$0x7C40] =	vst v19;
	v19 =	vmul.f32 v40, v34  }
0x9b: {  	v50 =	vld [tilespmem:s26+$0x7CC0];
	v39 =	vmul.f32 v31, v34;
	[tilespmem:s26+$0x7D30] =	vst v32  }
0x9c: {  	v28 =	vld [tilespmem:s26+$0x7D50];
	[tilespmem:s26+$0x7C60] =	vst v19;
	v19 =	vmul.f32 v43, v47  }
0x9d: {  	v53 =	vld [tilespmem:s26+$0x7CE0];
	v29 =	vmul.f32 v57, v60;
	[tilespmem:s26+$0x7C10] =	vst v39  }
0x9e: {  	v31 =	vld [tilespmem:s26+$0x7D70];
	[tilespmem:s26+$0x7C80] =	vst v19;
	v19 =	vmul.f32 v46, v47  }
0x9f: {  	v42 =	vmul.f32 v35, v34;
	[tilespmem:s26+$0x7D10] =	vst v29;
	v56 =	vld [tilespmem:s26+$0x7D00]  }
0xa0: {  	v41 =	vld [tilespmem:s26+$0x7C70];
	[tilespmem:s26+$0x7CA0] =	vst v19;
	v19 =	vmul.f32 v50, v47  }
0xa1: {  	v35 =	vmul.f32 v28, v60;
	[tilespmem:s26+$0x7C30] =	vst v42;
	v59 =	vld [tilespmem:s26+$0x7D20]  }
0xa2: {  	v44 =	vld [tilespmem:s26+$0x7C90];
	[tilespmem:s26+$0x7CC0] =	vst v19;
	v19 =	vmul.f32 v53, v47  }
0xa3: {  	v63 =	vld [tilespmem:s26+$0x7D40];
	[tilespmem:s26+$0x7D50] =	vst v35;
	v39 =	vmul.f32 v31, v60  }
0xa4: {  	v48 =	vld [tilespmem:s26+$0x7CB0];
	[tilespmem:s26+$0x7CE0] =	vst v19;
	v19 =	vmul.f32 v56, v60  }
0xa5: {  	v49 =	vmul.f32 v41, v34;
	[tilespmem:s26+$0x7D70] =	vst v39;
	v30 =	vld [tilespmem:s26+$0x7D60]  }
0xa6: {  	v54 =	vld [tilespmem:s26+$0x7CF0];
	[tilespmem:s26+$0x7D00] =	vst v19;
	v19 =	vmul.f32 v59, v60  }
0xa7: {  	[tilespmem:s26+$0x7C70] =	vst v49;
	v52 =	vmul.f32 v44, v47;
	v33 =	vld [tilespmem:s26+$0x7D80]  }
0xa8: {  	v38 =	vld [tilespmem:s26+$0x7DB0];
	[tilespmem:s26+$0x7D20] =	vst v19;
	v19 =	vmul.f32 v63, v60  }
0xa9: {  	v36 =	vld [tilespmem:s26+$0x7DA0];
	[tilespmem:s26+$0x7C90] =	vst v52;
	v55 =	vmul.f32 v48, v47  }
0xaa: {  	v41 =	vld [tilespmem:s26+$0x7DD0];
	v37 =	vperm.xlane v18, v12;
	[tilespmem:s26+$0x7D40] =	vst v19;
	v19 =	vmul.f32 v30, v60  }
0xab: {  	[tilespmem:s26+$0x7CB0] =	vst v55;
	v62 =	vmul.f32 v54, v47;
	v40 =	vld [tilespmem:s26+$0x7DC0]  }
0xac: {  	v44 =	vld [tilespmem:s26+$0x7DF0];
	[tilespmem:s26+$0x7D60] =	vst v19;
	v19 =	vmul.f32 v33, v37  }
0xad: {  	[tilespmem:s26+$0x7CF0] =	vst v62;
	v45 =	vmul.f32 v38, v37;
	v43 =	vld [tilespmem:s26+$0x7DE0]  }
0xae: {  	v34 =	vld [tilespmem:s26+$0x7D90];
	[tilespmem:s26+$0x7D80] =	vst v19;
	v19 =	vmul.f32 v36, v37  }
0xaf: {  	v48 =	vmul.f32 v41, v37;
	[tilespmem:s26+$0x7DB0] =	vst v45;
	v46 =	vld [tilespmem:s26+$0x7E00]  }
0xb0: {  	v51 =	vld [tilespmem:s26+$0x7E30];
	[tilespmem:s26+$0x7DA0] =	vst v19;
	v19 =	vmul.f32 v40, v37  }
0xb1: {  	v49 =	vld [tilespmem:s26+$0x7E20];
	v52 =	vmul.f32 v44, v37;
	[tilespmem:s26+$0x7DD0] =	vst v48  }
0xb2: {  	v54 =	vld [tilespmem:s26+$0x7E50];
	v50 =	vperm.xlane v18, v13;
	[tilespmem:s26+$0x7DC0] =	vst v19;
	v19 =	vmul.f32 v43, v37  }
0xb3: {  	[tilespmem:s26+$0x7DF0] =	vst v52;
	v42 =	vmul.f32 v34, v37;
	v53 =	vld [tilespmem:s26+$0x7E40]  }
0xb4: {  	v57 =	vld [tilespmem:s26+$0x7E70];
	[tilespmem:s26+$0x7DE0] =	vst v19;
	v19 =	vmul.f32 v46, v50  }
0xb5: {  	[tilespmem:s26+$0x7D90] =	vst v42;
	v58 =	vmul.f32 v51, v50;
	v56 =	vld [tilespmem:s26+$0x7E60]  }
0xb6: {  	v47 =	vld [tilespmem:s26+$0x7E10];
	[tilespmem:s26+$0x7E00] =	vst v19;
	v19 =	vmul.f32 v49, v50  }
0xb7: {  	v61 =	vmul.f32 v54, v50;
	[tilespmem:s26+$0x7E30] =	vst v58;
	v59 =	vld [tilespmem:s26+$0x7E80]  }
0xb8: {  	v39 =	vld [tilespmem:s26+$0x7F10];
	[tilespmem:s26+$0x7E20] =	vst v19;
	v19 =	vmul.f32 v53, v50  }
0xb9: {  	v62 =	vld [tilespmem:s26+$0x7EA0];
	v31 =	vmul.f32 v57, v50;
	[tilespmem:s26+$0x7E50] =	vst v61  }
0xba: {  	v63 =	vperm.xlane v18, v14;
	v60 =	vld [tilespmem:s26+$0x7E90];
	[tilespmem:s26+$0x7E40] =	vst v19;
	v19 =	vmul.f32 v56, v50  }
0xbb: {  	v32 =	vld [tilespmem:s26+$0x7EC0];
	v42 =	vperm.xlane v18, v15;
	[tilespmem:s26+$0x7E70] =	vst v31;
	v55 =	vmul.f32 v47, v50  }
0xbc: {  	v33 =	vld [tilespmem:s26+$0x7ED0];
	[tilespmem:s26+$0x7E60] =	vst v19;
	v19 =	vmul.f32 v59, v63  }
0xbd: {  	v35 =	vld [tilespmem:s26+$0x7EE0];
	v47 =	vmul.f32 v39, v42;
	[tilespmem:s26+$0x7E10] =	vst v55  }
0xbe: {  	v30 =	vld [tilespmem:s26+$0x7EB0];
	[tilespmem:s26+$0x7E80] =	vst v19;
	v19 =	vmul.f32 v62, v63  }
0xbf: {  	v38 =	vld [tilespmem:s26+$0x7F00];
	[tilespmem:s26+$0x7F10] =	vst v47;
	v34 =	vmul.f32 v60, v63  }
0xc0: {  	v36 =	vld [tilespmem:s26+$0x7EF0];
	[tilespmem:s26+$0x7EA0] =	vst v19;
	v19 =	vmul.f32 v32, v63  }
0xc1: {  	v41 =	vld [tilespmem:s26+$0x7F20];
	[tilespmem:s26+$0x7E90] =	vst v34;
	v40 =	vmul.f32 v33, v63  }
0xc2: {  	v46 =	vld [tilespmem:s26+$0x7F50];
	[tilespmem:s26+$0x7EC0] =	vst v19;
	v19 =	vmul.f32 v35, v63  }
0xc3: {  	v45 =	vld [tilespmem:s26+$0x7F40];
	v37 =	vmul.f32 v30, v63;
	[tilespmem:s26+$0x7ED0] =	vst v40  }
0xc4: {  	v43 =	vld [tilespmem:s26+$0x7F30];
	[tilespmem:s26+$0x7EE0] =	vst v19;
	v19 =	vmul.f32 v38, v42  }
0xc5: {  	v48 =	vld [tilespmem:s26+$0x7F60];
	v44 =	vmul.f32 v36, v63;
	[tilespmem:s26+$0x7EB0] =	vst v37  }
0xc6: {  	v49 =	vld [tilespmem:s26+$0x7F70];
	[tilespmem:s26+$0x7F00] =	vst v19;
	v19 =	vmul.f32 v41, v42  }
0xc7: {  	v51 =	vld [tilespmem:s26+$0x7F80];
	[tilespmem:s26+$0x7EF0] =	vst v44;
	v53 =	vmul.f32 v46, v42  }
0xc8: {  	v52 =	vld [tilespmem:s26+$0x7F90];
	[tilespmem:s26+$0x7F20] =	vst v19;
	v19 =	vmul.f32 v45, v42  }
0xc9: {  	v54 =	vld [tilespmem:s26+$0x7FA0];
	v50 =	vmul.f32 v43, v42;
	[tilespmem:s26+$0x7F50] =	vst v53  }
0xca: {  	v18 =	vperm.xlane v18, v16;
	v55 =	vld [tilespmem:s26+$0x7FB0];
	[tilespmem:s26+$0x7F40] =	vst v19;
	v19 =	vmul.f32 v48, v42  }
0xcb: {  	v57 =	vld [tilespmem:s26+$0x7FC0];
	v56 =	vmul.f32 v49, v42;
	[tilespmem:s26+$0x7F30] =	vst v50  }
0xcc: {  	v58 =	vld [tilespmem:s26+$0x7FD0];
	[tilespmem:s26+$0x7F60] =	vst v19;
	v19 =	vmul.f32 v51, v18  }
0xcd: {  	v60 =	vld [tilespmem:s26+$0x7FE0];
	v59 =	vmul.f32 v52, v18;
	[tilespmem:s26+$0x7F70] =	vst v56  }
0xce: {  	v61 =	vld [tilespmem:s26+$0x7FF0];
	[tilespmem:s26+$0x7F80] =	vst v19;
	v19 =	vmul.f32 v54, v18  }
0xcf: {  	[tilespmem:s26+$0x7F90] =	vst v59;
	v62 =	vmul.f32 v55, v18  }
0xd0: {  	p1 =	sne.s32 s25, $0x7;
	[tilespmem:s26+$0x7FA0] =	vst v19;
	v19 =	vmul.f32 v57, v18  }
.Ltmp1:
0xd1: {  	[tilespmem:s26+$0x7FB0] =	vst v62;
	v63 =	vmul.f32 v58, v18;
	(pc) =	sbr.rel @p1 .LBB2_5-.Ltmp1, $4  }
0xd2: {  	[tilespmem:s26+$0x7FC0] =	vst v19;
	v19 =	vmul.f32 v60, v18  }
0xd3: {  	[tilespmem:s26+$0x7FD0] =	vst v63;
	v18 =	vmul.f32 v61, v18  }
0xd4: {  	[tilespmem:s26+$0x7FE0] =	vst v19  }
0xd5: {  	s25 =	sadd.s32 $0x1, s25;
	[tilespmem:s26+$0x7FF0] =	vst v18  }
0xd6: {  	s23 =	sadd.s32 $0x1, s23  }
0xd7: {  	p1 =	sne.s32 s23, $0x50  }
.Ltmp2:
0xd8: {  	s24 =	sadd.s32 $0x2800, s24;
	(pc) =	sbr.rel @p1 .LBB2_4-.Ltmp2, $4  }
0xd9: {  	[spmem:s3] =	stream.indirect.scatter.add.f32 [tilespmem:s16], [sflag:$0x2], $0x80, s24, s20, $0xb8;
	[tilespmem:$0x1F800] =	vst v63  }
0xda: {  	_ =	swait.ge [sflag:s17], $0x4000  }
0xdb: {  	[sflag:s17] =	ssyncset.done $0x0  }
0xdc: {  	[sflag:s17] =	ssyncadd.s32 $0xFFFFC000  }
0xdd: {  	[bflag:$0x0] =	sbarrier.arrive $0xFFFF;
	s23 =	simm.s32 @p0 $0x1FC2  }
0xde: {  	[hbm:s14], [sflag:s23] =	dma.local @p0 [spmem:s22], $0x1900  }
0xdf: {  	s23 =	simm.s32 @p0 $0x2  }
0xe0: {  	s4 =	sadd.s32 $0x1, s4;
	_ =	swait.ge @p0 [sflag:s23], $0x1900  }
0xe1: {  	s24 =	sshll.u32 @!p0 s1, $0x6;
	p1 =	sne.s32 s4, s15;
	[sflag:s23] =	ssyncset.done @p0 $0x0  }
0xe2: {  	[sflag:s23] =	ssyncadd.s32 @p0 $0xFFFFE700;
	s23 =	sor.u32 @!p0 $0x1C02, s24;
	s24 =	sshrl.u32 @!p0 s5, $0x3  }
0xe3: {  	[hbm:s13], [sflag:s23] =	dma.local @!p0 [spmem:s24], $0x2800  }
.Ltmp3:
0xe4: {  	_ = 	snop;
	(pc) =	sbr.rel @p1 .LBB2_1-.Ltmp3, $4  }
0xe5: {  	s23 =	simm.s32 @!p0 $0x2  }
0xe6: {  	_ =	swait.ge @!p0 [sflag:s23], $0x2800  }
0xe7: {  	[sflag:s23] =	ssyncset.done @!p0 $0x0  }
0xe8: {  	[sflag:s23] =	ssyncadd.s32 @!p0 $0xFFFFD800  }
0xe9: {  	_ =	sfence.sel $0x180000  }
0xea: {  	[bflag:$0x0] =	sbarrier.arrive $0xFFFF  }
0xeb: {  	p0 =	sne.s32 s1, $0x0;
	_ =	strace $0x90000047  }
0xec: {  	s0 =	sadd.s32 @!p0 $0x100000, s2;
	[bflag:$0x2] =	sbarrier.arrive $0xFFFF  }
0xed: {  	[sflag:s0] =	ssyncadd.tile.s32 @!p0 $0x1;
	_ =	shalt  }
.Lfunc_end2:
_tile_overlayer_lowered:
.L_overlay_start_2:
0xee: {  	(tag) =	ssettag $0x2  }
0xef: {  	s0 =	rddreg [dreg:$0x0];
	s2 =	stileid.u32  }
0xf0: {  	s1 =	rddreg [dreg:$0x1];
	p0 =	sne.s32 s2, $0x0  }
0xf1: {  	s3 =	rddreg [dreg:$0x2];
	[bflag:$0x3] =	sbarrier.arrive $0xFFFF;
	s2 =	simm.s32 @!p0 $0x1C02  }
0xf2: {  	[timem:s3], [sflag:s2] =	dma.local @!p0 [hbm:s0], s1  }
0xf3: {  	s0 =	simm.s32 @!p0 $0x2  }
0xf4: {  	_ =	swait.ge @!p0 [sflag:s0], s1  }
0xf5: {  	s1 =	ssub.s32 @!p0 $0x0, s1;
	[sflag:s0] =	ssyncset.done @!p0 $0x0  }
0xf6: {  	[sflag:s0] =	ssyncadd.s32 @!p0 s1  }
0xf7: {  	[bflag:$0x3] =	sbarrier.arrive $0xFFFF  }
0xf8: {  	_ =	shalt  }

</sc_bundles>
